<compile_context>
chip_gen: v7x
topology: tpu7x:2x2x1
jax: 0.10.2.dev20260603
libtpu: 0.0.44.dev20260713+nightly
codegen_flags: <defaults>
</compile_context>

<pallas_src>
import functools

import jax
import jax.numpy as jnp
from jax import lax
from jax.experimental import pallas as pl
from jax.experimental.pallas import tpu as pltpu
from jax.experimental.pallas import tpu_sc as plsc

N_NODES = 10000
N_EDGES = 320000
N_LAYERS = 3
CHANNELS = 128

NC = 2
NS = 16
NW = NC * NS
EPW = N_EDGES // NW
CHUNK = 125
CPW = EPW // CHUNK
WIN = 8
NPAD = 10240
NPS = NPAD // NS


def _sc_body(x_hbm, el_hbm, out_hbm,
             win_sa, win_da, win_sb, win_db, rows_a, rows_b, acc,
             sem_a, sem_b, sem_wa, sem_wb):
    c = lax.axis_index("c")
    s = lax.axis_index("s")
    wid = c * NS + s

    def refill(win_s, win_d, w, sem):
        pltpu.async_copy(el_hbm.at[0, wid, pl.ds(w * WIN, WIN)], win_s, sem)
        pltpu.async_copy(el_hbm.at[1, wid, pl.ds(w * WIN, WIN)], win_d, sem)

    def wait_refill(win_s, win_d, w, sem):
        pltpu.make_async_copy(el_hbm.at[0, wid, pl.ds(w * WIN, WIN)],
                              win_s, sem).wait()
        pltpu.make_async_copy(el_hbm.at[1, wid, pl.ds(w * WIN, WIN)],
                              win_d, sem).wait()

    def rows_of(i):
        return (rows_a, sem_a) if i % 2 == 0 else (rows_b, sem_b)

    zv = jnp.zeros((16,), jnp.float32)

    def zrow(i, carry):
        for g in range(CHANNELS // 16):
            rows_a[i, pl.ds(g * 16, 16)] = zv
        return carry

    lax.fori_loop(0, 64, zrow, 0)
    for r in range(NPS // 64):
        pltpu.sync_copy(rows_a.at[pl.ds(0, 64)],
                        acc.at[pl.ds(s * NPS + r * 64, 64)])
    pltpu.sync_copy(el_hbm.at[0, wid, pl.ds(0, WIN)], win_sa)
    pltpu.sync_copy(el_hbm.at[1, wid, pl.ds(0, WIN)], win_da)
    pltpu.async_copy(x_hbm.at[win_sa.at[0]], rows_a, sem_a)
    plsc.subcore_barrier()

    def step(t, base, last):
        cw_s, cw_d = (win_sa, win_da) if t < 8 else (win_sb, win_db)
        if t == 7:
            wait_refill(win_sb, win_db, base // WIN + 1, sem_wb)
        if not last:
            if t == 15:
                wait_refill(win_sa, win_da, base // WIN + 2, sem_wa)
        if not (last and t == 15):
            nw_s = win_sa if ((t + 1) % 16) < 8 else win_sb
            nrows, nsem = rows_of(t + 1)
            pltpu.async_copy(x_hbm.at[nw_s.at[(t + 1) % 8]], nrows, nsem)
        if t == 8 and not last:
            refill(win_sa, win_da, base // WIN + 2, sem_wa)
        rows, sem = rows_of(t)
        pltpu.make_async_copy(x_hbm.at[cw_s.at[t % 8]], rows, sem).wait()
        pltpu.sync_copy(rows, acc.at[cw_d.at[t % 8]], add=True)

    def superstep(sidx, carry):
        base = 2 * WIN * sidx
        refill(win_sb, win_db, base // WIN + 1, sem_wb)
        for t in range(16):
            step(t, base, last=False)
        return carry

    n_super = CPW // (2 * WIN)
    lax.fori_loop(0, n_super - 1, superstep, 0)
    final_base = 2 * WIN * (n_super - 1)
    refill(win_sb, win_db, final_base // WIN + 1, sem_wb)
    for t in range(16):
        step(t, final_base, last=True)

    plsc.subcore_barrier()
    pltpu.sync_copy(acc.at[pl.ds(s * NPS, NPS)],
                    out_hbm.at[c, pl.ds(s * NPS, NPS)])


def _make_sc_segment_sum():
    mesh = plsc.VectorSubcoreMesh(core_axis_name="c", subcore_axis_name="s",
                                  num_cores=NC, num_subcores=NS)
    return jax.jit(pl.kernel(
        _sc_body,
        out_type=jax.ShapeDtypeStruct((NC, NPAD, CHANNELS), jnp.float32),
        mesh=mesh,
        scratch_types=[
            pltpu.VMEM((WIN, CHUNK), jnp.int32),
            pltpu.VMEM((WIN, CHUNK), jnp.int32),
            pltpu.VMEM((WIN, CHUNK), jnp.int32),
            pltpu.VMEM((WIN, CHUNK), jnp.int32),
            pltpu.VMEM((CHUNK, CHANNELS), jnp.float32),
            pltpu.VMEM((CHUNK, CHANNELS), jnp.float32),
            pltpu.VMEM_SHARED((NPAD, CHANNELS), jnp.float32),
            pltpu.SemaphoreType.DMA,
            pltpu.SemaphoreType.DMA,
            pltpu.SemaphoreType.DMA,
            pltpu.SemaphoreType.DMA,
        ],
    ))


_sc_segment_sum = _make_sc_segment_sum()


BM = 2000


def _tc_mid_body(x_ref, a_ref, wr_ref, wn_ref, b_ref, o_ref):
    a = a_ref[0] + a_ref[1]
    y = jnp.dot(x_ref[...], wr_ref[...], preferred_element_type=jnp.float32)
    y = y + jnp.dot(a, wn_ref[...], preferred_element_type=jnp.float32)
    y = y + b_ref[...]
    o_ref[...] = jnp.where(y >= 0, y, 0.01 * y)


def _tc_final_body(x_ref, a_ref, wr_ref, wn_ref, b_ref, wo_ref, bo_ref, o_ref):
    a = a_ref[0] + a_ref[1]
    y = jnp.dot(x_ref[...], wr_ref[...], preferred_element_type=jnp.float32)
    y = y + jnp.dot(a, wn_ref[...], preferred_element_type=jnp.float32)
    y = y + b_ref[...]
    o_ref[...] = (jnp.dot(y, wo_ref[...], preferred_element_type=jnp.float32)
                  + bo_ref[...])


_row_spec = pl.BlockSpec((BM, CHANNELS), lambda i: (i, 0))
_agg_spec = pl.BlockSpec((NC, BM, CHANNELS), lambda i: (0, i, 0))
_w_spec = pl.BlockSpec((CHANNELS, CHANNELS), lambda i: (0, 0))
_b_spec = pl.BlockSpec((1, CHANNELS), lambda i: (0, 0))


@jax.jit
def _tc_mid(x, agg, wr, wn, bb):
    return pl.pallas_call(
        _tc_mid_body,
        grid=(N_NODES // BM,),
        in_specs=[_row_spec, _agg_spec, _w_spec, _w_spec, _b_spec],
        out_specs=_row_spec,
        out_shape=jax.ShapeDtypeStruct((N_NODES, CHANNELS), jnp.float32),
    )(x, agg, wr, wn, bb)


@jax.jit
def _tc_final(x, agg, wr, wn, bb, wo, bo):
    return pl.pallas_call(
        _tc_final_body,
        grid=(N_NODES // BM,),
        in_specs=[_row_spec, _agg_spec, _w_spec, _w_spec, _b_spec,
                  _w_spec, _b_spec],
        out_specs=_row_spec,
        out_shape=jax.ShapeDtypeStruct((N_NODES, CHANNELS), jnp.float32),
    )(x, agg, wr, wn, bb, wo, bo)


def kernel(z, edge_list, W_root, W_nei, b, W_out, b_out):
    el = edge_list.astype(jnp.int32)
    el_l = [el[lidx].reshape(2, NW, CPW, CHUNK) for lidx in range(N_LAYERS)]
    x = z
    for i in range(N_LAYERS):
        lidx = N_LAYERS - 1 - i
        agg = _sc_segment_sum(x, el_l[lidx])
        if i < N_LAYERS - 1:
            x = _tc_mid(x, agg, W_root[i], W_nei[i], b[i].reshape(1, CHANNELS))
        else:
            x = _tc_final(x, agg, W_root[i], W_nei[i], b[i].reshape(1, CHANNELS),
                          W_out, b_out.reshape(1, CHANNELS))
    return x

# --- scband reference (transcript-rebuilt; emitter-appended) ---
"""Pipeline reference for scband-decoder-31104153157726 (READ-ONLY COPY).

The authoritative reference and input builder live on the scoring server;
editing this copy changes nothing except your own understanding.
"""

import jax, jax.numpy as jnp
import numpy as np

N = 10000
E = 320000
DEPTH = 3
CH = 128

def setup_inputs(seed: int = 0):
    key = jax.random.key(seed)
    ks = jax.random.split(key, 8)
    z = jax.random.normal(ks[0], (N, CH), dtype=jnp.float32)
    edge_list = jax.random.randint(ks[1], (DEPTH, 2, E), 0, N)
    W_root = jax.random.normal(ks[2], (DEPTH, CH, CH), dtype=jnp.float32) * 0.05
    W_nei = jax.random.normal(ks[3], (DEPTH, CH, CH), dtype=jnp.float32) * 0.05
    b = jnp.zeros((DEPTH, CH), dtype=jnp.float32)
    W_out = jax.random.normal(ks[4], (CH, CH), dtype=jnp.float32) * 0.05
    b_out = jnp.zeros((CH,), dtype=jnp.float32)
    return {"z": z, "edge_list": edge_list, "W_root": W_root, "W_nei": W_nei, "b": b, "W_out": W_out, "b_out": b_out}

def _conv(x, edge_index, Wr, Wn, bb):
    # GraphConv-style layer: root transform + sum-aggregated neighbor transform
    src = edge_index[0]
    dst = edge_index[1]
    msgs = x[src]                                   # gather (SparseCore)
    agg = jax.ops.segment_sum(msgs, dst, num_segments=N)  # scatter-add
    return x @ Wr + agg @ Wn + bb

def reference(z, edge_list, W_root, W_nei, b, W_out, b_out):
    x = z
    for i in range(DEPTH):
        idx = DEPTH - i - 1
        x = _conv(x, edge_list[idx], W_root[i], W_nei[i], b[i])
        if i < DEPTH - 1:
            x = jax.nn.leaky_relu(x, negative_slope=0.01)
    # hidden_to_out Linear
    return x @ W_out + b_out

if __name__ == "__main__":
    import jax
    _d = setup_inputs()
    print(jax.jit(kernel)(*tuple(_d.values())))

</pallas_src>

<mosaic_0001>
#map = affine_map<(d0, d1) -> (0, 0)>
#map1 = affine_map<(d0, d1) -> (0, 0, 0, 0)>
#map2 = affine_map<(d0, d1) -> (0, 0, 0)>
module attributes {stable_mosaic.version = 14 : i64} {
  func.func @_sc_body(%arg0: i32, %arg1: i32, %arg2: memref<10000x128xf32, #tpu.memory_space<hbm>>, %arg3: memref<2x32x80x125xi32, #tpu.memory_space<hbm>>, %arg4: memref<2x10240x128xf32, #tpu.memory_space<hbm>>, %arg5: memref<8x125xi32, #tpu.memory_space<vmem>>, %arg6: memref<8x125xi32, #tpu.memory_space<vmem>>, %arg7: memref<8x125xi32, #tpu.memory_space<vmem>>, %arg8: memref<8x125xi32, #tpu.memory_space<vmem>>, %arg9: memref<125x128xf32, #tpu.memory_space<vmem>>, %arg10: memref<125x128xf32, #tpu.memory_space<vmem>>, %arg11: memref<10240x128xf32, #tpu.memory_space<vmem_shared>>, %arg12: memref<!tpu.dma_semaphore, #tpu.memory_space<semaphore_mem>>, %arg13: memref<!tpu.dma_semaphore, #tpu.memory_space<semaphore_mem>>, %arg14: memref<!tpu.dma_semaphore, #tpu.memory_space<semaphore_mem>>, %arg15: memref<!tpu.dma_semaphore, #tpu.memory_space<semaphore_mem>>) attributes {dimension_semantics = [#tpu.dimension_semantics<core_parallel>, #tpu.dimension_semantics<subcore_parallel>], iteration_bounds = array<i64: 2, 16>, scalar_prefetch = 0 : i64, scratch_operands = 11 : i64, tpu.core_type = #tpu.core_type<sc_vector_subcore>, window_params = [{transform_indices = #map}, {transform_indices = #map1}, {transform_indices = #map2}]} {
    %mul3A = arith.constant 16 : i32
    %mul3A_0 = arith.muli %arg0, %mul3A : i32
    %add3A = arith.addi %mul3A_0, %arg1 : i32
    %broadcast_in_dim3A = arith.constant 0.000000e+00 : f32
    %broadcast_in_dim3A_1 = vector.broadcast %broadcast_in_dim3A : f32 to vector<16xf32>
    %scan3A = arith.constant 0 : i32
    %scan3A_2 = arith.constant 0 : i32
    %scan3A_3 = arith.constant 64 : i32
    %scan3A_4 = arith.addi %scan3A_2, %scan3A_3 : i32
    %scan3A_5 = arith.constant 1 : i32
    scf.for %scan3A_333 = %scan3A_2 to %scan3A_4 step %scan3A_5  : i32 {
      %swap3A = arith.index_cast %scan3A_333 : i32 to index
      %swap3A_334 = arith.constant 0 : index
      %swap3A_335 = tpu.vector_load %arg9[%swap3A, %swap3A_334] {strides = array<i32>} : memref<125x128xf32, #tpu.memory_space<vmem>>, vector<1x16xf32>,
      %swap3A_336 = vector.shape_cast %swap3A_335 : vector<1x16xf32> to vector<16xf32>
      %swap3A_337 = vector.shape_cast %broadcast_in_dim3A_1 : vector<16xf32> to vector<1x16xf32>
      tpu.vector_store %arg9[%swap3A, %swap3A_334], %swap3A_337 {strides = array<i32>} : memref<125x128xf32, #tpu.memory_space<vmem>>, vector<1x16xf32>,
      %swap3A_338 = arith.index_cast %scan3A_333 : i32 to index
      %swap3A_339 = arith.constant 16 : index
      %swap3A_340 = tpu.vector_load %arg9[%swap3A_338, %swap3A_339] {strides = array<i32>} : memref<125x128xf32, #tpu.memory_space<vmem>>, vector<1x16xf32>,
      %swap3A_341 = vector.shape_cast %swap3A_340 : vector<1x16xf32> to vector<16xf32>
      %swap3A_342 = vector.shape_cast %broadcast_in_dim3A_1 : vector<16xf32> to vector<1x16xf32>
      tpu.vector_store %arg9[%swap3A_338, %swap3A_339], %swap3A_342 {strides = array<i32>} : memref<125x128xf32, #tpu.memory_space<vmem>>, vector<1x16xf32>,
      %swap3A_343 = arith.index_cast %scan3A_333 : i32 to index
      %swap3A_344 = arith.constant 32 : index
      %swap3A_345 = tpu.vector_load %arg9[%swap3A_343, %swap3A_344] {strides = array<i32>} : memref<125x128xf32, #tpu.memory_space<vmem>>, vector<1x16xf32>,
      %swap3A_346 = vector.shape_cast %swap3A_345 : vector<1x16xf32> to vector<16xf32>
      %swap3A_347 = vector.shape_cast %broadcast_in_dim3A_1 : vector<16xf32> to vector<1x16xf32>
      tpu.vector_store %arg9[%swap3A_343, %swap3A_344], %swap3A_347 {strides = array<i32>} : memref<125x128xf32, #tpu.memory_space<vmem>>, vector<1x16xf32>,
      %swap3A_348 = arith.index_cast %scan3A_333 : i32 to index
      %swap3A_349 = arith.constant 48 : index
      %swap3A_350 = tpu.vector_load %arg9[%swap3A_348, %swap3A_349] {strides = array<i32>} : memref<125x128xf32, #tpu.memory_space<vmem>>, vector<1x16xf32>,
      %swap3A_351 = vector.shape_cast %swap3A_350 : vector<1x16xf32> to vector<16xf32>
      %swap3A_352 = vector.shape_cast %broadcast_in_dim3A_1 : vector<16xf32> to vector<1x16xf32>
      tpu.vector_store %arg9[%swap3A_348, %swap3A_349], %swap3A_352 {strides = array<i32>} : memref<125x128xf32, #tpu.memory_space<vmem>>, vector<1x16xf32>,
      %swap3A_353 = arith.index_cast %scan3A_333 : i32 to index
      %swap3A_354 = arith.constant 64 : index
      %swap3A_355 = tpu.vector_load %arg9[%swap3A_353, %swap3A_354] {strides = array<i32>} : memref<125x128xf32, #tpu.memory_space<vmem>>, vector<1x16xf32>,
      %swap3A_356 = vector.shape_cast %swap3A_355 : vector<1x16xf32> to vector<16xf32>
      %swap3A_357 = vector.shape_cast %broadcast_in_dim3A_1 : vector<16xf32> to vector<1x16xf32>
      tpu.vector_store %arg9[%swap3A_353, %swap3A_354], %swap3A_357 {strides = array<i32>} : memref<125x128xf32, #tpu.memory_space<vmem>>, vector<1x16xf32>,
      %swap3A_358 = arith.index_cast %scan3A_333 : i32 to index
      %swap3A_359 = arith.constant 80 : index
      %swap3A_360 = tpu.vector_load %arg9[%swap3A_358, %swap3A_359] {strides = array<i32>} : memref<125x128xf32, #tpu.memory_space<vmem>>, vector<1x16xf32>,
      %swap3A_361 = vector.shape_cast %swap3A_360 : vector<1x16xf32> to vector<16xf32>
      %swap3A_362 = vector.shape_cast %broadcast_in_dim3A_1 : vector<16xf32> to vector<1x16xf32>
      tpu.vector_store %arg9[%swap3A_358, %swap3A_359], %swap3A_362 {strides = array<i32>} : memref<125x128xf32, #tpu.memory_space<vmem>>, vector<1x16xf32>,
      %swap3A_363 = arith.index_cast %scan3A_333 : i32 to index
      %swap3A_364 = arith.constant 96 : index
      %swap3A_365 = tpu.vector_load %arg9[%swap3A_363, %swap3A_364] {strides = array<i32>} : memref<125x128xf32, #tpu.memory_space<vmem>>, vector<1x16xf32>,
      %swap3A_366 = vector.shape_cast %swap3A_365 : vector<1x16xf32> to vector<16xf32>
      %swap3A_367 = vector.shape_cast %broadcast_in_dim3A_1 : vector<16xf32> to vector<1x16xf32>
      tpu.vector_store %arg9[%swap3A_363, %swap3A_364], %swap3A_367 {strides = array<i32>} : memref<125x128xf32, #tpu.memory_space<vmem>>, vector<1x16xf32>,
      %swap3A_368 = arith.index_cast %scan3A_333 : i32 to index
      %swap3A_369 = arith.constant 112 : index
      %swap3A_370 = tpu.vector_load %arg9[%swap3A_368, %swap3A_369] {strides = array<i32>} : memref<125x128xf32, #tpu.memory_space<vmem>>, vector<1x16xf32>,
      %swap3A_371 = vector.shape_cast %swap3A_370 : vector<1x16xf32> to vector<16xf32>
      %swap3A_372 = vector.shape_cast %broadcast_in_dim3A_1 : vector<16xf32> to vector<1x16xf32>
      tpu.vector_store %arg9[%swap3A_368, %swap3A_369], %swap3A_372 {strides = array<i32>} : memref<125x128xf32, #tpu.memory_space<vmem>>, vector<1x16xf32>,
    }
    %scan3A_6 = arith.constant 64 : i32
    %mul3A_7 = arith.constant 640 : i32
    %mul3A_8 = arith.muli %arg1, %mul3A_7 : i32
    %add3A_9 = arith.constant 0 : i32
    %add3A_10 = arith.addi %mul3A_8, %add3A_9 : i32
    "tpu.region"() ({
      %run_scoped3A_333 = tpu.sem_alloc : memref<!tpu.dma_semaphore, #tpu.memory_space<semaphore_mem>>
      %dma_start3A_334 = arith.constant 0 : i32
      %dma_start3A_335 = arith.constant 0 : i32
      %dma_start3A_336 = tpu.memref_slice %arg9[%dma_start3A_334, %dma_start3A_335] : memref<125x128xf32, #tpu.memory_space<vmem>> -> memref<64x128xf32, #tpu.memory_space<vmem>>
      %dma_start3A_337 = arith.constant 0 : i32
      %dma_start3A_338 = tpu.memref_slice %arg11[%add3A_10, %dma_start3A_337] : memref<10240x128xf32, #tpu.memory_space<vmem_shared>> -> memref<64x128xf32, #tpu.memory_space<vmem_shared>>
      %dma_start3A_339 = arith.constant 0 : i32
      %dma_start3A_340 = tpu.memref_slice %arg11[%add3A_10, %dma_start3A_339] : memref<10240x128xf32, #tpu.memory_space<vmem_shared>> -> memref<64x128xf32, #tpu.memory_space<vmem_shared>>
      %dma_start3A_341 = arith.constant 0 : i32
      %dma_start3A_342 = arith.constant 0 : i32
      %dma_start3A_343 = tpu.memref_slice %arg9[%dma_start3A_341, %dma_start3A_342] : memref<125x128xf32, #tpu.memory_space<vmem>> -> memref<64x128xf32, #tpu.memory_space<vmem>>
      tpu.enqueue_dma source(%dma_start3A_343 : memref<64x128xf32, #tpu.memory_space<vmem>>) target(%dma_start3A_340 : memref<64x128xf32, #tpu.memory_space<vmem_shared>>) target_semaphore(%run_scoped3A_333 : memref<!tpu.dma_semaphore, #tpu.memory_space<semaphore_mem>>)
      %dma_wait3A_344 = arith.constant 0 : i32
      %dma_wait3A_345 = arith.constant 0 : i32
      %dma_wait3A_346 = tpu.memref_slice %arg9[%dma_wait3A_344, %dma_wait3A_345] : memref<125x128xf32, #tpu.memory_space<vmem>> -> memref<64x128xf32, #tpu.memory_space<vmem>>
      %dma_wait3A_347 = arith.constant 0 : i32
      %dma_wait3A_348 = tpu.memref_slice %arg11[%add3A_10, %dma_wait3A_347] : memref<10240x128xf32, #tpu.memory_space<vmem_shared>> -> memref<64x128xf32, #tpu.memory_space<vmem_shared>>
      %dma_wait3A_349 = arith.constant 0 : i32
      %dma_wait3A_350 = tpu.memref_slice %arg11[%add3A_10, %dma_wait3A_349] : memref<10240x128xf32, #tpu.memory_space<vmem_shared>> -> memref<64x128xf32, #tpu.memory_space<vmem_shared>>
      %dma_wait3A_351 = arith.constant 0 : i32
      %dma_wait3A_352 = arith.constant 0 : i32
      %dma_wait3A_353 = tpu.memref_slice %arg9[%dma_wait3A_351, %dma_wait3A_352] : memref<125x128xf32, #tpu.memory_space<vmem>> -> memref<64x128xf32, #tpu.memory_space<vmem>>
      tpu.wait_dma2 semaphore(%run_scoped3A_333 : memref<!tpu.dma_semaphore, #tpu.memory_space<semaphore_mem>>) src(%dma_wait3A_353 : memref<64x128xf32, #tpu.memory_space<vmem>>) dst(%dma_wait3A_350 : memref<64x128xf32, #tpu.memory_space<vmem_shared>>)
      tpu.yield
    }) : () -> ()
    %mul3A_11 = arith.constant 640 : i32
    %mul3A_12 = arith.muli %arg1, %mul3A_11 : i32
    %add3A_13 = arith.constant 64 : i32
    %add3A_14 = arith.addi %mul3A_12, %add3A_13 : i32
    "tpu.region"() ({
      %run_scoped3A_333 = tpu.sem_alloc : memref<!tpu.dma_semaphore, #tpu.memory_space<semaphore_mem>>
      %dma_start3A_334 = arith.constant 0 : i32
      %dma_start3A_335 = arith.constant 0 : i32
      %dma_start3A_336 = tpu.memref_slice %arg9[%dma_start3A_334, %dma_start3A_335] : memref<125x128xf32, #tpu.memory_space<vmem>> -> memref<64x128xf32, #tpu.memory_space<vmem>>
      %dma_start3A_337 = arith.constant 0 : i32
      %dma_start3A_338 = tpu.memref_slice %arg11[%add3A_14, %dma_start3A_337] : memref<10240x128xf32, #tpu.memory_space<vmem_shared>> -> memref<64x128xf32, #tpu.memory_space<vmem_shared>>
      %dma_start3A_339 = arith.constant 0 : i32
      %dma_start3A_340 = tpu.memref_slice %arg11[%add3A_14, %dma_start3A_339] : memref<10240x128xf32, #tpu.memory_space<vmem_shared>> -> memref<64x128xf32, #tpu.memory_space<vmem_shared>>
      %dma_start3A_341 = arith.constant 0 : i32
      %dma_start3A_342 = arith.constant 0 : i32
      %dma_start3A_343 = tpu.memref_slice %arg9[%dma_start3A_341, %dma_start3A_342] : memref<125x128xf32, #tpu.memory_space<vmem>> -> memref<64x128xf32, #tpu.memory_space<vmem>>
      tpu.enqueue_dma source(%dma_start3A_343 : memref<64x128xf32, #tpu.memory_space<vmem>>) target(%dma_start3A_340 : memref<64x128xf32, #tpu.memory_space<vmem_shared>>) target_semaphore(%run_scoped3A_333 : memref<!tpu.dma_semaphore, #tpu.memory_space<semaphore_mem>>)
      %dma_wait3A_344 = arith.constant 0 : i32
      %dma_wait3A_345 = arith.constant 0 : i32
      %dma_wait3A_346 = tpu.memref_slice %arg9[%dma_wait3A_344, %dma_wait3A_345] : memref<125x128xf32, #tpu.memory_space<vmem>> -> memref<64x128xf32, #tpu.memory_space<vmem>>
      %dma_wait3A_347 = arith.constant 0 : i32
      %dma_wait3A_348 = tpu.memref_slice %arg11[%add3A_14, %dma_wait3A_347] : memref<10240x128xf32, #tpu.memory_space<vmem_shared>> -> memref<64x128xf32, #tpu.memory_space<vmem_shared>>
      %dma_wait3A_349 = arith.constant 0 : i32
      %dma_wait3A_350 = tpu.memref_slice %arg11[%add3A_14, %dma_wait3A_349] : memref<10240x128xf32, #tpu.memory_space<vmem_shared>> -> memref<64x128xf32, #tpu.memory_space<vmem_shared>>
      %dma_wait3A_351 = arith.constant 0 : i32
      %dma_wait3A_352 = arith.constant 0 : i32
      %dma_wait3A_353 = tpu.memref_slice %arg9[%dma_wait3A_351, %dma_wait3A_352] : memref<125x128xf32, #tpu.memory_space<vmem>> -> memref<64x128xf32, #tpu.memory_space<vmem>>
      tpu.wait_dma2 semaphore(%run_scoped3A_333 : memref<!tpu.dma_semaphore, #tpu.memory_space<semaphore_mem>>) src(%dma_wait3A_353 : memref<64x128xf32, #tpu.memory_space<vmem>>) dst(%dma_wait3A_350 : memref<64x128xf32, #tpu.memory_space<vmem_shared>>)
      tpu.yield
    }) : () -> ()
    %mul3A_15 = arith.constant 640 : i32
    %mul3A_16 = arith.muli %arg1, %mul3A_15 : i32
    %add3A_17 = arith.constant 128 : i32
    %add3A_18 = arith.addi %mul3A_16, %add3A_17 : i32
    "tpu.region"() ({
      %run_scoped3A_333 = tpu.sem_alloc : memref<!tpu.dma_semaphore, #tpu.memory_space<semaphore_mem>>
      %dma_start3A_334 = arith.constant 0 : i32
      %dma_start3A_335 = arith.constant 0 : i32
      %dma_start3A_336 = tpu.memref_slice %arg9[%dma_start3A_334, %dma_start3A_335] : memref<125x128xf32, #tpu.memory_space<vmem>> -> memref<64x128xf32, #tpu.memory_space<vmem>>
      %dma_start3A_337 = arith.constant 0 : i32
      %dma_start3A_338 = tpu.memref_slice %arg11[%add3A_18, %dma_start3A_337] : memref<10240x128xf32, #tpu.memory_space<vmem_shared>> -> memref<64x128xf32, #tpu.memory_space<vmem_shared>>
      %dma_start3A_339 = arith.constant 0 : i32
      %dma_start3A_340 = tpu.memref_slice %arg11[%add3A_18, %dma_start3A_339] : memref<10240x128xf32, #tpu.memory_space<vmem_shared>> -> memref<64x128xf32, #tpu.memory_space<vmem_shared>>
      %dma_start3A_341 = arith.constant 0 : i32
      %dma_start3A_342 = arith.constant 0 : i32
      %dma_start3A_343 = tpu.memref_slice %arg9[%dma_start3A_341, %dma_start3A_342] : memref<125x128xf32, #tpu.memory_space<vmem>> -> memref<64x128xf32, #tpu.memory_space<vmem>>
      tpu.enqueue_dma source(%dma_start3A_343 : memref<64x128xf32, #tpu.memory_space<vmem>>) target(%dma_start3A_340 : memref<64x128xf32, #tpu.memory_space<vmem_shared>>) target_semaphore(%run_scoped3A_333 : memref<!tpu.dma_semaphore, #tpu.memory_space<semaphore_mem>>)
      %dma_wait3A_344 = arith.constant 0 : i32
      %dma_wait3A_345 = arith.constant 0 : i32
      %dma_wait3A_346 = tpu.memref_slice %arg9[%dma_wait3A_344, %dma_wait3A_345] : memref<125x128xf32, #tpu.memory_space<vmem>> -> memref<64x128xf32, #tpu.memory_space<vmem>>
      %dma_wait3A_347 = arith.constant 0 : i32
      %dma_wait3A_348 = tpu.memref_slice %arg11[%add3A_18, %dma_wait3A_347] : memref<10240x128xf32, #tpu.memory_space<vmem_shared>> -> memref<64x128xf32, #tpu.memory_space<vmem_shared>>
      %dma_wait3A_349 = arith.constant 0 : i32
      %dma_wait3A_350 = tpu.memref_slice %arg11[%add3A_18, %dma_wait3A_349] : memref<10240x128xf32, #tpu.memory_space<vmem_shared>> -> memref<64x128xf32, #tpu.memory_space<vmem_shared>>
      %dma_wait3A_351 = arith.constant 0 : i32
      %dma_wait3A_352 = arith.constant 0 : i32
      %dma_wait3A_353 = tpu.memref_slice %arg9[%dma_wait3A_351, %dma_wait3A_352] : memref<125x128xf32, #tpu.memory_space<vmem>> -> memref<64x128xf32, #tpu.memory_space<vmem>>
      tpu.wait_dma2 semaphore(%run_scoped3A_333 : memref<!tpu.dma_semaphore, #tpu.memory_space<semaphore_mem>>) src(%dma_wait3A_353 : memref<64x128xf32, #tpu.memory_space<vmem>>) dst(%dma_wait3A_350 : memref<64x128xf32, #tpu.memory_space<vmem_shared>>)
      tpu.yield
    }) : () -> ()
    %mul3A_19 = arith.constant 640 : i32
    %mul3A_20 = arith.muli %arg1, %mul3A_19 : i32
    %add3A_21 = arith.constant 192 : i32
    %add3A_22 = arith.addi %mul3A_20, %add3A_21 : i32
    "tpu.region"() ({
      %run_scoped3A_333 = tpu.sem_alloc : memref<!tpu.dma_semaphore, #tpu.memory_space<semaphore_mem>>
      %dma_start3A_334 = arith.constant 0 : i32
      %dma_start3A_335 = arith.constant 0 : i32
      %dma_start3A_336 = tpu.memref_slice %arg9[%dma_start3A_334, %dma_start3A_335] : memref<125x128xf32, #tpu.memory_space<vmem>> -> memref<64x128xf32, #tpu.memory_space<vmem>>
      %dma_start3A_337 = arith.constant 0 : i32
      %dma_start3A_338 = tpu.memref_slice %arg11[%add3A_22, %dma_start3A_337] : memref<10240x128xf32, #tpu.memory_space<vmem_shared>> -> memref<64x128xf32, #tpu.memory_space<vmem_shared>>
      %dma_start3A_339 = arith.constant 0 : i32
      %dma_start3A_340 = tpu.memref_slice %arg11[%add3A_22, %dma_start3A_339] : memref<10240x128xf32, #tpu.memory_space<vmem_shared>> -> memref<64x128xf32, #tpu.memory_space<vmem_shared>>
      %dma_start3A_341 = arith.constant 0 : i32
      %dma_start3A_342 = arith.constant 0 : i32
      %dma_start3A_343 = tpu.memref_slice %arg9[%dma_start3A_341, %dma_start3A_342] : memref<125x128xf32, #tpu.memory_space<vmem>> -> memref<64x128xf32, #tpu.memory_space<vmem>>
      tpu.enqueue_dma source(%dma_start3A_343 : memref<64x128xf32, #tpu.memory_space<vmem>>) target(%dma_start3A_340 : memref<64x128xf32, #tpu.memory_space<vmem_shared>>) target_semaphore(%run_scoped3A_333 : memref<!tpu.dma_semaphore, #tpu.memory_space<semaphore_mem>>)
      %dma_wait3A_344 = arith.constant 0 : i32
      %dma_wait3A_345 = arith.constant 0 : i32
      %dma_wait3A_346 = tpu.memref_slice %arg9[%dma_wait3A_344, %dma_wait3A_345] : memref<125x128xf32, #tpu.memory_space<vmem>> -> memref<64x128xf32, #tpu.memory_space<vmem>>
      %dma_wait3A_347 = arith.constant 0 : i32
      %dma_wait3A_348 = tpu.memref_slice %arg11[%add3A_22, %dma_wait3A_347] : memref<10240x128xf32, #tpu.memory_space<vmem_shared>> -> memref<64x128xf32, #tpu.memory_space<vmem_shared>>
      %dma_wait3A_349 = arith.constant 0 : i32
      %dma_wait3A_350 = tpu.memref_slice %arg11[%add3A_22, %dma_wait3A_349] : memref<10240x128xf32, #tpu.memory_space<vmem_shared>> -> memref<64x128xf32, #tpu.memory_space<vmem_shared>>
      %dma_wait3A_351 = arith.constant 0 : i32
      %dma_wait3A_352 = arith.constant 0 : i32
      %dma_wait3A_353 = tpu.memref_slice %arg9[%dma_wait3A_351, %dma_wait3A_352] : memref<125x128xf32, #tpu.memory_space<vmem>> -> memref<64x128xf32, #tpu.memory_space<vmem>>
      tpu.wait_dma2 semaphore(%run_scoped3A_333 : memref<!tpu.dma_semaphore, #tpu.memory_space<semaphore_mem>>) src(%dma_wait3A_353 : memref<64x128xf32, #tpu.memory_space<vmem>>) dst(%dma_wait3A_350 : memref<64x128xf32, #tpu.memory_space<vmem_shared>>)
      tpu.yield
    }) : () -> ()
    %mul3A_23 = arith.constant 640 : i32
    %mul3A_24 = arith.muli %arg1, %mul3A_23 : i32
    %add3A_25 = arith.constant 256 : i32
    %add3A_26 = arith.addi %mul3A_24, %add3A_25 : i32
    "tpu.region"() ({
      %run_scoped3A_333 = tpu.sem_alloc : memref<!tpu.dma_semaphore, #tpu.memory_space<semaphore_mem>>
      %dma_start3A_334 = arith.constant 0 : i32
      %dma_start3A_335 = arith.constant 0 : i32
      %dma_start3A_336 = tpu.memref_slice %arg9[%dma_start3A_334, %dma_start3A_335] : memref<125x128xf32, #tpu.memory_space<vmem>> -> memref<64x128xf32, #tpu.memory_space<vmem>>
      %dma_start3A_337 = arith.constant 0 : i32
      %dma_start3A_338 = tpu.memref_slice %arg11[%add3A_26, %dma_start3A_337] : memref<10240x128xf32, #tpu.memory_space<vmem_shared>> -> memref<64x128xf32, #tpu.memory_space<vmem_shared>>
      %dma_start3A_339 = arith.constant 0 : i32
      %dma_start3A_340 = tpu.memref_slice %arg11[%add3A_26, %dma_start3A_339] : memref<10240x128xf32, #tpu.memory_space<vmem_shared>> -> memref<64x128xf32, #tpu.memory_space<vmem_shared>>
      %dma_start3A_341 = arith.constant 0 : i32
      %dma_start3A_342 = arith.constant 0 : i32
      %dma_start3A_343 = tpu.memref_slice %arg9[%dma_start3A_341, %dma_start3A_342] : memref<125x128xf32, #tpu.memory_space<vmem>> -> memref<64x128xf32, #tpu.memory_space<vmem>>
      tpu.enqueue_dma source(%dma_start3A_343 : memref<64x128xf32, #tpu.memory_space<vmem>>) target(%dma_start3A_340 : memref<64x128xf32, #tpu.memory_space<vmem_shared>>) target_semaphore(%run_scoped3A_333 : memref<!tpu.dma_semaphore, #tpu.memory_space<semaphore_mem>>)
      %dma_wait3A_344 = arith.constant 0 : i32
      %dma_wait3A_345 = arith.constant 0 : i32
      %dma_wait3A_346 = tpu.memref_slice %arg9[%dma_wait3A_344, %dma_wait3A_345] : memref<125x128xf32, #tpu.memory_space<vmem>> -> memref<64x128xf32, #tpu.memory_space<vmem>>
      %dma_wait3A_347 = arith.constant 0 : i32
      %dma_wait3A_348 = tpu.memref_slice %arg11[%add3A_26, %dma_wait3A_347] : memref<10240x128xf32, #tpu.memory_space<vmem_shared>> -> memref<64x128xf32, #tpu.memory_space<vmem_shared>>
      %dma_wait3A_349 = arith.constant 0 : i32
      %dma_wait3A_350 = tpu.memref_slice %arg11[%add3A_26, %dma_wait3A_349] : memref<10240x128xf32, #tpu.memory_space<vmem_shared>> -> memref<64x128xf32, #tpu.memory_space<vmem_shared>>
      %dma_wait3A_351 = arith.constant 0 : i32
      %dma_wait3A_352 = arith.constant 0 : i32
      %dma_wait3A_353 = tpu.memref_slice %arg9[%dma_wait3A_351, %dma_wait3A_352] : memref<125x128xf32, #tpu.memory_space<vmem>> -> memref<64x128xf32, #tpu.memory_space<vmem>>
      tpu.wait_dma2 semaphore(%run_scoped3A_333 : memref<!tpu.dma_semaphore, #tpu.memory_space<semaphore_mem>>) src(%dma_wait3A_353 : memref<64x128xf32, #tpu.memory_space<vmem>>) dst(%dma_wait3A_350 : memref<64x128xf32, #tpu.memory_space<vmem_shared>>)
      tpu.yield
    }) : () -> ()
    %mul3A_27 = arith.constant 640 : i32
    %mul3A_28 = arith.muli %arg1, %mul3A_27 : i32
    %add3A_29 = arith.constant 320 : i32
    %add3A_30 = arith.addi %mul3A_28, %add3A_29 : i32
    "tpu.region"() ({
      %run_scoped3A_333 = tpu.sem_alloc : memref<!tpu.dma_semaphore, #tpu.memory_space<semaphore_mem>>
      %dma_start3A_334 = arith.constant 0 : i32
      %dma_start3A_335 = arith.constant 0 : i32
      %dma_start3A_336 = tpu.memref_slice %arg9[%dma_start3A_334, %dma_start3A_335] : memref<125x128xf32, #tpu.memory_space<vmem>> -> memref<64x128xf32, #tpu.memory_space<vmem>>
      %dma_start3A_337 = arith.constant 0 : i32
      %dma_start3A_338 = tpu.memref_slice %arg11[%add3A_30, %dma_start3A_337] : memref<10240x128xf32, #tpu.memory_space<vmem_shared>> -> memref<64x128xf32, #tpu.memory_space<vmem_shared>>
      %dma_start3A_339 = arith.constant 0 : i32
      %dma_start3A_340 = tpu.memref_slice %arg11[%add3A_30, %dma_start3A_339] : memref<10240x128xf32, #tpu.memory_space<vmem_shared>> -> memref<64x128xf32, #tpu.memory_space<vmem_shared>>
      %dma_start3A_341 = arith.constant 0 : i32
      %dma_start3A_342 = arith.constant 0 : i32
      %dma_start3A_343 = tpu.memref_slice %arg9[%dma_start3A_341, %dma_start3A_342] : memref<125x128xf32, #tpu.memory_space<vmem>> -> memref<64x128xf32, #tpu.memory_space<vmem>>
      tpu.enqueue_dma source(%dma_start3A_343 : memref<64x128xf32, #tpu.memory_space<vmem>>) target(%dma_start3A_340 : memref<64x128xf32, #tpu.memory_space<vmem_shared>>) target_semaphore(%run_scoped3A_333 : memref<!tpu.dma_semaphore, #tpu.memory_space<semaphore_mem>>)
      %dma_wait3A_344 = arith.constant 0 : i32
      %dma_wait3A_345 = arith.constant 0 : i32
      %dma_wait3A_346 = tpu.memref_slice %arg9[%dma_wait3A_344, %dma_wait3A_345] : memref<125x128xf32, #tpu.memory_space<vmem>> -> memref<64x128xf32, #tpu.memory_space<vmem>>
      %dma_wait3A_347 = arith.constant 0 : i32
      %dma_wait3A_348 = tpu.memref_slice %arg11[%add3A_30, %dma_wait3A_347] : memref<10240x128xf32, #tpu.memory_space<vmem_shared>> -> memref<64x128xf32, #tpu.memory_space<vmem_shared>>
      %dma_wait3A_349 = arith.constant 0 : i32
      %dma_wait3A_350 = tpu.memref_slice %arg11[%add3A_30, %dma_wait3A_349] : memref<10240x128xf32, #tpu.memory_space<vmem_shared>> -> memref<64x128xf32, #tpu.memory_space<vmem_shared>>
      %dma_wait3A_351 = arith.constant 0 : i32
      %dma_wait3A_352 = arith.constant 0 : i32
      %dma_wait3A_353 = tpu.memref_slice %arg9[%dma_wait3A_351, %dma_wait3A_352] : memref<125x128xf32, #tpu.memory_space<vmem>> -> memref<64x128xf32, #tpu.memory_space<vmem>>
      tpu.wait_dma2 semaphore(%run_scoped3A_333 : memref<!tpu.dma_semaphore, #tpu.memory_space<semaphore_mem>>) src(%dma_wait3A_353 : memref<64x128xf32, #tpu.memory_space<vmem>>) dst(%dma_wait3A_350 : memref<64x128xf32, #tpu.memory_space<vmem_shared>>)
      tpu.yield
    }) : () -> ()
    %mul3A_31 = arith.constant 640 : i32
    %mul3A_32 = arith.muli %arg1, %mul3A_31 : i32
    %add3A_33 = arith.constant 384 : i32
    %add3A_34 = arith.addi %mul3A_32, %add3A_33 : i32
    "tpu.region"() ({
      %run_scoped3A_333 = tpu.sem_alloc : memref<!tpu.dma_semaphore, #tpu.memory_space<semaphore_mem>>
      %dma_start3A_334 = arith.constant 0 : i32
      %dma_start3A_335 = arith.constant 0 : i32
      %dma_start3A_336 = tpu.memref_slice %arg9[%dma_start3A_334, %dma_start3A_335] : memref<125x128xf32, #tpu.memory_space<vmem>> -> memref<64x128xf32, #tpu.memory_space<vmem>>
      %dma_start3A_337 = arith.constant 0 : i32
      %dma_start3A_338 = tpu.memref_slice %arg11[%add3A_34, %dma_start3A_337] : memref<10240x128xf32, #tpu.memory_space<vmem_shared>> -> memref<64x128xf32, #tpu.memory_space<vmem_shared>>
      %dma_start3A_339 = arith.constant 0 : i32
      %dma_start3A_340 = tpu.memref_slice %arg11[%add3A_34, %dma_start3A_339] : memref<10240x128xf32, #tpu.memory_space<vmem_shared>> -> memref<64x128xf32, #tpu.memory_space<vmem_shared>>
      %dma_start3A_341 = arith.constant 0 : i32
      %dma_start3A_342 = arith.constant 0 : i32
      %dma_start3A_343 = tpu.memref_slice %arg9[%dma_start3A_341, %dma_start3A_342] : memref<125x128xf32, #tpu.memory_space<vmem>> -> memref<64x128xf32, #tpu.memory_space<vmem>>
      tpu.enqueue_dma source(%dma_start3A_343 : memref<64x128xf32, #tpu.memory_space<vmem>>) target(%dma_start3A_340 : memref<64x128xf32, #tpu.memory_space<vmem_shared>>) target_semaphore(%run_scoped3A_333 : memref<!tpu.dma_semaphore, #tpu.memory_space<semaphore_mem>>)
      %dma_wait3A_344 = arith.constant 0 : i32
      %dma_wait3A_345 = arith.constant 0 : i32
      %dma_wait3A_346 = tpu.memref_slice %arg9[%dma_wait3A_344, %dma_wait3A_345] : memref<125x128xf32, #tpu.memory_space<vmem>> -> memref<64x128xf32, #tpu.memory_space<vmem>>
      %dma_wait3A_347 = arith.constant 0 : i32
      %dma_wait3A_348 = tpu.memref_slice %arg11[%add3A_34, %dma_wait3A_347] : memref<10240x128xf32, #tpu.memory_space<vmem_shared>> -> memref<64x128xf32, #tpu.memory_space<vmem_shared>>
      %dma_wait3A_349 = arith.constant 0 : i32
      %dma_wait3A_350 = tpu.memref_slice %arg11[%add3A_34, %dma_wait3A_349] : memref<10240x128xf32, #tpu.memory_space<vmem_shared>> -> memref<64x128xf32, #tpu.memory_space<vmem_shared>>
      %dma_wait3A_351 = arith.constant 0 : i32
      %dma_wait3A_352 = arith.constant 0 : i32
      %dma_wait3A_353 = tpu.memref_slice %arg9[%dma_wait3A_351, %dma_wait3A_352] : memref<125x128xf32, #tpu.memory_space<vmem>> -> memref<64x128xf32, #tpu.memory_space<vmem>>
      tpu.wait_dma2 semaphore(%run_scoped3A_333 : memref<!tpu.dma_semaphore, #tpu.memory_space<semaphore_mem>>) src(%dma_wait3A_353 : memref<64x128xf32, #tpu.memory_space<vmem>>) dst(%dma_wait3A_350 : memref<64x128xf32, #tpu.memory_space<vmem_shared>>)
      tpu.yield
    }) : () -> ()
    %mul3A_35 = arith.constant 640 : i32
    %mul3A_36 = arith.muli %arg1, %mul3A_35 : i32
    %add3A_37 = arith.constant 448 : i32
    %add3A_38 = arith.addi %mul3A_36, %add3A_37 : i32
    "tpu.region"() ({
      %run_scoped3A_333 = tpu.sem_alloc : memref<!tpu.dma_semaphore, #tpu.memory_space<semaphore_mem>>
      %dma_start3A_334 = arith.constant 0 : i32
      %dma_start3A_335 = arith.constant 0 : i32
      %dma_start3A_336 = tpu.memref_slice %arg9[%dma_start3A_334, %dma_start3A_335] : memref<125x128xf32, #tpu.memory_space<vmem>> -> memref<64x128xf32, #tpu.memory_space<vmem>>
      %dma_start3A_337 = arith.constant 0 : i32
      %dma_start3A_338 = tpu.memref_slice %arg11[%add3A_38, %dma_start3A_337] : memref<10240x128xf32, #tpu.memory_space<vmem_shared>> -> memref<64x128xf32, #tpu.memory_space<vmem_shared>>
      %dma_start3A_339 = arith.constant 0 : i32
      %dma_start3A_340 = tpu.memref_slice %arg11[%add3A_38, %dma_start3A_339] : memref<10240x128xf32, #tpu.memory_space<vmem_shared>> -> memref<64x128xf32, #tpu.memory_space<vmem_shared>>
      %dma_start3A_341 = arith.constant 0 : i32
      %dma_start3A_342 = arith.constant 0 : i32
      %dma_start3A_343 = tpu.memref_slice %arg9[%dma_start3A_341, %dma_start3A_342] : memref<125x128xf32, #tpu.memory_space<vmem>> -> memref<64x128xf32, #tpu.memory_space<vmem>>
      tpu.enqueue_dma source(%dma_start3A_343 : memref<64x128xf32, #tpu.memory_space<vmem>>) target(%dma_start3A_340 : memref<64x128xf32, #tpu.memory_space<vmem_shared>>) target_semaphore(%run_scoped3A_333 : memref<!tpu.dma_semaphore, #tpu.memory_space<semaphore_mem>>)
      %dma_wait3A_344 = arith.constant 0 : i32
      %dma_wait3A_345 = arith.constant 0 : i32
      %dma_wait3A_346 = tpu.memref_slice %arg9[%dma_wait3A_344, %dma_wait3A_345] : memref<125x128xf32, #tpu.memory_space<vmem>> -> memref<64x128xf32, #tpu.memory_space<vmem>>
      %dma_wait3A_347 = arith.constant 0 : i32
      %dma_wait3A_348 = tpu.memref_slice %arg11[%add3A_38, %dma_wait3A_347] : memref<10240x128xf32, #tpu.memory_space<vmem_shared>> -> memref<64x128xf32, #tpu.memory_space<vmem_shared>>
      %dma_wait3A_349 = arith.constant 0 : i32
      %dma_wait3A_350 = tpu.memref_slice %arg11[%add3A_38, %dma_wait3A_349] : memref<10240x128xf32, #tpu.memory_space<vmem_shared>> -> memref<64x128xf32, #tpu.memory_space<vmem_shared>>
      %dma_wait3A_351 = arith.constant 0 : i32
      %dma_wait3A_352 = arith.constant 0 : i32
      %dma_wait3A_353 = tpu.memref_slice %arg9[%dma_wait3A_351, %dma_wait3A_352] : memref<125x128xf32, #tpu.memory_space<vmem>> -> memref<64x128xf32, #tpu.memory_space<vmem>>
      tpu.wait_dma2 semaphore(%run_scoped3A_333 : memref<!tpu.dma_semaphore, #tpu.memory_space<semaphore_mem>>) src(%dma_wait3A_353 : memref<64x128xf32, #tpu.memory_space<vmem>>) dst(%dma_wait3A_350 : memref<64x128xf32, #tpu.memory_space<vmem_shared>>)
      tpu.yield
    }) : () -> ()
    %mul3A_39 = arith.constant 640 : i32
    %mul3A_40 = arith.muli %arg1, %mul3A_39 : i32
    %add3A_41 = arith.constant 512 : i32
    %add3A_42 = arith.addi %mul3A_40, %add3A_41 : i32
    "tpu.region"() ({
      %run_scoped3A_333 = tpu.sem_alloc : memref<!tpu.dma_semaphore, #tpu.memory_space<semaphore_mem>>
      %dma_start3A_334 = arith.constant 0 : i32
      %dma_start3A_335 = arith.constant 0 : i32
      %dma_start3A_336 = tpu.memref_slice %arg9[%dma_start3A_334, %dma_start3A_335] : memref<125x128xf32, #tpu.memory_space<vmem>> -> memref<64x128xf32, #tpu.memory_space<vmem>>
      %dma_start3A_337 = arith.constant 0 : i32
      %dma_start3A_338 = tpu.memref_slice %arg11[%add3A_42, %dma_start3A_337] : memref<10240x128xf32, #tpu.memory_space<vmem_shared>> -> memref<64x128xf32, #tpu.memory_space<vmem_shared>>
      %dma_start3A_339 = arith.constant 0 : i32
      %dma_start3A_340 = tpu.memref_slice %arg11[%add3A_42, %dma_start3A_339] : memref<10240x128xf32, #tpu.memory_space<vmem_shared>> -> memref<64x128xf32, #tpu.memory_space<vmem_shared>>
      %dma_start3A_341 = arith.constant 0 : i32
      %dma_start3A_342 = arith.constant 0 : i32
      %dma_start3A_343 = tpu.memref_slice %arg9[%dma_start3A_341, %dma_start3A_342] : memref<125x128xf32, #tpu.memory_space<vmem>> -> memref<64x128xf32, #tpu.memory_space<vmem>>
      tpu.enqueue_dma source(%dma_start3A_343 : memref<64x128xf32, #tpu.memory_space<vmem>>) target(%dma_start3A_340 : memref<64x128xf32, #tpu.memory_space<vmem_shared>>) target_semaphore(%run_scoped3A_333 : memref<!tpu.dma_semaphore, #tpu.memory_space<semaphore_mem>>)
      %dma_wait3A_344 = arith.constant 0 : i32
      %dma_wait3A_345 = arith.constant 0 : i32
      %dma_wait3A_346 = tpu.memref_slice %arg9[%dma_wait3A_344, %dma_wait3A_345] : memref<125x128xf32, #tpu.memory_space<vmem>> -> memref<64x128xf32, #tpu.memory_space<vmem>>
      %dma_wait3A_347 = arith.constant 0 : i32
      %dma_wait3A_348 = tpu.memref_slice %arg11[%add3A_42, %dma_wait3A_347] : memref<10240x128xf32, #tpu.memory_space<vmem_shared>> -> memref<64x128xf32, #tpu.memory_space<vmem_shared>>
      %dma_wait3A_349 = arith.constant 0 : i32
      %dma_wait3A_350 = tpu.memref_slice %arg11[%add3A_42, %dma_wait3A_349] : memref<10240x128xf32, #tpu.memory_space<vmem_shared>> -> memref<64x128xf32, #tpu.memory_space<vmem_shared>>
      %dma_wait3A_351 = arith.constant 0 : i32
      %dma_wait3A_352 = arith.constant 0 : i32
      %dma_wait3A_353 = tpu.memref_slice %arg9[%dma_wait3A_351, %dma_wait3A_352] : memref<125x128xf32, #tpu.memory_space<vmem>> -> memref<64x128xf32, #tpu.memory_space<vmem>>
      tpu.wait_dma2 semaphore(%run_scoped3A_333 : memref<!tpu.dma_semaphore, #tpu.memory_space<semaphore_mem>>) src(%dma_wait3A_353 : memref<64x128xf32, #tpu.memory_space<vmem>>) dst(%dma_wait3A_350 : memref<64x128xf32, #tpu.memory_space<vmem_shared>>)
      tpu.yield
    }) : () -> ()
    %mul3A_43 = arith.constant 640 : i32
    %mul3A_44 = arith.muli %arg1, %mul3A_43 : i32
    %add3A_45 = arith.constant 576 : i32
    %add3A_46 = arith.addi %mul3A_44, %add3A_45 : i32
    "tpu.region"() ({
      %run_scoped3A_333 = tpu.sem_alloc : memref<!tpu.dma_semaphore, #tpu.memory_space<semaphore_mem>>
      %dma_start3A_334 = arith.constant 0 : i32
      %dma_start3A_335 = arith.constant 0 : i32
      %dma_start3A_336 = tpu.memref_slice %arg9[%dma_start3A_334, %dma_start3A_335] : memref<125x128xf32, #tpu.memory_space<vmem>> -> memref<64x128xf32, #tpu.memory_space<vmem>>
      %dma_start3A_337 = arith.constant 0 : i32
      %dma_start3A_338 = tpu.memref_slice %arg11[%add3A_46, %dma_start3A_337] : memref<10240x128xf32, #tpu.memory_space<vmem_shared>> -> memref<64x128xf32, #tpu.memory_space<vmem_shared>>
      %dma_start3A_339 = arith.constant 0 : i32
      %dma_start3A_340 = tpu.memref_slice %arg11[%add3A_46, %dma_start3A_339] : memref<10240x128xf32, #tpu.memory_space<vmem_shared>> -> memref<64x128xf32, #tpu.memory_space<vmem_shared>>
      %dma_start3A_341 = arith.constant 0 : i32
      %dma_start3A_342 = arith.constant 0 : i32
      %dma_start3A_343 = tpu.memref_slice %arg9[%dma_start3A_341, %dma_start3A_342] : memref<125x128xf32, #tpu.memory_space<vmem>> -> memref<64x128xf32, #tpu.memory_space<vmem>>
      tpu.enqueue_dma source(%dma_start3A_343 : memref<64x128xf32, #tpu.memory_space<vmem>>) target(%dma_start3A_340 : memref<64x128xf32, #tpu.memory_space<vmem_shared>>) target_semaphore(%run_scoped3A_333 : memref<!tpu.dma_semaphore, #tpu.memory_space<semaphore_mem>>)
      %dma_wait3A_344 = arith.constant 0 : i32
      %dma_wait3A_345 = arith.constant 0 : i32
      %dma_wait3A_346 = tpu.memref_slice %arg9[%dma_wait3A_344, %dma_wait3A_345] : memref<125x128xf32, #tpu.memory_space<vmem>> -> memref<64x128xf32, #tpu.memory_space<vmem>>
      %dma_wait3A_347 = arith.constant 0 : i32
      %dma_wait3A_348 = tpu.memref_slice %arg11[%add3A_46, %dma_wait3A_347] : memref<10240x128xf32, #tpu.memory_space<vmem_shared>> -> memref<64x128xf32, #tpu.memory_space<vmem_shared>>
      %dma_wait3A_349 = arith.constant 0 : i32
      %dma_wait3A_350 = tpu.memref_slice %arg11[%add3A_46, %dma_wait3A_349] : memref<10240x128xf32, #tpu.memory_space<vmem_shared>> -> memref<64x128xf32, #tpu.memory_space<vmem_shared>>
      %dma_wait3A_351 = arith.constant 0 : i32
      %dma_wait3A_352 = arith.constant 0 : i32
      %dma_wait3A_353 = tpu.memref_slice %arg9[%dma_wait3A_351, %dma_wait3A_352] : memref<125x128xf32, #tpu.memory_space<vmem>> -> memref<64x128xf32, #tpu.memory_space<vmem>>
      tpu.wait_dma2 semaphore(%run_scoped3A_333 : memref<!tpu.dma_semaphore, #tpu.memory_space<semaphore_mem>>) src(%dma_wait3A_353 : memref<64x128xf32, #tpu.memory_space<vmem>>) dst(%dma_wait3A_350 : memref<64x128xf32, #tpu.memory_space<vmem_shared>>)
      tpu.yield
    }) : () -> ()
    %run_scoped3A = arith.constant 0 : i32
    "tpu.region"() ({
      %run_scoped3A_333 = tpu.sem_alloc : memref<!tpu.dma_semaphore, #tpu.memory_space<semaphore_mem>>
      %dma_start3A_334 = arith.constant 0 : i32
      %dma_start3A_335 = arith.constant 0 : i32
      %dma_start3A_336 = tpu.memref_slice %arg3[%run_scoped3A, %add3A, %dma_start3A_334, %dma_start3A_335] : memref<2x32x80x125xi32, #tpu.memory_space<hbm>> -> memref<1x1x8x125xi32, #tpu.memory_space<hbm>>
      %dma_start3A_337 = tpu.memref_squeeze %dma_start3A_336 : memref<1x1x8x125xi32, #tpu.memory_space<hbm>> -> memref<8x125xi32, #tpu.memory_space<hbm>>
      %dma_start3A_338 = arith.constant 0 : i32
      %dma_start3A_339 = arith.constant 0 : i32
      %dma_start3A_340 = tpu.memref_slice %arg3[%run_scoped3A, %add3A, %dma_start3A_338, %dma_start3A_339] : memref<2x32x80x125xi32, #tpu.memory_space<hbm>> -> memref<1x1x8x125xi32, #tpu.memory_space<hbm>>
      %dma_start3A_341 = tpu.memref_squeeze %dma_start3A_340 : memref<1x1x8x125xi32, #tpu.memory_space<hbm>> -> memref<8x125xi32, #tpu.memory_space<hbm>>
      tpu.enqueue_dma source(%dma_start3A_341 : memref<8x125xi32, #tpu.memory_space<hbm>>) target(%arg5 : memref<8x125xi32, #tpu.memory_space<vmem>>) target_semaphore(%run_scoped3A_333 : memref<!tpu.dma_semaphore, #tpu.memory_space<semaphore_mem>>)
      %dma_wait3A_342 = arith.constant 0 : i32
      %dma_wait3A_343 = arith.constant 0 : i32
      %dma_wait3A_344 = tpu.memref_slice %arg3[%run_scoped3A, %add3A, %dma_wait3A_342, %dma_wait3A_343] : memref<2x32x80x125xi32, #tpu.memory_space<hbm>> -> memref<1x1x8x125xi32, #tpu.memory_space<hbm>>
      %dma_wait3A_345 = tpu.memref_squeeze %dma_wait3A_344 : memref<1x1x8x125xi32, #tpu.memory_space<hbm>> -> memref<8x125xi32, #tpu.memory_space<hbm>>
      %dma_wait3A_346 = arith.constant 0 : i32
      %dma_wait3A_347 = arith.constant 0 : i32
      %dma_wait3A_348 = tpu.memref_slice %arg3[%run_scoped3A, %add3A, %dma_wait3A_346, %dma_wait3A_347] : memref<2x32x80x125xi32, #tpu.memory_space<hbm>> -> memref<1x1x8x125xi32, #tpu.memory_space<hbm>>
      %dma_wait3A_349 = tpu.memref_squeeze %dma_wait3A_348 : memref<1x1x8x125xi32, #tpu.memory_space<hbm>> -> memref<8x125xi32, #tpu.memory_space<hbm>>
      tpu.wait_dma2 semaphore(%run_scoped3A_333 : memref<!tpu.dma_semaphore, #tpu.memory_space<semaphore_mem>>) src(%dma_wait3A_349 : memref<8x125xi32, #tpu.memory_space<hbm>>) dst(%arg5 : memref<8x125xi32, #tpu.memory_space<vmem>>)
      tpu.yield
    }) : () -> ()
    %run_scoped3A_47 = arith.constant 1 : i32
    "tpu.region"() ({
      %run_scoped3A_333 = tpu.sem_alloc : memref<!tpu.dma_semaphore, #tpu.memory_space<semaphore_mem>>
      %dma_start3A_334 = arith.constant 0 : i32
      %dma_start3A_335 = arith.constant 0 : i32
      %dma_start3A_336 = tpu.memref_slice %arg3[%run_scoped3A_47, %add3A, %dma_start3A_334, %dma_start3A_335] : memref<2x32x80x125xi32, #tpu.memory_space<hbm>> -> memref<1x1x8x125xi32, #tpu.memory_space<hbm>>
      %dma_start3A_337 = tpu.memref_squeeze %dma_start3A_336 : memref<1x1x8x125xi32, #tpu.memory_space<hbm>> -> memref<8x125xi32, #tpu.memory_space<hbm>>
      %dma_start3A_338 = arith.constant 0 : i32
      %dma_start3A_339 = arith.constant 0 : i32
      %dma_start3A_340 = tpu.memref_slice %arg3[%run_scoped3A_47, %add3A, %dma_start3A_338, %dma_start3A_339] : memref<2x32x80x125xi32, #tpu.memory_space<hbm>> -> memref<1x1x8x125xi32, #tpu.memory_space<hbm>>
      %dma_start3A_341 = tpu.memref_squeeze %dma_start3A_340 : memref<1x1x8x125xi32, #tpu.memory_space<hbm>> -> memref<8x125xi32, #tpu.memory_space<hbm>>
      tpu.enqueue_dma source(%dma_start3A_341 : memref<8x125xi32, #tpu.memory_space<hbm>>) target(%arg6 : memref<8x125xi32, #tpu.memory_space<vmem>>) target_semaphore(%run_scoped3A_333 : memref<!tpu.dma_semaphore, #tpu.memory_space<semaphore_mem>>)
      %dma_wait3A_342 = arith.constant 0 : i32
      %dma_wait3A_343 = arith.constant 0 : i32
      %dma_wait3A_344 = tpu.memref_slice %arg3[%run_scoped3A_47, %add3A, %dma_wait3A_342, %dma_wait3A_343] : memref<2x32x80x125xi32, #tpu.memory_space<hbm>> -> memref<1x1x8x125xi32, #tpu.memory_space<hbm>>
      %dma_wait3A_345 = tpu.memref_squeeze %dma_wait3A_344 : memref<1x1x8x125xi32, #tpu.memory_space<hbm>> -> memref<8x125xi32, #tpu.memory_space<hbm>>
      %dma_wait3A_346 = arith.constant 0 : i32
      %dma_wait3A_347 = arith.constant 0 : i32
      %dma_wait3A_348 = tpu.memref_slice %arg3[%run_scoped3A_47, %add3A, %dma_wait3A_346, %dma_wait3A_347] : memref<2x32x80x125xi32, #tpu.memory_space<hbm>> -> memref<1x1x8x125xi32, #tpu.memory_space<hbm>>
      %dma_wait3A_349 = tpu.memref_squeeze %dma_wait3A_348 : memref<1x1x8x125xi32, #tpu.memory_space<hbm>> -> memref<8x125xi32, #tpu.memory_space<hbm>>
      tpu.wait_dma2 semaphore(%run_scoped3A_333 : memref<!tpu.dma_semaphore, #tpu.memory_space<semaphore_mem>>) src(%dma_wait3A_349 : memref<8x125xi32, #tpu.memory_space<hbm>>) dst(%arg6 : memref<8x125xi32, #tpu.memory_space<vmem>>)
      tpu.yield
    }) : () -> ()
    %dma_start3A = arith.constant 0 : i32
    %dma_start3A_48 = arith.constant 0 : i32
    %dma_start3A_49 = tpu.memref_slice %arg5[%dma_start3A, %dma_start3A_48] : memref<8x125xi32, #tpu.memory_space<vmem>> -> memref<1x125xi32, #tpu.memory_space<vmem>>
    %dma_start3A_50 = tpu.memref_squeeze %dma_start3A_49 : memref<1x125xi32, #tpu.memory_space<vmem>> -> memref<125xi32, #tpu.memory_space<vmem>>
    %dma_start3A_51 = arith.constant 0 : i32
    %dma_start3A_52 = arith.constant 0 : i32
    %dma_start3A_53 = tpu.memref_slice %arg2[%dma_start3A_51, %dma_start3A_52] : memref<10000x128xf32, #tpu.memory_space<hbm>> -> memref<10000x128xf32, #tpu.memory_space<hbm>>
    tpu.enqueue_indirect_dma source(%dma_start3A_53 : memref<10000x128xf32, #tpu.memory_space<hbm>>) target(%arg9 : memref<125x128xf32, #tpu.memory_space<vmem>>) offsets(%dma_start3A_50 : memref<125xi32, #tpu.memory_space<vmem>>) semaphore(%arg12 : memref<!tpu.dma_semaphore, #tpu.memory_space<semaphore_mem>>)
    %barrier3A = arith.constant 0 : index
    tpu.barrier barrier_id(%barrier3A)
    %scan3A_54 = arith.constant 0 : i32
    %scan3A_55 = arith.constant 0 : i32
    %scan3A_56 = arith.constant 4 : i32
    %scan3A_57 = arith.addi %scan3A_55, %scan3A_56 : i32
    %scan3A_58 = arith.constant 1 : i32
    scf.for %scan3A_333 = %scan3A_55 to %scan3A_57 step %scan3A_58  : i32 {
      %mul3A_334 = arith.constant 16 : i32
      %mul3A_335 = arith.muli %mul3A_334, %scan3A_333 : i32
      %jit3A = arith.constant 8 : i32
      %div3A = arith.divsi %mul3A_335, %jit3A : i32
      %sign3A = arith.constant 0 : i32
      %sign3A_336 = arith.cmpi sgt, %mul3A_335, %sign3A : i32
      %sign3A_337 = arith.extui %sign3A_336 : i1 to i32
      %sign3A_338 = arith.constant 0 : i32
      %sign3A_339 = arith.cmpi slt, %mul3A_335, %sign3A_338 : i32
      %sign3A_340 = arith.extui %sign3A_339 : i1 to i32
      %sign3A_341 = arith.subi %sign3A_337, %sign3A_340 : i32
      %sign3A_342 = arith.constant 0 : i32
      %sign3A_343 = arith.cmpi sgt, %jit3A, %sign3A_342 : i32
      %sign3A_344 = arith.extui %sign3A_343 : i1 to i32
      %sign3A_345 = arith.constant 0 : i32
      %sign3A_346 = arith.cmpi slt, %jit3A, %sign3A_345 : i32
      %sign3A_347 = arith.extui %sign3A_346 : i1 to i32
      %sign3A_348 = arith.subi %sign3A_344, %sign3A_347 : i32
      %ne3A = arith.cmpi ne, %sign3A_341, %sign3A_348 : i32
      %rem3A = arith.remsi %mul3A_335, %jit3A : i32
      %ne3A_349 = arith.constant 0 : i32
      %ne3A_350 = arith.cmpi ne, %rem3A, %ne3A_349 : i32
      %and3A = arith.andi %ne3A, %ne3A_350 : i1
      %sub3A = arith.constant 1 : i32
      %sub3A_351 = arith.subi %div3A, %sub3A : i32
      %select_n3A = arith.select %and3A, %sub3A_351, %div3A : i32
      %add3A_352 = arith.constant 1 : i32
      %add3A_353 = arith.addi %select_n3A, %add3A_352 : i32
      %mul3A_354 = arith.constant 8 : i32
      %mul3A_355 = arith.muli %add3A_353, %mul3A_354 : i32
      %dma_start3A_356 = arith.constant 0 : i32
      %dma_start3A_357 = arith.constant 0 : i32
      %dma_start3A_358 = tpu.memref_slice %arg3[%dma_start3A_356, %add3A, %mul3A_355, %dma_start3A_357] : memref<2x32x80x125xi32, #tpu.memory_space<hbm>> -> memref<1x1x8x125xi32, #tpu.memory_space<hbm>>
      %dma_start3A_359 = tpu.memref_squeeze %dma_start3A_358 : memref<1x1x8x125xi32, #tpu.memory_space<hbm>> -> memref<8x125xi32, #tpu.memory_space<hbm>>
      %dma_start3A_360 = arith.constant 0 : i32
      %dma_start3A_361 = tpu.memref_slice %arg3[%dma_start3A_356, %add3A, %mul3A_355, %dma_start3A_360] : memref<2x32x80x125xi32, #tpu.memory_space<hbm>> -> memref<1x1x8x125xi32, #tpu.memory_space<hbm>>
      %dma_start3A_362 = tpu.memref_squeeze %dma_start3A_361 : memref<1x1x8x125xi32, #tpu.memory_space<hbm>> -> memref<8x125xi32, #tpu.memory_space<hbm>>
      tpu.enqueue_dma source(%dma_start3A_362 : memref<8x125xi32, #tpu.memory_space<hbm>>) target(%arg7 : memref<8x125xi32, #tpu.memory_space<vmem>>) target_semaphore(%arg15 : memref<!tpu.dma_semaphore, #tpu.memory_space<semaphore_mem>>)
      %mul3A_363 = arith.constant 8 : i32
      %mul3A_364 = arith.muli %add3A_353, %mul3A_363 : i32
      %dma_start3A_365 = arith.constant 1 : i32
      %dma_start3A_366 = arith.constant 0 : i32
      %dma_start3A_367 = tpu.memref_slice %arg3[%dma_start3A_365, %add3A, %mul3A_364, %dma_start3A_366] : memref<2x32x80x125xi32, #tpu.memory_space<hbm>> -> memref<1x1x8x125xi32, #tpu.memory_space<hbm>>
      %dma_start3A_368 = tpu.memref_squeeze %dma_start3A_367 : memref<1x1x8x125xi32, #tpu.memory_space<hbm>> -> memref<8x125xi32, #tpu.memory_space<hbm>>
      %dma_start3A_369 = arith.constant 0 : i32
      %dma_start3A_370 = tpu.memref_slice %arg3[%dma_start3A_365, %add3A, %mul3A_364, %dma_start3A_369] : memref<2x32x80x125xi32, #tpu.memory_space<hbm>> -> memref<1x1x8x125xi32, #tpu.memory_space<hbm>>
      %dma_start3A_371 = tpu.memref_squeeze %dma_start3A_370 : memref<1x1x8x125xi32, #tpu.memory_space<hbm>> -> memref<8x125xi32, #tpu.memory_space<hbm>>
      tpu.enqueue_dma source(%dma_start3A_371 : memref<8x125xi32, #tpu.memory_space<hbm>>) target(%arg8 : memref<8x125xi32, #tpu.memory_space<vmem>>) target_semaphore(%arg15 : memref<!tpu.dma_semaphore, #tpu.memory_space<semaphore_mem>>)
      %dma_start3A_372 = arith.constant 1 : i32
      %dma_start3A_373 = arith.constant 0 : i32
      %dma_start3A_374 = tpu.memref_slice %arg5[%dma_start3A_372, %dma_start3A_373] : memref<8x125xi32, #tpu.memory_space<vmem>> -> memref<1x125xi32, #tpu.memory_space<vmem>>
      %dma_start3A_375 = tpu.memref_squeeze %dma_start3A_374 : memref<1x125xi32, #tpu.memory_space<vmem>> -> memref<125xi32, #tpu.memory_space<vmem>>
      %dma_start3A_376 = arith.constant 0 : i32
      %dma_start3A_377 = arith.constant 0 : i32
      %dma_start3A_378 = tpu.memref_slice %arg2[%dma_start3A_376, %dma_start3A_377] : memref<10000x128xf32, #tpu.memory_space<hbm>> -> memref<10000x128xf32, #tpu.memory_space<hbm>>
      tpu.enqueue_indirect_dma source(%dma_start3A_378 : memref<10000x128xf32, #tpu.memory_space<hbm>>) target(%arg10 : memref<125x128xf32, #tpu.memory_space<vmem>>) offsets(%dma_start3A_375 : memref<125xi32, #tpu.memory_space<vmem>>) semaphore(%arg13 : memref<!tpu.dma_semaphore, #tpu.memory_space<semaphore_mem>>)
      %dma_wait3A_379 = arith.constant 0 : i32
      %dma_wait3A_380 = arith.constant 0 : i32
      %dma_wait3A_381 = tpu.memref_slice %arg5[%dma_wait3A_379, %dma_wait3A_380] : memref<8x125xi32, #tpu.memory_space<vmem>> -> memref<1x125xi32, #tpu.memory_space<vmem>>
      %dma_wait3A_382 = tpu.memref_squeeze %dma_wait3A_381 : memref<1x125xi32, #tpu.memory_space<vmem>> -> memref<125xi32, #tpu.memory_space<vmem>>
      %dma_wait3A_383 = arith.constant 0 : i32
      %dma_wait3A_384 = arith.constant 0 : i32
      %dma_wait3A_385 = tpu.memref_slice %arg2[%dma_wait3A_383, %dma_wait3A_384] : memref<10000x128xf32, #tpu.memory_space<hbm>> -> memref<10000x128xf32, #tpu.memory_space<hbm>>
      tpu.wait_indirect_dma semaphore(%arg12 : memref<!tpu.dma_semaphore, #tpu.memory_space<semaphore_mem>>) src(%dma_wait3A_385 : memref<10000x128xf32, #tpu.memory_space<hbm>>) dst(%arg9 : memref<125x128xf32, #tpu.memory_space<vmem>>)
      %run_scoped3A_386 = arith.constant 0 : i32
      "tpu.region"() ({
        %run_scoped3A_744 = tpu.sem_alloc : memref<!tpu.dma_semaphore, #tpu.memory_space<semaphore_mem>>
        %dma_start3A_745 = arith.constant 0 : i32
        %dma_start3A_746 = tpu.memref_slice %arg6[%run_scoped3A_386, %dma_start3A_745] : memref<8x125xi32, #tpu.memory_space<vmem>> -> memref<1x125xi32, #tpu.memory_space<vmem>>
        %dma_start3A_747 = tpu.memref_squeeze %dma_start3A_746 : memref<1x125xi32, #tpu.memory_space<vmem>> -> memref<125xi32, #tpu.memory_space<vmem>>
        %dma_start3A_748 = arith.constant 0 : i32
        %dma_start3A_749 = arith.constant 0 : i32
        %dma_start3A_750 = tpu.memref_slice %arg11[%dma_start3A_748, %dma_start3A_749] : memref<10240x128xf32, #tpu.memory_space<vmem_shared>> -> memref<10240x128xf32, #tpu.memory_space<vmem_shared>>
        tpu.enqueue_indirect_dma source(%arg9 : memref<125x128xf32, #tpu.memory_space<vmem>>) target(%dma_start3A_750 : memref<10240x128xf32, #tpu.memory_space<vmem_shared>>) offsets(%dma_start3A_747 : memref<125xi32, #tpu.memory_space<vmem>>) semaphore(%run_scoped3A_744 : memref<!tpu.dma_semaphore, #tpu.memory_space<semaphore_mem>>) {add = true}
        %dma_wait3A_751 = arith.constant 0 : i32
        %dma_wait3A_752 = tpu.memref_slice %arg6[%run_scoped3A_386, %dma_wait3A_751] : memref<8x125xi32, #tpu.memory_space<vmem>> -> memref<1x125xi32, #tpu.memory_space<vmem>>
        %dma_wait3A_753 = tpu.memref_squeeze %dma_wait3A_752 : memref<1x125xi32, #tpu.memory_space<vmem>> -> memref<125xi32, #tpu.memory_space<vmem>>
        %dma_wait3A_754 = arith.constant 0 : i32
        %dma_wait3A_755 = arith.constant 0 : i32
        %dma_wait3A_756 = tpu.memref_slice %arg11[%dma_wait3A_754, %dma_wait3A_755] : memref<10240x128xf32, #tpu.memory_space<vmem_shared>> -> memref<10240x128xf32, #tpu.memory_space<vmem_shared>>
        tpu.wait_indirect_dma semaphore(%run_scoped3A_744 : memref<!tpu.dma_semaphore, #tpu.memory_space<semaphore_mem>>) src(%arg9 : memref<125x128xf32, #tpu.memory_space<vmem>>) dst(%dma_wait3A_756 : memref<10240x128xf32, #tpu.memory_space<vmem_shared>>)
        tpu.yield
      }) : () -> ()
      %dma_start3A_387 = arith.constant 2 : i32
      %dma_start3A_388 = arith.constant 0 : i32
      %dma_start3A_389 = tpu.memref_slice %arg5[%dma_start3A_387, %dma_start3A_388] : memref<8x125xi32, #tpu.memory_space<vmem>> -> memref<1x125xi32, #tpu.memory_space<vmem>>
      %dma_start3A_390 = tpu.memref_squeeze %dma_start3A_389 : memref<1x125xi32, #tpu.memory_space<vmem>> -> memref<125xi32, #tpu.memory_space<vmem>>
      %dma_start3A_391 = arith.constant 0 : i32
      %dma_start3A_392 = arith.constant 0 : i32
      %dma_start3A_393 = tpu.memref_slice %arg2[%dma_start3A_391, %dma_start3A_392] : memref<10000x128xf32, #tpu.memory_space<hbm>> -> memref<10000x128xf32, #tpu.memory_space<hbm>>
      tpu.enqueue_indirect_dma source(%dma_start3A_393 : memref<10000x128xf32, #tpu.memory_space<hbm>>) target(%arg9 : memref<125x128xf32, #tpu.memory_space<vmem>>) offsets(%dma_start3A_390 : memref<125xi32, #tpu.memory_space<vmem>>) semaphore(%arg12 : memref<!tpu.dma_semaphore, #tpu.memory_space<semaphore_mem>>)
      %dma_wait3A_394 = arith.constant 1 : i32
      %dma_wait3A_395 = arith.constant 0 : i32
      %dma_wait3A_396 = tpu.memref_slice %arg5[%dma_wait3A_394, %dma_wait3A_395] : memref<8x125xi32, #tpu.memory_space<vmem>> -> memref<1x125xi32, #tpu.memory_space<vmem>>
      %dma_wait3A_397 = tpu.memref_squeeze %dma_wait3A_396 : memref<1x125xi32, #tpu.memory_space<vmem>> -> memref<125xi32, #tpu.memory_space<vmem>>
      %dma_wait3A_398 = arith.constant 0 : i32
      %dma_wait3A_399 = arith.constant 0 : i32
      %dma_wait3A_400 = tpu.memref_slice %arg2[%dma_wait3A_398, %dma_wait3A_399] : memref<10000x128xf32, #tpu.memory_space<hbm>> -> memref<10000x128xf32, #tpu.memory_space<hbm>>
      tpu.wait_indirect_dma semaphore(%arg13 : memref<!tpu.dma_semaphore, #tpu.memory_space<semaphore_mem>>) src(%dma_wait3A_400 : memref<10000x128xf32, #tpu.memory_space<hbm>>) dst(%arg10 : memref<125x128xf32, #tpu.memory_space<vmem>>)
      %run_scoped3A_401 = arith.constant 1 : i32
      "tpu.region"() ({
        %run_scoped3A_744 = tpu.sem_alloc : memref<!tpu.dma_semaphore, #tpu.memory_space<semaphore_mem>>
        %dma_start3A_745 = arith.constant 0 : i32
        %dma_start3A_746 = tpu.memref_slice %arg6[%run_scoped3A_401, %dma_start3A_745] : memref<8x125xi32, #tpu.memory_space<vmem>> -> memref<1x125xi32, #tpu.memory_space<vmem>>
        %dma_start3A_747 = tpu.memref_squeeze %dma_start3A_746 : memref<1x125xi32, #tpu.memory_space<vmem>> -> memref<125xi32, #tpu.memory_space<vmem>>
        %dma_start3A_748 = arith.constant 0 : i32
        %dma_start3A_749 = arith.constant 0 : i32
        %dma_start3A_750 = tpu.memref_slice %arg11[%dma_start3A_748, %dma_start3A_749] : memref<10240x128xf32, #tpu.memory_space<vmem_shared>> -> memref<10240x128xf32, #tpu.memory_space<vmem_shared>>
        tpu.enqueue_indirect_dma source(%arg10 : memref<125x128xf32, #tpu.memory_space<vmem>>) target(%dma_start3A_750 : memref<10240x128xf32, #tpu.memory_space<vmem_shared>>) offsets(%dma_start3A_747 : memref<125xi32, #tpu.memory_space<vmem>>) semaphore(%run_scoped3A_744 : memref<!tpu.dma_semaphore, #tpu.memory_space<semaphore_mem>>) {add = true}
        %dma_wait3A_751 = arith.constant 0 : i32
        %dma_wait3A_752 = tpu.memref_slice %arg6[%run_scoped3A_401, %dma_wait3A_751] : memref<8x125xi32, #tpu.memory_space<vmem>> -> memref<1x125xi32, #tpu.memory_space<vmem>>
        %dma_wait3A_753 = tpu.memref_squeeze %dma_wait3A_752 : memref<1x125xi32, #tpu.memory_space<vmem>> -> memref<125xi32, #tpu.memory_space<vmem>>
        %dma_wait3A_754 = arith.constant 0 : i32
        %dma_wait3A_755 = arith.constant 0 : i32
        %dma_wait3A_756 = tpu.memref_slice %arg11[%dma_wait3A_754, %dma_wait3A_755] : memref<10240x128xf32, #tpu.memory_space<vmem_shared>> -> memref<10240x128xf32, #tpu.memory_space<vmem_shared>>
        tpu.wait_indirect_dma semaphore(%run_scoped3A_744 : memref<!tpu.dma_semaphore, #tpu.memory_space<semaphore_mem>>) src(%arg10 : memref<125x128xf32, #tpu.memory_space<vmem>>) dst(%dma_wait3A_756 : memref<10240x128xf32, #tpu.memory_space<vmem_shared>>)
        tpu.yield
      }) : () -> ()
      %dma_start3A_402 = arith.constant 3 : i32
      %dma_start3A_403 = arith.constant 0 : i32
      %dma_start3A_404 = tpu.memref_slice %arg5[%dma_start3A_402, %dma_start3A_403] : memref<8x125xi32, #tpu.memory_space<vmem>> -> memref<1x125xi32, #tpu.memory_space<vmem>>
      %dma_start3A_405 = tpu.memref_squeeze %dma_start3A_404 : memref<1x125xi32, #tpu.memory_space<vmem>> -> memref<125xi32, #tpu.memory_space<vmem>>
      %dma_start3A_406 = arith.constant 0 : i32
      %dma_start3A_407 = arith.constant 0 : i32
      %dma_start3A_408 = tpu.memref_slice %arg2[%dma_start3A_406, %dma_start3A_407] : memref<10000x128xf32, #tpu.memory_space<hbm>> -> memref<10000x128xf32, #tpu.memory_space<hbm>>
      tpu.enqueue_indirect_dma source(%dma_start3A_408 : memref<10000x128xf32, #tpu.memory_space<hbm>>) target(%arg10 : memref<125x128xf32, #tpu.memory_space<vmem>>) offsets(%dma_start3A_405 : memref<125xi32, #tpu.memory_space<vmem>>) semaphore(%arg13 : memref<!tpu.dma_semaphore, #tpu.memory_space<semaphore_mem>>)
      %dma_wait3A_409 = arith.constant 2 : i32
      %dma_wait3A_410 = arith.constant 0 : i32
      %dma_wait3A_411 = tpu.memref_slice %arg5[%dma_wait3A_409, %dma_wait3A_410] : memref<8x125xi32, #tpu.memory_space<vmem>> -> memref<1x125xi32, #tpu.memory_space<vmem>>
      %dma_wait3A_412 = tpu.memref_squeeze %dma_wait3A_411 : memref<1x125xi32, #tpu.memory_space<vmem>> -> memref<125xi32, #tpu.memory_space<vmem>>
      %dma_wait3A_413 = arith.constant 0 : i32
      %dma_wait3A_414 = arith.constant 0 : i32
      %dma_wait3A_415 = tpu.memref_slice %arg2[%dma_wait3A_413, %dma_wait3A_414] : memref<10000x128xf32, #tpu.memory_space<hbm>> -> memref<10000x128xf32, #tpu.memory_space<hbm>>
      tpu.wait_indirect_dma semaphore(%arg12 : memref<!tpu.dma_semaphore, #tpu.memory_space<semaphore_mem>>) src(%dma_wait3A_415 : memref<10000x128xf32, #tpu.memory_space<hbm>>) dst(%arg9 : memref<125x128xf32, #tpu.memory_space<vmem>>)
      %run_scoped3A_416 = arith.constant 2 : i32
      "tpu.region"() ({
        %run_scoped3A_744 = tpu.sem_alloc : memref<!tpu.dma_semaphore, #tpu.memory_space<semaphore_mem>>
        %dma_start3A_745 = arith.constant 0 : i32
        %dma_start3A_746 = tpu.memref_slice %arg6[%run_scoped3A_416, %dma_start3A_745] : memref<8x125xi32, #tpu.memory_space<vmem>> -> memref<1x125xi32, #tpu.memory_space<vmem>>
        %dma_start3A_747 = tpu.memref_squeeze %dma_start3A_746 : memref<1x125xi32, #tpu.memory_space<vmem>> -> memref<125xi32, #tpu.memory_space<vmem>>
        %dma_start3A_748 = arith.constant 0 : i32
        %dma_start3A_749 = arith.constant 0 : i32
        %dma_start3A_750 = tpu.memref_slice %arg11[%dma_start3A_748, %dma_start3A_749] : memref<10240x128xf32, #tpu.memory_space<vmem_shared>> -> memref<10240x128xf32, #tpu.memory_space<vmem_shared>>
        tpu.enqueue_indirect_dma source(%arg9 : memref<125x128xf32, #tpu.memory_space<vmem>>) target(%dma_start3A_750 : memref<10240x128xf32, #tpu.memory_space<vmem_shared>>) offsets(%dma_start3A_747 : memref<125xi32, #tpu.memory_space<vmem>>) semaphore(%run_scoped3A_744 : memref<!tpu.dma_semaphore, #tpu.memory_space<semaphore_mem>>) {add = true}
        %dma_wait3A_751 = arith.constant 0 : i32
        %dma_wait3A_752 = tpu.memref_slice %arg6[%run_scoped3A_416, %dma_wait3A_751] : memref<8x125xi32, #tpu.memory_space<vmem>> -> memref<1x125xi32, #tpu.memory_space<vmem>>
        %dma_wait3A_753 = tpu.memref_squeeze %dma_wait3A_752 : memref<1x125xi32, #tpu.memory_space<vmem>> -> memref<125xi32, #tpu.memory_space<vmem>>
        %dma_wait3A_754 = arith.constant 0 : i32
        %dma_wait3A_755 = arith.constant 0 : i32
        %dma_wait3A_756 = tpu.memref_slice %arg11[%dma_wait3A_754, %dma_wait3A_755] : memref<10240x128xf32, #tpu.memory_space<vmem_shared>> -> memref<10240x128xf32, #tpu.memory_space<vmem_shared>>
        tpu.wait_indirect_dma semaphore(%run_scoped3A_744 : memref<!tpu.dma_semaphore, #tpu.memory_space<semaphore_mem>>) src(%arg9 : memref<125x128xf32, #tpu.memory_space<vmem>>) dst(%dma_wait3A_756 : memref<10240x128xf32, #tpu.memory_space<vmem_shared>>)
        tpu.yield
      }) : () -> ()
      %dma_start3A_417 = arith.constant 4 : i32
      %dma_start3A_418 = arith.constant 0 : i32
      %dma_start3A_419 = tpu.memref_slice %arg5[%dma_start3A_417, %dma_start3A_418] : memref<8x125xi32, #tpu.memory_space<vmem>> -> memref<1x125xi32, #tpu.memory_space<vmem>>
      %dma_start3A_420 = tpu.memref_squeeze %dma_start3A_419 : memref<1x125xi32, #tpu.memory_space<vmem>> -> memref<125xi32, #tpu.memory_space<vmem>>
      %dma_start3A_421 = arith.constant 0 : i32
      %dma_start3A_422 = arith.constant 0 : i32
      %dma_start3A_423 = tpu.memref_slice %arg2[%dma_start3A_421, %dma_start3A_422] : memref<10000x128xf32, #tpu.memory_space<hbm>> -> memref<10000x128xf32, #tpu.memory_space<hbm>>
      tpu.enqueue_indirect_dma source(%dma_start3A_423 : memref<10000x128xf32, #tpu.memory_space<hbm>>) target(%arg9 : memref<125x128xf32, #tpu.memory_space<vmem>>) offsets(%dma_start3A_420 : memref<125xi32, #tpu.memory_space<vmem>>) semaphore(%arg12 : memref<!tpu.dma_semaphore, #tpu.memory_space<semaphore_mem>>)
      %dma_wait3A_424 = arith.constant 3 : i32
      %dma_wait3A_425 = arith.constant 0 : i32
      %dma_wait3A_426 = tpu.memref_slice %arg5[%dma_wait3A_424, %dma_wait3A_425] : memref<8x125xi32, #tpu.memory_space<vmem>> -> memref<1x125xi32, #tpu.memory_space<vmem>>
      %dma_wait3A_427 = tpu.memref_squeeze %dma_wait3A_426 : memref<1x125xi32, #tpu.memory_space<vmem>> -> memref<125xi32, #tpu.memory_space<vmem>>
      %dma_wait3A_428 = arith.constant 0 : i32
      %dma_wait3A_429 = arith.constant 0 : i32
      %dma_wait3A_430 = tpu.memref_slice %arg2[%dma_wait3A_428, %dma_wait3A_429] : memref<10000x128xf32, #tpu.memory_space<hbm>> -> memref<10000x128xf32, #tpu.memory_space<hbm>>
      tpu.wait_indirect_dma semaphore(%arg13 : memref<!tpu.dma_semaphore, #tpu.memory_space<semaphore_mem>>) src(%dma_wait3A_430 : memref<10000x128xf32, #tpu.memory_space<hbm>>) dst(%arg10 : memref<125x128xf32, #tpu.memory_space<vmem>>)
      %run_scoped3A_431 = arith.constant 3 : i32
      "tpu.region"() ({
        %run_scoped3A_744 = tpu.sem_alloc : memref<!tpu.dma_semaphore, #tpu.memory_space<semaphore_mem>>
        %dma_start3A_745 = arith.constant 0 : i32
        %dma_start3A_746 = tpu.memref_slice %arg6[%run_scoped3A_431, %dma_start3A_745] : memref<8x125xi32, #tpu.memory_space<vmem>> -> memref<1x125xi32, #tpu.memory_space<vmem>>
        %dma_start3A_747 = tpu.memref_squeeze %dma_start3A_746 : memref<1x125xi32, #tpu.memory_space<vmem>> -> memref<125xi32, #tpu.memory_space<vmem>>
        %dma_start3A_748 = arith.constant 0 : i32
        %dma_start3A_749 = arith.constant 0 : i32
        %dma_start3A_750 = tpu.memref_slice %arg11[%dma_start3A_748, %dma_start3A_749] : memref<10240x128xf32, #tpu.memory_space<vmem_shared>> -> memref<10240x128xf32, #tpu.memory_space<vmem_shared>>
        tpu.enqueue_indirect_dma source(%arg10 : memref<125x128xf32, #tpu.memory_space<vmem>>) target(%dma_start3A_750 : memref<10240x128xf32, #tpu.memory_space<vmem_shared>>) offsets(%dma_start3A_747 : memref<125xi32, #tpu.memory_space<vmem>>) semaphore(%run_scoped3A_744 : memref<!tpu.dma_semaphore, #tpu.memory_space<semaphore_mem>>) {add = true}
        %dma_wait3A_751 = arith.constant 0 : i32
        %dma_wait3A_752 = tpu.memref_slice %arg6[%run_scoped3A_431, %dma_wait3A_751] : memref<8x125xi32, #tpu.memory_space<vmem>> -> memref<1x125xi32, #tpu.memory_space<vmem>>
        %dma_wait3A_753 = tpu.memref_squeeze %dma_wait3A_752 : memref<1x125xi32, #tpu.memory_space<vmem>> -> memref<125xi32, #tpu.memory_space<vmem>>
        %dma_wait3A_754 = arith.constant 0 : i32
        %dma_wait3A_755 = arith.constant 0 : i32
        %dma_wait3A_756 = tpu.memref_slice %arg11[%dma_wait3A_754, %dma_wait3A_755] : memref<10240x128xf32, #tpu.memory_space<vmem_shared>> -> memref<10240x128xf32, #tpu.memory_space<vmem_shared>>
        tpu.wait_indirect_dma semaphore(%run_scoped3A_744 : memref<!tpu.dma_semaphore, #tpu.memory_space<semaphore_mem>>) src(%arg10 : memref<125x128xf32, #tpu.memory_space<vmem>>) dst(%dma_wait3A_756 : memref<10240x128xf32, #tpu.memory_space<vmem_shared>>)
        tpu.yield
      }) : () -> ()
      %dma_start3A_432 = arith.constant 5 : i32
      %dma_start3A_433 = arith.constant 0 : i32
      %dma_start3A_434 = tpu.memref_slice %arg5[%dma_start3A_432, %dma_start3A_433] : memref<8x125xi32, #tpu.memory_space<vmem>> -> memref<1x125xi32, #tpu.memory_space<vmem>>
      %dma_start3A_435 = tpu.memref_squeeze %dma_start3A_434 : memref<1x125xi32, #tpu.memory_space<vmem>> -> memref<125xi32, #tpu.memory_space<vmem>>
      %dma_start3A_436 = arith.constant 0 : i32
      %dma_start3A_437 = arith.constant 0 : i32
      %dma_start3A_438 = tpu.memref_slice %arg2[%dma_start3A_436, %dma_start3A_437] : memref<10000x128xf32, #tpu.memory_space<hbm>> -> memref<10000x128xf32, #tpu.memory_space<hbm>>
      tpu.enqueue_indirect_dma source(%dma_start3A_438 : memref<10000x128xf32, #tpu.memory_space<hbm>>) target(%arg10 : memref<125x128xf32, #tpu.memory_space<vmem>>) offsets(%dma_start3A_435 : memref<125xi32, #tpu.memory_space<vmem>>) semaphore(%arg13 : memref<!tpu.dma_semaphore, #tpu.memory_space<semaphore_mem>>)
      %dma_wait3A_439 = arith.constant 4 : i32
      %dma_wait3A_440 = arith.constant 0 : i32
      %dma_wait3A_441 = tpu.memref_slice %arg5[%dma_wait3A_439, %dma_wait3A_440] : memref<8x125xi32, #tpu.memory_space<vmem>> -> memref<1x125xi32, #tpu.memory_space<vmem>>
      %dma_wait3A_442 = tpu.memref_squeeze %dma_wait3A_441 : memref<1x125xi32, #tpu.memory_space<vmem>> -> memref<125xi32, #tpu.memory_space<vmem>>
      %dma_wait3A_443 = arith.constant 0 : i32
      %dma_wait3A_444 = arith.constant 0 : i32
      %dma_wait3A_445 = tpu.memref_slice %arg2[%dma_wait3A_443, %dma_wait3A_444] : memref<10000x128xf32, #tpu.memory_space<hbm>> -> memref<10000x128xf32, #tpu.memory_space<hbm>>
      tpu.wait_indirect_dma semaphore(%arg12 : memref<!tpu.dma_semaphore, #tpu.memory_space<semaphore_mem>>) src(%dma_wait3A_445 : memref<10000x128xf32, #tpu.memory_space<hbm>>) dst(%arg9 : memref<125x128xf32, #tpu.memory_space<vmem>>)
      %run_scoped3A_446 = arith.constant 4 : i32
      "tpu.region"() ({
        %run_scoped3A_744 = tpu.sem_alloc : memref<!tpu.dma_semaphore, #tpu.memory_space<semaphore_mem>>
        %dma_start3A_745 = arith.constant 0 : i32
        %dma_start3A_746 = tpu.memref_slice %arg6[%run_scoped3A_446, %dma_start3A_745] : memref<8x125xi32, #tpu.memory_space<vmem>> -> memref<1x125xi32, #tpu.memory_space<vmem>>
        %dma_start3A_747 = tpu.memref_squeeze %dma_start3A_746 : memref<1x125xi32, #tpu.memory_space<vmem>> -> memref<125xi32, #tpu.memory_space<vmem>>
        %dma_start3A_748 = arith.constant 0 : i32
        %dma_start3A_749 = arith.constant 0 : i32
        %dma_start3A_750 = tpu.memref_slice %arg11[%dma_start3A_748, %dma_start3A_749] : memref<10240x128xf32, #tpu.memory_space<vmem_shared>> -> memref<10240x128xf32, #tpu.memory_space<vmem_shared>>
        tpu.enqueue_indirect_dma source(%arg9 : memref<125x128xf32, #tpu.memory_space<vmem>>) target(%dma_start3A_750 : memref<10240x128xf32, #tpu.memory_space<vmem_shared>>) offsets(%dma_start3A_747 : memref<125xi32, #tpu.memory_space<vmem>>) semaphore(%run_scoped3A_744 : memref<!tpu.dma_semaphore, #tpu.memory_space<semaphore_mem>>) {add = true}
        %dma_wait3A_751 = arith.constant 0 : i32
        %dma_wait3A_752 = tpu.memref_slice %arg6[%run_scoped3A_446, %dma_wait3A_751] : memref<8x125xi32, #tpu.memory_space<vmem>> -> memref<1x125xi32, #tpu.memory_space<vmem>>
        %dma_wait3A_753 = tpu.memref_squeeze %dma_wait3A_752 : memref<1x125xi32, #tpu.memory_space<vmem>> -> memref<125xi32, #tpu.memory_space<vmem>>
        %dma_wait3A_754 = arith.constant 0 : i32
        %dma_wait3A_755 = arith.constant 0 : i32
        %dma_wait3A_756 = tpu.memref_slice %arg11[%dma_wait3A_754, %dma_wait3A_755] : memref<10240x128xf32, #tpu.memory_space<vmem_shared>> -> memref<10240x128xf32, #tpu.memory_space<vmem_shared>>
        tpu.wait_indirect_dma semaphore(%run_scoped3A_744 : memref<!tpu.dma_semaphore, #tpu.memory_space<semaphore_mem>>) src(%arg9 : memref<125x128xf32, #tpu.memory_space<vmem>>) dst(%dma_wait3A_756 : memref<10240x128xf32, #tpu.memory_space<vmem_shared>>)
        tpu.yield
      }) : () -> ()
      %dma_start3A_447 = arith.constant 6 : i32
      %dma_start3A_448 = arith.constant 0 : i32
      %dma_start3A_449 = tpu.memref_slice %arg5[%dma_start3A_447, %dma_start3A_448] : memref<8x125xi32, #tpu.memory_space<vmem>> -> memref<1x125xi32, #tpu.memory_space<vmem>>
      %dma_start3A_450 = tpu.memref_squeeze %dma_start3A_449 : memref<1x125xi32, #tpu.memory_space<vmem>> -> memref<125xi32, #tpu.memory_space<vmem>>
      %dma_start3A_451 = arith.constant 0 : i32
      %dma_start3A_452 = arith.constant 0 : i32
      %dma_start3A_453 = tpu.memref_slice %arg2[%dma_start3A_451, %dma_start3A_452] : memref<10000x128xf32, #tpu.memory_space<hbm>> -> memref<10000x128xf32, #tpu.memory_space<hbm>>
      tpu.enqueue_indirect_dma source(%dma_start3A_453 : memref<10000x128xf32, #tpu.memory_space<hbm>>) target(%arg9 : memref<125x128xf32, #tpu.memory_space<vmem>>) offsets(%dma_start3A_450 : memref<125xi32, #tpu.memory_space<vmem>>) semaphore(%arg12 : memref<!tpu.dma_semaphore, #tpu.memory_space<semaphore_mem>>)
      %dma_wait3A_454 = arith.constant 5 : i32
      %dma_wait3A_455 = arith.constant 0 : i32
      %dma_wait3A_456 = tpu.memref_slice %arg5[%dma_wait3A_454, %dma_wait3A_455] : memref<8x125xi32, #tpu.memory_space<vmem>> -> memref<1x125xi32, #tpu.memory_space<vmem>>
      %dma_wait3A_457 = tpu.memref_squeeze %dma_wait3A_456 : memref<1x125xi32, #tpu.memory_space<vmem>> -> memref<125xi32, #tpu.memory_space<vmem>>
      %dma_wait3A_458 = arith.constant 0 : i32
      %dma_wait3A_459 = arith.constant 0 : i32
      %dma_wait3A_460 = tpu.memref_slice %arg2[%dma_wait3A_458, %dma_wait3A_459] : memref<10000x128xf32, #tpu.memory_space<hbm>> -> memref<10000x128xf32, #tpu.memory_space<hbm>>
      tpu.wait_indirect_dma semaphore(%arg13 : memref<!tpu.dma_semaphore, #tpu.memory_space<semaphore_mem>>) src(%dma_wait3A_460 : memref<10000x128xf32, #tpu.memory_space<hbm>>) dst(%arg10 : memref<125x128xf32, #tpu.memory_space<vmem>>)
      %run_scoped3A_461 = arith.constant 5 : i32
      "tpu.region"() ({
        %run_scoped3A_744 = tpu.sem_alloc : memref<!tpu.dma_semaphore, #tpu.memory_space<semaphore_mem>>
        %dma_start3A_745 = arith.constant 0 : i32
        %dma_start3A_746 = tpu.memref_slice %arg6[%run_scoped3A_461, %dma_start3A_745] : memref<8x125xi32, #tpu.memory_space<vmem>> -> memref<1x125xi32, #tpu.memory_space<vmem>>
        %dma_start3A_747 = tpu.memref_squeeze %dma_start3A_746 : memref<1x125xi32, #tpu.memory_space<vmem>> -> memref<125xi32, #tpu.memory_space<vmem>>
        %dma_start3A_748 = arith.constant 0 : i32
        %dma_start3A_749 = arith.constant 0 : i32
        %dma_start3A_750 = tpu.memref_slice %arg11[%dma_start3A_748, %dma_start3A_749] : memref<10240x128xf32, #tpu.memory_space<vmem_shared>> -> memref<10240x128xf32, #tpu.memory_space<vmem_shared>>
        tpu.enqueue_indirect_dma source(%arg10 : memref<125x128xf32, #tpu.memory_space<vmem>>) target(%dma_start3A_750 : memref<10240x128xf32, #tpu.memory_space<vmem_shared>>) offsets(%dma_start3A_747 : memref<125xi32, #tpu.memory_space<vmem>>) semaphore(%run_scoped3A_744 : memref<!tpu.dma_semaphore, #tpu.memory_space<semaphore_mem>>) {add = true}
        %dma_wait3A_751 = arith.constant 0 : i32
        %dma_wait3A_752 = tpu.memref_slice %arg6[%run_scoped3A_461, %dma_wait3A_751] : memref<8x125xi32, #tpu.memory_space<vmem>> -> memref<1x125xi32, #tpu.memory_space<vmem>>
        %dma_wait3A_753 = tpu.memref_squeeze %dma_wait3A_752 : memref<1x125xi32, #tpu.memory_space<vmem>> -> memref<125xi32, #tpu.memory_space<vmem>>
        %dma_wait3A_754 = arith.constant 0 : i32
        %dma_wait3A_755 = arith.constant 0 : i32
        %dma_wait3A_756 = tpu.memref_slice %arg11[%dma_wait3A_754, %dma_wait3A_755] : memref<10240x128xf32, #tpu.memory_space<vmem_shared>> -> memref<10240x128xf32, #tpu.memory_space<vmem_shared>>
        tpu.wait_indirect_dma semaphore(%run_scoped3A_744 : memref<!tpu.dma_semaphore, #tpu.memory_space<semaphore_mem>>) src(%arg10 : memref<125x128xf32, #tpu.memory_space<vmem>>) dst(%dma_wait3A_756 : memref<10240x128xf32, #tpu.memory_space<vmem_shared>>)
        tpu.yield
      }) : () -> ()
      %dma_start3A_462 = arith.constant 7 : i32
      %dma_start3A_463 = arith.constant 0 : i32
      %dma_start3A_464 = tpu.memref_slice %arg5[%dma_start3A_462, %dma_start3A_463] : memref<8x125xi32, #tpu.memory_space<vmem>> -> memref<1x125xi32, #tpu.memory_space<vmem>>
      %dma_start3A_465 = tpu.memref_squeeze %dma_start3A_464 : memref<1x125xi32, #tpu.memory_space<vmem>> -> memref<125xi32, #tpu.memory_space<vmem>>
      %dma_start3A_466 = arith.constant 0 : i32
      %dma_start3A_467 = arith.constant 0 : i32
      %dma_start3A_468 = tpu.memref_slice %arg2[%dma_start3A_466, %dma_start3A_467] : memref<10000x128xf32, #tpu.memory_space<hbm>> -> memref<10000x128xf32, #tpu.memory_space<hbm>>
      tpu.enqueue_indirect_dma source(%dma_start3A_468 : memref<10000x128xf32, #tpu.memory_space<hbm>>) target(%arg10 : memref<125x128xf32, #tpu.memory_space<vmem>>) offsets(%dma_start3A_465 : memref<125xi32, #tpu.memory_space<vmem>>) semaphore(%arg13 : memref<!tpu.dma_semaphore, #tpu.memory_space<semaphore_mem>>)
      %dma_wait3A_469 = arith.constant 6 : i32
      %dma_wait3A_470 = arith.constant 0 : i32
      %dma_wait3A_471 = tpu.memref_slice %arg5[%dma_wait3A_469, %dma_wait3A_470] : memref<8x125xi32, #tpu.memory_space<vmem>> -> memref<1x125xi32, #tpu.memory_space<vmem>>
      %dma_wait3A_472 = tpu.memref_squeeze %dma_wait3A_471 : memref<1x125xi32, #tpu.memory_space<vmem>> -> memref<125xi32, #tpu.memory_space<vmem>>
      %dma_wait3A_473 = arith.constant 0 : i32
      %dma_wait3A_474 = arith.constant 0 : i32
      %dma_wait3A_475 = tpu.memref_slice %arg2[%dma_wait3A_473, %dma_wait3A_474] : memref<10000x128xf32, #tpu.memory_space<hbm>> -> memref<10000x128xf32, #tpu.memory_space<hbm>>
      tpu.wait_indirect_dma semaphore(%arg12 : memref<!tpu.dma_semaphore, #tpu.memory_space<semaphore_mem>>) src(%dma_wait3A_475 : memref<10000x128xf32, #tpu.memory_space<hbm>>) dst(%arg9 : memref<125x128xf32, #tpu.memory_space<vmem>>)
      %run_scoped3A_476 = arith.constant 6 : i32
      "tpu.region"() ({
        %run_scoped3A_744 = tpu.sem_alloc : memref<!tpu.dma_semaphore, #tpu.memory_space<semaphore_mem>>
        %dma_start3A_745 = arith.constant 0 : i32
        %dma_start3A_746 = tpu.memref_slice %arg6[%run_scoped3A_476, %dma_start3A_745] : memref<8x125xi32, #tpu.memory_space<vmem>> -> memref<1x125xi32, #tpu.memory_space<vmem>>
        %dma_start3A_747 = tpu.memref_squeeze %dma_start3A_746 : memref<1x125xi32, #tpu.memory_space<vmem>> -> memref<125xi32, #tpu.memory_space<vmem>>
        %dma_start3A_748 = arith.constant 0 : i32
        %dma_start3A_749 = arith.constant 0 : i32
        %dma_start3A_750 = tpu.memref_slice %arg11[%dma_start3A_748, %dma_start3A_749] : memref<10240x128xf32, #tpu.memory_space<vmem_shared>> -> memref<10240x128xf32, #tpu.memory_space<vmem_shared>>
        tpu.enqueue_indirect_dma source(%arg9 : memref<125x128xf32, #tpu.memory_space<vmem>>) target(%dma_start3A_750 : memref<10240x128xf32, #tpu.memory_space<vmem_shared>>) offsets(%dma_start3A_747 : memref<125xi32, #tpu.memory_space<vmem>>) semaphore(%run_scoped3A_744 : memref<!tpu.dma_semaphore, #tpu.memory_space<semaphore_mem>>) {add = true}
        %dma_wait3A_751 = arith.constant 0 : i32
        %dma_wait3A_752 = tpu.memref_slice %arg6[%run_scoped3A_476, %dma_wait3A_751] : memref<8x125xi32, #tpu.memory_space<vmem>> -> memref<1x125xi32, #tpu.memory_space<vmem>>
        %dma_wait3A_753 = tpu.memref_squeeze %dma_wait3A_752 : memref<1x125xi32, #tpu.memory_space<vmem>> -> memref<125xi32, #tpu.memory_space<vmem>>
        %dma_wait3A_754 = arith.constant 0 : i32
        %dma_wait3A_755 = arith.constant 0 : i32
        %dma_wait3A_756 = tpu.memref_slice %arg11[%dma_wait3A_754, %dma_wait3A_755] : memref<10240x128xf32, #tpu.memory_space<vmem_shared>> -> memref<10240x128xf32, #tpu.memory_space<vmem_shared>>
        tpu.wait_indirect_dma semaphore(%run_scoped3A_744 : memref<!tpu.dma_semaphore, #tpu.memory_space<semaphore_mem>>) src(%arg9 : memref<125x128xf32, #tpu.memory_space<vmem>>) dst(%dma_wait3A_756 : memref<10240x128xf32, #tpu.memory_space<vmem_shared>>)
        tpu.yield
      }) : () -> ()
      %jit3A_477 = arith.constant 8 : i32
      %div3A_478 = arith.divsi %mul3A_335, %jit3A_477 : i32
      %sign3A_479 = arith.constant 0 : i32
      %sign3A_480 = arith.cmpi sgt, %mul3A_335, %sign3A_479 : i32
      %sign3A_481 = arith.extui %sign3A_480 : i1 to i32
      %sign3A_482 = arith.constant 0 : i32
      %sign3A_483 = arith.cmpi slt, %mul3A_335, %sign3A_482 : i32
      %sign3A_484 = arith.extui %sign3A_483 : i1 to i32
      %sign3A_485 = arith.subi %sign3A_481, %sign3A_484 : i32
      %sign3A_486 = arith.constant 0 : i32
      %sign3A_487 = arith.cmpi sgt, %jit3A_477, %sign3A_486 : i32
      %sign3A_488 = arith.extui %sign3A_487 : i1 to i32
      %sign3A_489 = arith.constant 0 : i32
      %sign3A_490 = arith.cmpi slt, %jit3A_477, %sign3A_489 : i32
      %sign3A_491 = arith.extui %sign3A_490 : i1 to i32
      %sign3A_492 = arith.subi %sign3A_488, %sign3A_491 : i32
      %ne3A_493 = arith.cmpi ne, %sign3A_485, %sign3A_492 : i32
      %rem3A_494 = arith.remsi %mul3A_335, %jit3A_477 : i32
      %ne3A_495 = arith.constant 0 : i32
      %ne3A_496 = arith.cmpi ne, %rem3A_494, %ne3A_495 : i32
      %and3A_497 = arith.andi %ne3A_493, %ne3A_496 : i1
      %sub3A_498 = arith.constant 1 : i32
      %sub3A_499 = arith.subi %div3A_478, %sub3A_498 : i32
      %select_n3A_500 = arith.select %and3A_497, %sub3A_499, %div3A_478 : i32
      %add3A_501 = arith.constant 1 : i32
      %add3A_502 = arith.addi %select_n3A_500, %add3A_501 : i32
      %mul3A_503 = arith.constant 8 : i32
      %mul3A_504 = arith.muli %add3A_502, %mul3A_503 : i32
      %dma_wait3A_505 = arith.constant 0 : i32
      %dma_wait3A_506 = arith.constant 0 : i32
      %dma_wait3A_507 = tpu.memref_slice %arg3[%dma_wait3A_505, %add3A, %mul3A_504, %dma_wait3A_506] : memref<2x32x80x125xi32, #tpu.memory_space<hbm>> -> memref<1x1x8x125xi32, #tpu.memory_space<hbm>>
      %dma_wait3A_508 = tpu.memref_squeeze %dma_wait3A_507 : memref<1x1x8x125xi32, #tpu.memory_space<hbm>> -> memref<8x125xi32, #tpu.memory_space<hbm>>
      %dma_wait3A_509 = arith.constant 0 : i32
      %dma_wait3A_510 = tpu.memref_slice %arg3[%dma_wait3A_505, %add3A, %mul3A_504, %dma_wait3A_509] : memref<2x32x80x125xi32, #tpu.memory_space<hbm>> -> memref<1x1x8x125xi32, #tpu.memory_space<hbm>>
      %dma_wait3A_511 = tpu.memref_squeeze %dma_wait3A_510 : memref<1x1x8x125xi32, #tpu.memory_space<hbm>> -> memref<8x125xi32, #tpu.memory_space<hbm>>
      tpu.wait_dma2 semaphore(%arg15 : memref<!tpu.dma_semaphore, #tpu.memory_space<semaphore_mem>>) src(%dma_wait3A_511 : memref<8x125xi32, #tpu.memory_space<hbm>>) dst(%arg7 : memref<8x125xi32, #tpu.memory_space<vmem>>)
      %mul3A_512 = arith.constant 8 : i32
      %mul3A_513 = arith.muli %add3A_502, %mul3A_512 : i32
      %dma_wait3A_514 = arith.constant 1 : i32
      %dma_wait3A_515 = arith.constant 0 : i32
      %dma_wait3A_516 = tpu.memref_slice %arg3[%dma_wait3A_514, %add3A, %mul3A_513, %dma_wait3A_515] : memref<2x32x80x125xi32, #tpu.memory_space<hbm>> -> memref<1x1x8x125xi32, #tpu.memory_space<hbm>>
      %dma_wait3A_517 = tpu.memref_squeeze %dma_wait3A_516 : memref<1x1x8x125xi32, #tpu.memory_space<hbm>> -> memref<8x125xi32, #tpu.memory_space<hbm>>
      %dma_wait3A_518 = arith.constant 0 : i32
      %dma_wait3A_519 = tpu.memref_slice %arg3[%dma_wait3A_514, %add3A, %mul3A_513, %dma_wait3A_518] : memref<2x32x80x125xi32, #tpu.memory_space<hbm>> -> memref<1x1x8x125xi32, #tpu.memory_space<hbm>>
      %dma_wait3A_520 = tpu.memref_squeeze %dma_wait3A_519 : memref<1x1x8x125xi32, #tpu.memory_space<hbm>> -> memref<8x125xi32, #tpu.memory_space<hbm>>
      tpu.wait_dma2 semaphore(%arg15 : memref<!tpu.dma_semaphore, #tpu.memory_space<semaphore_mem>>) src(%dma_wait3A_520 : memref<8x125xi32, #tpu.memory_space<hbm>>) dst(%arg8 : memref<8x125xi32, #tpu.memory_space<vmem>>)
      %dma_start3A_521 = arith.constant 0 : i32
      %dma_start3A_522 = arith.constant 0 : i32
      %dma_start3A_523 = tpu.memref_slice %arg7[%dma_start3A_521, %dma_start3A_522] : memref<8x125xi32, #tpu.memory_space<vmem>> -> memref<1x125xi32, #tpu.memory_space<vmem>>
      %dma_start3A_524 = tpu.memref_squeeze %dma_start3A_523 : memref<1x125xi32, #tpu.memory_space<vmem>> -> memref<125xi32, #tpu.memory_space<vmem>>
      %dma_start3A_525 = arith.constant 0 : i32
      %dma_start3A_526 = arith.constant 0 : i32
      %dma_start3A_527 = tpu.memref_slice %arg2[%dma_start3A_525, %dma_start3A_526] : memref<10000x128xf32, #tpu.memory_space<hbm>> -> memref<10000x128xf32, #tpu.memory_space<hbm>>
      tpu.enqueue_indirect_dma source(%dma_start3A_527 : memref<10000x128xf32, #tpu.memory_space<hbm>>) target(%arg9 : memref<125x128xf32, #tpu.memory_space<vmem>>) offsets(%dma_start3A_524 : memref<125xi32, #tpu.memory_space<vmem>>) semaphore(%arg12 : memref<!tpu.dma_semaphore, #tpu.memory_space<semaphore_mem>>)
      %dma_wait3A_528 = arith.constant 7 : i32
      %dma_wait3A_529 = arith.constant 0 : i32
      %dma_wait3A_530 = tpu.memref_slice %arg5[%dma_wait3A_528, %dma_wait3A_529] : memref<8x125xi32, #tpu.memory_space<vmem>> -> memref<1x125xi32, #tpu.memory_space<vmem>>
      %dma_wait3A_531 = tpu.memref_squeeze %dma_wait3A_530 : memref<1x125xi32, #tpu.memory_space<vmem>> -> memref<125xi32, #tpu.memory_space<vmem>>
      %dma_wait3A_532 = arith.constant 0 : i32
      %dma_wait3A_533 = arith.constant 0 : i32
      %dma_wait3A_534 = tpu.memref_slice %arg2[%dma_wait3A_532, %dma_wait3A_533] : memref<10000x128xf32, #tpu.memory_space<hbm>> -> memref<10000x128xf32, #tpu.memory_space<hbm>>
      tpu.wait_indirect_dma semaphore(%arg13 : memref<!tpu.dma_semaphore, #tpu.memory_space<semaphore_mem>>) src(%dma_wait3A_534 : memref<10000x128xf32, #tpu.memory_space<hbm>>) dst(%arg10 : memref<125x128xf32, #tpu.memory_space<vmem>>)
      %run_scoped3A_535 = arith.constant 7 : i32
      "tpu.region"() ({
        %run_scoped3A_744 = tpu.sem_alloc : memref<!tpu.dma_semaphore, #tpu.memory_space<semaphore_mem>>
        %dma_start3A_745 = arith.constant 0 : i32
        %dma_start3A_746 = tpu.memref_slice %arg6[%run_scoped3A_535, %dma_start3A_745] : memref<8x125xi32, #tpu.memory_space<vmem>> -> memref<1x125xi32, #tpu.memory_space<vmem>>
        %dma_start3A_747 = tpu.memref_squeeze %dma_start3A_746 : memref<1x125xi32, #tpu.memory_space<vmem>> -> memref<125xi32, #tpu.memory_space<vmem>>
        %dma_start3A_748 = arith.constant 0 : i32
        %dma_start3A_749 = arith.constant 0 : i32
        %dma_start3A_750 = tpu.memref_slice %arg11[%dma_start3A_748, %dma_start3A_749] : memref<10240x128xf32, #tpu.memory_space<vmem_shared>> -> memref<10240x128xf32, #tpu.memory_space<vmem_shared>>
        tpu.enqueue_indirect_dma source(%arg10 : memref<125x128xf32, #tpu.memory_space<vmem>>) target(%dma_start3A_750 : memref<10240x128xf32, #tpu.memory_space<vmem_shared>>) offsets(%dma_start3A_747 : memref<125xi32, #tpu.memory_space<vmem>>) semaphore(%run_scoped3A_744 : memref<!tpu.dma_semaphore, #tpu.memory_space<semaphore_mem>>) {add = true}
        %dma_wait3A_751 = arith.constant 0 : i32
        %dma_wait3A_752 = tpu.memref_slice %arg6[%run_scoped3A_535, %dma_wait3A_751] : memref<8x125xi32, #tpu.memory_space<vmem>> -> memref<1x125xi32, #tpu.memory_space<vmem>>
        %dma_wait3A_753 = tpu.memref_squeeze %dma_wait3A_752 : memref<1x125xi32, #tpu.memory_space<vmem>> -> memref<125xi32, #tpu.memory_space<vmem>>
        %dma_wait3A_754 = arith.constant 0 : i32
        %dma_wait3A_755 = arith.constant 0 : i32
        %dma_wait3A_756 = tpu.memref_slice %arg11[%dma_wait3A_754, %dma_wait3A_755] : memref<10240x128xf32, #tpu.memory_space<vmem_shared>> -> memref<10240x128xf32, #tpu.memory_space<vmem_shared>>
        tpu.wait_indirect_dma semaphore(%run_scoped3A_744 : memref<!tpu.dma_semaphore, #tpu.memory_space<semaphore_mem>>) src(%arg10 : memref<125x128xf32, #tpu.memory_space<vmem>>) dst(%dma_wait3A_756 : memref<10240x128xf32, #tpu.memory_space<vmem_shared>>)
        tpu.yield
      }) : () -> ()
      %dma_start3A_536 = arith.constant 1 : i32
      %dma_start3A_537 = arith.constant 0 : i32
      %dma_start3A_538 = tpu.memref_slice %arg7[%dma_start3A_536, %dma_start3A_537] : memref<8x125xi32, #tpu.memory_space<vmem>> -> memref<1x125xi32, #tpu.memory_space<vmem>>
      %dma_start3A_539 = tpu.memref_squeeze %dma_start3A_538 : memref<1x125xi32, #tpu.memory_space<vmem>> -> memref<125xi32, #tpu.memory_space<vmem>>
      %dma_start3A_540 = arith.constant 0 : i32
      %dma_start3A_541 = arith.constant 0 : i32
      %dma_start3A_542 = tpu.memref_slice %arg2[%dma_start3A_540, %dma_start3A_541] : memref<10000x128xf32, #tpu.memory_space<hbm>> -> memref<10000x128xf32, #tpu.memory_space<hbm>>
      tpu.enqueue_indirect_dma source(%dma_start3A_542 : memref<10000x128xf32, #tpu.memory_space<hbm>>) target(%arg10 : memref<125x128xf32, #tpu.memory_space<vmem>>) offsets(%dma_start3A_539 : memref<125xi32, #tpu.memory_space<vmem>>) semaphore(%arg13 : memref<!tpu.dma_semaphore, #tpu.memory_space<semaphore_mem>>)
      %jit3A_543 = arith.constant 8 : i32
      %div3A_544 = arith.divsi %mul3A_335, %jit3A_543 : i32
      %sign3A_545 = arith.constant 0 : i32
      %sign3A_546 = arith.cmpi sgt, %mul3A_335, %sign3A_545 : i32
      %sign3A_547 = arith.extui %sign3A_546 : i1 to i32
      %sign3A_548 = arith.constant 0 : i32
      %sign3A_549 = arith.cmpi slt, %mul3A_335, %sign3A_548 : i32
      %sign3A_550 = arith.extui %sign3A_549 : i1 to i32
      %sign3A_551 = arith.subi %sign3A_547, %sign3A_550 : i32
      %sign3A_552 = arith.constant 0 : i32
      %sign3A_553 = arith.cmpi sgt, %jit3A_543, %sign3A_552 : i32
      %sign3A_554 = arith.extui %sign3A_553 : i1 to i32
      %sign3A_555 = arith.constant 0 : i32
      %sign3A_556 = arith.cmpi slt, %jit3A_543, %sign3A_555 : i32
      %sign3A_557 = arith.extui %sign3A_556 : i1 to i32
      %sign3A_558 = arith.subi %sign3A_554, %sign3A_557 : i32
      %ne3A_559 = arith.cmpi ne, %sign3A_551, %sign3A_558 : i32
      %rem3A_560 = arith.remsi %mul3A_335, %jit3A_543 : i32
      %ne3A_561 = arith.constant 0 : i32
      %ne3A_562 = arith.cmpi ne, %rem3A_560, %ne3A_561 : i32
      %and3A_563 = arith.andi %ne3A_559, %ne3A_562 : i1
      %sub3A_564 = arith.constant 1 : i32
      %sub3A_565 = arith.subi %div3A_544, %sub3A_564 : i32
      %select_n3A_566 = arith.select %and3A_563, %sub3A_565, %div3A_544 : i32
      %add3A_567 = arith.constant 2 : i32
      %add3A_568 = arith.addi %select_n3A_566, %add3A_567 : i32
      %mul3A_569 = arith.constant 8 : i32
      %mul3A_570 = arith.muli %add3A_568, %mul3A_569 : i32
      %dma_start3A_571 = arith.constant 0 : i32
      %dma_start3A_572 = arith.constant 0 : i32
      %dma_start3A_573 = tpu.memref_slice %arg3[%dma_start3A_571, %add3A, %mul3A_570, %dma_start3A_572] : memref<2x32x80x125xi32, #tpu.memory_space<hbm>> -> memref<1x1x8x125xi32, #tpu.memory_space<hbm>>
      %dma_start3A_574 = tpu.memref_squeeze %dma_start3A_573 : memref<1x1x8x125xi32, #tpu.memory_space<hbm>> -> memref<8x125xi32, #tpu.memory_space<hbm>>
      %dma_start3A_575 = arith.constant 0 : i32
      %dma_start3A_576 = tpu.memref_slice %arg3[%dma_start3A_571, %add3A, %mul3A_570, %dma_start3A_575] : memref<2x32x80x125xi32, #tpu.memory_space<hbm>> -> memref<1x1x8x125xi32, #tpu.memory_space<hbm>>
      %dma_start3A_577 = tpu.memref_squeeze %dma_start3A_576 : memref<1x1x8x125xi32, #tpu.memory_space<hbm>> -> memref<8x125xi32, #tpu.memory_space<hbm>>
      tpu.enqueue_dma source(%dma_start3A_577 : memref<8x125xi32, #tpu.memory_space<hbm>>) target(%arg5 : memref<8x125xi32, #tpu.memory_space<vmem>>) target_semaphore(%arg14 : memref<!tpu.dma_semaphore, #tpu.memory_space<semaphore_mem>>)
      %mul3A_578 = arith.constant 8 : i32
      %mul3A_579 = arith.muli %add3A_568, %mul3A_578 : i32
      %dma_start3A_580 = arith.constant 1 : i32
      %dma_start3A_581 = arith.constant 0 : i32
      %dma_start3A_582 = tpu.memref_slice %arg3[%dma_start3A_580, %add3A, %mul3A_579, %dma_start3A_581] : memref<2x32x80x125xi32, #tpu.memory_space<hbm>> -> memref<1x1x8x125xi32, #tpu.memory_space<hbm>>
      %dma_start3A_583 = tpu.memref_squeeze %dma_start3A_582 : memref<1x1x8x125xi32, #tpu.memory_space<hbm>> -> memref<8x125xi32, #tpu.memory_space<hbm>>
      %dma_start3A_584 = arith.constant 0 : i32
      %dma_start3A_585 = tpu.memref_slice %arg3[%dma_start3A_580, %add3A, %mul3A_579, %dma_start3A_584] : memref<2x32x80x125xi32, #tpu.memory_space<hbm>> -> memref<1x1x8x125xi32, #tpu.memory_space<hbm>>
      %dma_start3A_586 = tpu.memref_squeeze %dma_start3A_585 : memref<1x1x8x125xi32, #tpu.memory_space<hbm>> -> memref<8x125xi32, #tpu.memory_space<hbm>>
      tpu.enqueue_dma source(%dma_start3A_586 : memref<8x125xi32, #tpu.memory_space<hbm>>) target(%arg6 : memref<8x125xi32, #tpu.memory_space<vmem>>) target_semaphore(%arg14 : memref<!tpu.dma_semaphore, #tpu.memory_space<semaphore_mem>>)
      %dma_wait3A_587 = arith.constant 0 : i32
      %dma_wait3A_588 = arith.constant 0 : i32
      %dma_wait3A_589 = tpu.memref_slice %arg7[%dma_wait3A_587, %dma_wait3A_588] : memref<8x125xi32, #tpu.memory_space<vmem>> -> memref<1x125xi32, #tpu.memory_space<vmem>>
      %dma_wait3A_590 = tpu.memref_squeeze %dma_wait3A_589 : memref<1x125xi32, #tpu.memory_space<vmem>> -> memref<125xi32, #tpu.memory_space<vmem>>
      %dma_wait3A_591 = arith.constant 0 : i32
      %dma_wait3A_592 = arith.constant 0 : i32
      %dma_wait3A_593 = tpu.memref_slice %arg2[%dma_wait3A_591, %dma_wait3A_592] : memref<10000x128xf32, #tpu.memory_space<hbm>> -> memref<10000x128xf32, #tpu.memory_space<hbm>>
      tpu.wait_indirect_dma semaphore(%arg12 : memref<!tpu.dma_semaphore, #tpu.memory_space<semaphore_mem>>) src(%dma_wait3A_593 : memref<10000x128xf32, #tpu.memory_space<hbm>>) dst(%arg9 : memref<125x128xf32, #tpu.memory_space<vmem>>)
      %run_scoped3A_594 = arith.constant 0 : i32
      "tpu.region"() ({
        %run_scoped3A_744 = tpu.sem_alloc : memref<!tpu.dma_semaphore, #tpu.memory_space<semaphore_mem>>
        %dma_start3A_745 = arith.constant 0 : i32
        %dma_start3A_746 = tpu.memref_slice %arg8[%run_scoped3A_594, %dma_start3A_745] : memref<8x125xi32, #tpu.memory_space<vmem>> -> memref<1x125xi32, #tpu.memory_space<vmem>>
        %dma_start3A_747 = tpu.memref_squeeze %dma_start3A_746 : memref<1x125xi32, #tpu.memory_space<vmem>> -> memref<125xi32, #tpu.memory_space<vmem>>
        %dma_start3A_748 = arith.constant 0 : i32
        %dma_start3A_749 = arith.constant 0 : i32
        %dma_start3A_750 = tpu.memref_slice %arg11[%dma_start3A_748, %dma_start3A_749] : memref<10240x128xf32, #tpu.memory_space<vmem_shared>> -> memref<10240x128xf32, #tpu.memory_space<vmem_shared>>
        tpu.enqueue_indirect_dma source(%arg9 : memref<125x128xf32, #tpu.memory_space<vmem>>) target(%dma_start3A_750 : memref<10240x128xf32, #tpu.memory_space<vmem_shared>>) offsets(%dma_start3A_747 : memref<125xi32, #tpu.memory_space<vmem>>) semaphore(%run_scoped3A_744 : memref<!tpu.dma_semaphore, #tpu.memory_space<semaphore_mem>>) {add = true}
        %dma_wait3A_751 = arith.constant 0 : i32
        %dma_wait3A_752 = tpu.memref_slice %arg8[%run_scoped3A_594, %dma_wait3A_751] : memref<8x125xi32, #tpu.memory_space<vmem>> -> memref<1x125xi32, #tpu.memory_space<vmem>>
        %dma_wait3A_753 = tpu.memref_squeeze %dma_wait3A_752 : memref<1x125xi32, #tpu.memory_space<vmem>> -> memref<125xi32, #tpu.memory_space<vmem>>
        %dma_wait3A_754 = arith.constant 0 : i32
        %dma_wait3A_755 = arith.constant 0 : i32
        %dma_wait3A_756 = tpu.memref_slice %arg11[%dma_wait3A_754, %dma_wait3A_755] : memref<10240x128xf32, #tpu.memory_space<vmem_shared>> -> memref<10240x128xf32, #tpu.memory_space<vmem_shared>>
        tpu.wait_indirect_dma semaphore(%run_scoped3A_744 : memref<!tpu.dma_semaphore, #tpu.memory_space<semaphore_mem>>) src(%arg9 : memref<125x128xf32, #tpu.memory_space<vmem>>) dst(%dma_wait3A_756 : memref<10240x128xf32, #tpu.memory_space<vmem_shared>>)
        tpu.yield
      }) : () -> ()
      %dma_start3A_595 = arith.constant 2 : i32
      %dma_start3A_596 = arith.constant 0 : i32
      %dma_start3A_597 = tpu.memref_slice %arg7[%dma_start3A_595, %dma_start3A_596] : memref<8x125xi32, #tpu.memory_space<vmem>> -> memref<1x125xi32, #tpu.memory_space<vmem>>
      %dma_start3A_598 = tpu.memref_squeeze %dma_start3A_597 : memref<1x125xi32, #tpu.memory_space<vmem>> -> memref<125xi32, #tpu.memory_space<vmem>>
      %dma_start3A_599 = arith.constant 0 : i32
      %dma_start3A_600 = arith.constant 0 : i32
      %dma_start3A_601 = tpu.memref_slice %arg2[%dma_start3A_599, %dma_start3A_600] : memref<10000x128xf32, #tpu.memory_space<hbm>> -> memref<10000x128xf32, #tpu.memory_space<hbm>>
      tpu.enqueue_indirect_dma source(%dma_start3A_601 : memref<10000x128xf32, #tpu.memory_space<hbm>>) target(%arg9 : memref<125x128xf32, #tpu.memory_space<vmem>>) offsets(%dma_start3A_598 : memref<125xi32, #tpu.memory_space<vmem>>) semaphore(%arg12 : memref<!tpu.dma_semaphore, #tpu.memory_space<semaphore_mem>>)
      %dma_wait3A_602 = arith.constant 1 : i32
      %dma_wait3A_603 = arith.constant 0 : i32
      %dma_wait3A_604 = tpu.memref_slice %arg7[%dma_wait3A_602, %dma_wait3A_603] : memref<8x125xi32, #tpu.memory_space<vmem>> -> memref<1x125xi32, #tpu.memory_space<vmem>>
      %dma_wait3A_605 = tpu.memref_squeeze %dma_wait3A_604 : memref<1x125xi32, #tpu.memory_space<vmem>> -> memref<125xi32, #tpu.memory_space<vmem>>
      %dma_wait3A_606 = arith.constant 0 : i32
      %dma_wait3A_607 = arith.constant 0 : i32
      %dma_wait3A_608 = tpu.memref_slice %arg2[%dma_wait3A_606, %dma_wait3A_607] : memref<10000x128xf32, #tpu.memory_space<hbm>> -> memref<10000x128xf32, #tpu.memory_space<hbm>>
      tpu.wait_indirect_dma semaphore(%arg13 : memref<!tpu.dma_semaphore, #tpu.memory_space<semaphore_mem>>) src(%dma_wait3A_608 : memref<10000x128xf32, #tpu.memory_space<hbm>>) dst(%arg10 : memref<125x128xf32, #tpu.memory_space<vmem>>)
      %run_scoped3A_609 = arith.constant 1 : i32
      "tpu.region"() ({
        %run_scoped3A_744 = tpu.sem_alloc : memref<!tpu.dma_semaphore, #tpu.memory_space<semaphore_mem>>
        %dma_start3A_745 = arith.constant 0 : i32
        %dma_start3A_746 = tpu.memref_slice %arg8[%run_scoped3A_609, %dma_start3A_745] : memref<8x125xi32, #tpu.memory_space<vmem>> -> memref<1x125xi32, #tpu.memory_space<vmem>>
        %dma_start3A_747 = tpu.memref_squeeze %dma_start3A_746 : memref<1x125xi32, #tpu.memory_space<vmem>> -> memref<125xi32, #tpu.memory_space<vmem>>
        %dma_start3A_748 = arith.constant 0 : i32
        %dma_start3A_749 = arith.constant 0 : i32
        %dma_start3A_750 = tpu.memref_slice %arg11[%dma_start3A_748, %dma_start3A_749] : memref<10240x128xf32, #tpu.memory_space<vmem_shared>> -> memref<10240x128xf32, #tpu.memory_space<vmem_shared>>
        tpu.enqueue_indirect_dma source(%arg10 : memref<125x128xf32, #tpu.memory_space<vmem>>) target(%dma_start3A_750 : memref<10240x128xf32, #tpu.memory_space<vmem_shared>>) offsets(%dma_start3A_747 : memref<125xi32, #tpu.memory_space<vmem>>) semaphore(%run_scoped3A_744 : memref<!tpu.dma_semaphore, #tpu.memory_space<semaphore_mem>>) {add = true}
        %dma_wait3A_751 = arith.constant 0 : i32
        %dma_wait3A_752 = tpu.memref_slice %arg8[%run_scoped3A_609, %dma_wait3A_751] : memref<8x125xi32, #tpu.memory_space<vmem>> -> memref<1x125xi32, #tpu.memory_space<vmem>>
        %dma_wait3A_753 = tpu.memref_squeeze %dma_wait3A_752 : memref<1x125xi32, #tpu.memory_space<vmem>> -> memref<125xi32, #tpu.memory_space<vmem>>
        %dma_wait3A_754 = arith.constant 0 : i32
        %dma_wait3A_755 = arith.constant 0 : i32
        %dma_wait3A_756 = tpu.memref_slice %arg11[%dma_wait3A_754, %dma_wait3A_755] : memref<10240x128xf32, #tpu.memory_space<vmem_shared>> -> memref<10240x128xf32, #tpu.memory_space<vmem_shared>>
        tpu.wait_indirect_dma semaphore(%run_scoped3A_744 : memref<!tpu.dma_semaphore, #tpu.memory_space<semaphore_mem>>) src(%arg10 : memref<125x128xf32, #tpu.memory_space<vmem>>) dst(%dma_wait3A_756 : memref<10240x128xf32, #tpu.memory_space<vmem_shared>>)
        tpu.yield
      }) : () -> ()
      %dma_start3A_610 = arith.constant 3 : i32
      %dma_start3A_611 = arith.constant 0 : i32
      %dma_start3A_612 = tpu.memref_slice %arg7[%dma_start3A_610, %dma_start3A_611] : memref<8x125xi32, #tpu.memory_space<vmem>> -> memref<1x125xi32, #tpu.memory_space<vmem>>
      %dma_start3A_613 = tpu.memref_squeeze %dma_start3A_612 : memref<1x125xi32, #tpu.memory_space<vmem>> -> memref<125xi32, #tpu.memory_space<vmem>>
      %dma_start3A_614 = arith.constant 0 : i32
      %dma_start3A_615 = arith.constant 0 : i32
      %dma_start3A_616 = tpu.memref_slice %arg2[%dma_start3A_614, %dma_start3A_615] : memref<10000x128xf32, #tpu.memory_space<hbm>> -> memref<10000x128xf32, #tpu.memory_space<hbm>>
      tpu.enqueue_indirect_dma source(%dma_start3A_616 : memref<10000x128xf32, #tpu.memory_space<hbm>>) target(%arg10 : memref<125x128xf32, #tpu.memory_space<vmem>>) offsets(%dma_start3A_613 : memref<125xi32, #tpu.memory_space<vmem>>) semaphore(%arg13 : memref<!tpu.dma_semaphore, #tpu.memory_space<semaphore_mem>>)
      %dma_wait3A_617 = arith.constant 2 : i32
      %dma_wait3A_618 = arith.constant 0 : i32
      %dma_wait3A_619 = tpu.memref_slice %arg7[%dma_wait3A_617, %dma_wait3A_618] : memref<8x125xi32, #tpu.memory_space<vmem>> -> memref<1x125xi32, #tpu.memory_space<vmem>>
      %dma_wait3A_620 = tpu.memref_squeeze %dma_wait3A_619 : memref<1x125xi32, #tpu.memory_space<vmem>> -> memref<125xi32, #tpu.memory_space<vmem>>
      %dma_wait3A_621 = arith.constant 0 : i32
      %dma_wait3A_622 = arith.constant 0 : i32
      %dma_wait3A_623 = tpu.memref_slice %arg2[%dma_wait3A_621, %dma_wait3A_622] : memref<10000x128xf32, #tpu.memory_space<hbm>> -> memref<10000x128xf32, #tpu.memory_space<hbm>>
      tpu.wait_indirect_dma semaphore(%arg12 : memref<!tpu.dma_semaphore, #tpu.memory_space<semaphore_mem>>) src(%dma_wait3A_623 : memref<10000x128xf32, #tpu.memory_space<hbm>>) dst(%arg9 : memref<125x128xf32, #tpu.memory_space<vmem>>)
      %run_scoped3A_624 = arith.constant 2 : i32
      "tpu.region"() ({
        %run_scoped3A_744 = tpu.sem_alloc : memref<!tpu.dma_semaphore, #tpu.memory_space<semaphore_mem>>
        %dma_start3A_745 = arith.constant 0 : i32
        %dma_start3A_746 = tpu.memref_slice %arg8[%run_scoped3A_624, %dma_start3A_745] : memref<8x125xi32, #tpu.memory_space<vmem>> -> memref<1x125xi32, #tpu.memory_space<vmem>>
        %dma_start3A_747 = tpu.memref_squeeze %dma_start3A_746 : memref<1x125xi32, #tpu.memory_space<vmem>> -> memref<125xi32, #tpu.memory_space<vmem>>
        %dma_start3A_748 = arith.constant 0 : i32
        %dma_start3A_749 = arith.constant 0 : i32
        %dma_start3A_750 = tpu.memref_slice %arg11[%dma_start3A_748, %dma_start3A_749] : memref<10240x128xf32, #tpu.memory_space<vmem_shared>> -> memref<10240x128xf32, #tpu.memory_space<vmem_shared>>
        tpu.enqueue_indirect_dma source(%arg9 : memref<125x128xf32, #tpu.memory_space<vmem>>) target(%dma_start3A_750 : memref<10240x128xf32, #tpu.memory_space<vmem_shared>>) offsets(%dma_start3A_747 : memref<125xi32, #tpu.memory_space<vmem>>) semaphore(%run_scoped3A_744 : memref<!tpu.dma_semaphore, #tpu.memory_space<semaphore_mem>>) {add = true}
        %dma_wait3A_751 = arith.constant 0 : i32
        %dma_wait3A_752 = tpu.memref_slice %arg8[%run_scoped3A_624, %dma_wait3A_751] : memref<8x125xi32, #tpu.memory_space<vmem>> -> memref<1x125xi32, #tpu.memory_space<vmem>>
        %dma_wait3A_753 = tpu.memref_squeeze %dma_wait3A_752 : memref<1x125xi32, #tpu.memory_space<vmem>> -> memref<125xi32, #tpu.memory_space<vmem>>
        %dma_wait3A_754 = arith.constant 0 : i32
        %dma_wait3A_755 = arith.constant 0 : i32
        %dma_wait3A_756 = tpu.memref_slice %arg11[%dma_wait3A_754, %dma_wait3A_755] : memref<10240x128xf32, #tpu.memory_space<vmem_shared>> -> memref<10240x128xf32, #tpu.memory_space<vmem_shared>>
        tpu.wait_indirect_dma semaphore(%run_scoped3A_744 : memref<!tpu.dma_semaphore, #tpu.memory_space<semaphore_mem>>) src(%arg9 : memref<125x128xf32, #tpu.memory_space<vmem>>) dst(%dma_wait3A_756 : memref<10240x128xf32, #tpu.memory_space<vmem_shared>>)
        tpu.yield
      }) : () -> ()
      %dma_start3A_625 = arith.constant 4 : i32
      %dma_start3A_626 = arith.constant 0 : i32
      %dma_start3A_627 = tpu.memref_slice %arg7[%dma_start3A_625, %dma_start3A_626] : memref<8x125xi32, #tpu.memory_space<vmem>> -> memref<1x125xi32, #tpu.memory_space<vmem>>
      %dma_start3A_628 = tpu.memref_squeeze %dma_start3A_627 : memref<1x125xi32, #tpu.memory_space<vmem>> -> memref<125xi32, #tpu.memory_space<vmem>>
      %dma_start3A_629 = arith.constant 0 : i32
      %dma_start3A_630 = arith.constant 0 : i32
      %dma_start3A_631 = tpu.memref_slice %arg2[%dma_start3A_629, %dma_start3A_630] : memref<10000x128xf32, #tpu.memory_space<hbm>> -> memref<10000x128xf32, #tpu.memory_space<hbm>>
      tpu.enqueue_indirect_dma source(%dma_start3A_631 : memref<10000x128xf32, #tpu.memory_space<hbm>>) target(%arg9 : memref<125x128xf32, #tpu.memory_space<vmem>>) offsets(%dma_start3A_628 : memref<125xi32, #tpu.memory_space<vmem>>) semaphore(%arg12 : memref<!tpu.dma_semaphore, #tpu.memory_space<semaphore_mem>>)
      %dma_wait3A_632 = arith.constant 3 : i32
      %dma_wait3A_633 = arith.constant 0 : i32
      %dma_wait3A_634 = tpu.memref_slice %arg7[%dma_wait3A_632, %dma_wait3A_633] : memref<8x125xi32, #tpu.memory_space<vmem>> -> memref<1x125xi32, #tpu.memory_space<vmem>>
      %dma_wait3A_635 = tpu.memref_squeeze %dma_wait3A_634 : memref<1x125xi32, #tpu.memory_space<vmem>> -> memref<125xi32, #tpu.memory_space<vmem>>
      %dma_wait3A_636 = arith.constant 0 : i32
      %dma_wait3A_637 = arith.constant 0 : i32
      %dma_wait3A_638 = tpu.memref_slice %arg2[%dma_wait3A_636, %dma_wait3A_637] : memref<10000x128xf32, #tpu.memory_space<hbm>> -> memref<10000x128xf32, #tpu.memory_space<hbm>>
      tpu.wait_indirect_dma semaphore(%arg13 : memref<!tpu.dma_semaphore, #tpu.memory_space<semaphore_mem>>) src(%dma_wait3A_638 : memref<10000x128xf32, #tpu.memory_space<hbm>>) dst(%arg10 : memref<125x128xf32, #tpu.memory_space<vmem>>)
      %run_scoped3A_639 = arith.constant 3 : i32
      "tpu.region"() ({
        %run_scoped3A_744 = tpu.sem_alloc : memref<!tpu.dma_semaphore, #tpu.memory_space<semaphore_mem>>
        %dma_start3A_745 = arith.constant 0 : i32
        %dma_start3A_746 = tpu.memref_slice %arg8[%run_scoped3A_639, %dma_start3A_745] : memref<8x125xi32, #tpu.memory_space<vmem>> -> memref<1x125xi32, #tpu.memory_space<vmem>>
        %dma_start3A_747 = tpu.memref_squeeze %dma_start3A_746 : memref<1x125xi32, #tpu.memory_space<vmem>> -> memref<125xi32, #tpu.memory_space<vmem>>
        %dma_start3A_748 = arith.constant 0 : i32
        %dma_start3A_749 = arith.constant 0 : i32
        %dma_start3A_750 = tpu.memref_slice %arg11[%dma_start3A_748, %dma_start3A_749] : memref<10240x128xf32, #tpu.memory_space<vmem_shared>> -> memref<10240x128xf32, #tpu.memory_space<vmem_shared>>
        tpu.enqueue_indirect_dma source(%arg10 : memref<125x128xf32, #tpu.memory_space<vmem>>) target(%dma_start3A_750 : memref<10240x128xf32, #tpu.memory_space<vmem_shared>>) offsets(%dma_start3A_747 : memref<125xi32, #tpu.memory_space<vmem>>) semaphore(%run_scoped3A_744 : memref<!tpu.dma_semaphore, #tpu.memory_space<semaphore_mem>>) {add = true}
        %dma_wait3A_751 = arith.constant 0 : i32
        %dma_wait3A_752 = tpu.memref_slice %arg8[%run_scoped3A_639, %dma_wait3A_751] : memref<8x125xi32, #tpu.memory_space<vmem>> -> memref<1x125xi32, #tpu.memory_space<vmem>>
        %dma_wait3A_753 = tpu.memref_squeeze %dma_wait3A_752 : memref<1x125xi32, #tpu.memory_space<vmem>> -> memref<125xi32, #tpu.memory_space<vmem>>
        %dma_wait3A_754 = arith.constant 0 : i32
        %dma_wait3A_755 = arith.constant 0 : i32
        %dma_wait3A_756 = tpu.memref_slice %arg11[%dma_wait3A_754, %dma_wait3A_755] : memref<10240x128xf32, #tpu.memory_space<vmem_shared>> -> memref<10240x128xf32, #tpu.memory_space<vmem_shared>>
        tpu.wait_indirect_dma semaphore(%run_scoped3A_744 : memref<!tpu.dma_semaphore, #tpu.memory_space<semaphore_mem>>) src(%arg10 : memref<125x128xf32, #tpu.memory_space<vmem>>) dst(%dma_wait3A_756 : memref<10240x128xf32, #tpu.memory_space<vmem_shared>>)
        tpu.yield
      }) : () -> ()
      %dma_start3A_640 = arith.constant 5 : i32
      %dma_start3A_641 = arith.constant 0 : i32
      %dma_start3A_642 = tpu.memref_slice %arg7[%dma_start3A_640, %dma_start3A_641] : memref<8x125xi32, #tpu.memory_space<vmem>> -> memref<1x125xi32, #tpu.memory_space<vmem>>
      %dma_start3A_643 = tpu.memref_squeeze %dma_start3A_642 : memref<1x125xi32, #tpu.memory_space<vmem>> -> memref<125xi32, #tpu.memory_space<vmem>>
      %dma_start3A_644 = arith.constant 0 : i32
      %dma_start3A_645 = arith.constant 0 : i32
      %dma_start3A_646 = tpu.memref_slice %arg2[%dma_start3A_644, %dma_start3A_645] : memref<10000x128xf32, #tpu.memory_space<hbm>> -> memref<10000x128xf32, #tpu.memory_space<hbm>>
      tpu.enqueue_indirect_dma source(%dma_start3A_646 : memref<10000x128xf32, #tpu.memory_space<hbm>>) target(%arg10 : memref<125x128xf32, #tpu.memory_space<vmem>>) offsets(%dma_start3A_643 : memref<125xi32, #tpu.memory_space<vmem>>) semaphore(%arg13 : memref<!tpu.dma_semaphore, #tpu.memory_space<semaphore_mem>>)
      %dma_wait3A_647 = arith.constant 4 : i32
      %dma_wait3A_648 = arith.constant 0 : i32
      %dma_wait3A_649 = tpu.memref_slice %arg7[%dma_wait3A_647, %dma_wait3A_648] : memref<8x125xi32, #tpu.memory_space<vmem>> -> memref<1x125xi32, #tpu.memory_space<vmem>>
      %dma_wait3A_650 = tpu.memref_squeeze %dma_wait3A_649 : memref<1x125xi32, #tpu.memory_space<vmem>> -> memref<125xi32, #tpu.memory_space<vmem>>
      %dma_wait3A_651 = arith.constant 0 : i32
      %dma_wait3A_652 = arith.constant 0 : i32
      %dma_wait3A_653 = tpu.memref_slice %arg2[%dma_wait3A_651, %dma_wait3A_652] : memref<10000x128xf32, #tpu.memory_space<hbm>> -> memref<10000x128xf32, #tpu.memory_space<hbm>>
      tpu.wait_indirect_dma semaphore(%arg12 : memref<!tpu.dma_semaphore, #tpu.memory_space<semaphore_mem>>) src(%dma_wait3A_653 : memref<10000x128xf32, #tpu.memory_space<hbm>>) dst(%arg9 : memref<125x128xf32, #tpu.memory_space<vmem>>)
      %run_scoped3A_654 = arith.constant 4 : i32
      "tpu.region"() ({
        %run_scoped3A_744 = tpu.sem_alloc : memref<!tpu.dma_semaphore, #tpu.memory_space<semaphore_mem>>
        %dma_start3A_745 = arith.constant 0 : i32
        %dma_start3A_746 = tpu.memref_slice %arg8[%run_scoped3A_654, %dma_start3A_745] : memref<8x125xi32, #tpu.memory_space<vmem>> -> memref<1x125xi32, #tpu.memory_space<vmem>>
        %dma_start3A_747 = tpu.memref_squeeze %dma_start3A_746 : memref<1x125xi32, #tpu.memory_space<vmem>> -> memref<125xi32, #tpu.memory_space<vmem>>
        %dma_start3A_748 = arith.constant 0 : i32
        %dma_start3A_749 = arith.constant 0 : i32
        %dma_start3A_750 = tpu.memref_slice %arg11[%dma_start3A_748, %dma_start3A_749] : memref<10240x128xf32, #tpu.memory_space<vmem_shared>> -> memref<10240x128xf32, #tpu.memory_space<vmem_shared>>
        tpu.enqueue_indirect_dma source(%arg9 : memref<125x128xf32, #tpu.memory_space<vmem>>) target(%dma_start3A_750 : memref<10240x128xf32, #tpu.memory_space<vmem_shared>>) offsets(%dma_start3A_747 : memref<125xi32, #tpu.memory_space<vmem>>) semaphore(%run_scoped3A_744 : memref<!tpu.dma_semaphore, #tpu.memory_space<semaphore_mem>>) {add = true}
        %dma_wait3A_751 = arith.constant 0 : i32
        %dma_wait3A_752 = tpu.memref_slice %arg8[%run_scoped3A_654, %dma_wait3A_751] : memref<8x125xi32, #tpu.memory_space<vmem>> -> memref<1x125xi32, #tpu.memory_space<vmem>>
        %dma_wait3A_753 = tpu.memref_squeeze %dma_wait3A_752 : memref<1x125xi32, #tpu.memory_space<vmem>> -> memref<125xi32, #tpu.memory_space<vmem>>
        %dma_wait3A_754 = arith.constant 0 : i32
        %dma_wait3A_755 = arith.constant 0 : i32
        %dma_wait3A_756 = tpu.memref_slice %arg11[%dma_wait3A_754, %dma_wait3A_755] : memref<10240x128xf32, #tpu.memory_space<vmem_shared>> -> memref<10240x128xf32, #tpu.memory_space<vmem_shared>>
        tpu.wait_indirect_dma semaphore(%run_scoped3A_744 : memref<!tpu.dma_semaphore, #tpu.memory_space<semaphore_mem>>) src(%arg9 : memref<125x128xf32, #tpu.memory_space<vmem>>) dst(%dma_wait3A_756 : memref<10240x128xf32, #tpu.memory_space<vmem_shared>>)
        tpu.yield
      }) : () -> ()
      %dma_start3A_655 = arith.constant 6 : i32
      %dma_start3A_656 = arith.constant 0 : i32
      %dma_start3A_657 = tpu.memref_slice %arg7[%dma_start3A_655, %dma_start3A_656] : memref<8x125xi32, #tpu.memory_space<vmem>> -> memref<1x125xi32, #tpu.memory_space<vmem>>
      %dma_start3A_658 = tpu.memref_squeeze %dma_start3A_657 : memref<1x125xi32, #tpu.memory_space<vmem>> -> memref<125xi32, #tpu.memory_space<vmem>>
      %dma_start3A_659 = arith.constant 0 : i32
      %dma_start3A_660 = arith.constant 0 : i32
      %dma_start3A_661 = tpu.memref_slice %arg2[%dma_start3A_659, %dma_start3A_660] : memref<10000x128xf32, #tpu.memory_space<hbm>> -> memref<10000x128xf32, #tpu.memory_space<hbm>>
      tpu.enqueue_indirect_dma source(%dma_start3A_661 : memref<10000x128xf32, #tpu.memory_space<hbm>>) target(%arg9 : memref<125x128xf32, #tpu.memory_space<vmem>>) offsets(%dma_start3A_658 : memref<125xi32, #tpu.memory_space<vmem>>) semaphore(%arg12 : memref<!tpu.dma_semaphore, #tpu.memory_space<semaphore_mem>>)
      %dma_wait3A_662 = arith.constant 5 : i32
      %dma_wait3A_663 = arith.constant 0 : i32
      %dma_wait3A_664 = tpu.memref_slice %arg7[%dma_wait3A_662, %dma_wait3A_663] : memref<8x125xi32, #tpu.memory_space<vmem>> -> memref<1x125xi32, #tpu.memory_space<vmem>>
      %dma_wait3A_665 = tpu.memref_squeeze %dma_wait3A_664 : memref<1x125xi32, #tpu.memory_space<vmem>> -> memref<125xi32, #tpu.memory_space<vmem>>
      %dma_wait3A_666 = arith.constant 0 : i32
      %dma_wait3A_667 = arith.constant 0 : i32
      %dma_wait3A_668 = tpu.memref_slice %arg2[%dma_wait3A_666, %dma_wait3A_667] : memref<10000x128xf32, #tpu.memory_space<hbm>> -> memref<10000x128xf32, #tpu.memory_space<hbm>>
      tpu.wait_indirect_dma semaphore(%arg13 : memref<!tpu.dma_semaphore, #tpu.memory_space<semaphore_mem>>) src(%dma_wait3A_668 : memref<10000x128xf32, #tpu.memory_space<hbm>>) dst(%arg10 : memref<125x128xf32, #tpu.memory_space<vmem>>)
      %run_scoped3A_669 = arith.constant 5 : i32
      "tpu.region"() ({
        %run_scoped3A_744 = tpu.sem_alloc : memref<!tpu.dma_semaphore, #tpu.memory_space<semaphore_mem>>
        %dma_start3A_745 = arith.constant 0 : i32
        %dma_start3A_746 = tpu.memref_slice %arg8[%run_scoped3A_669, %dma_start3A_745] : memref<8x125xi32, #tpu.memory_space<vmem>> -> memref<1x125xi32, #tpu.memory_space<vmem>>
        %dma_start3A_747 = tpu.memref_squeeze %dma_start3A_746 : memref<1x125xi32, #tpu.memory_space<vmem>> -> memref<125xi32, #tpu.memory_space<vmem>>
        %dma_start3A_748 = arith.constant 0 : i32
        %dma_start3A_749 = arith.constant 0 : i32
        %dma_start3A_750 = tpu.memref_slice %arg11[%dma_start3A_748, %dma_start3A_749] : memref<10240x128xf32, #tpu.memory_space<vmem_shared>> -> memref<10240x128xf32, #tpu.memory_space<vmem_shared>>
        tpu.enqueue_indirect_dma source(%arg10 : memref<125x128xf32, #tpu.memory_space<vmem>>) target(%dma_start3A_750 : memref<10240x128xf32, #tpu.memory_space<vmem_shared>>) offsets(%dma_start3A_747 : memref<125xi32, #tpu.memory_space<vmem>>) semaphore(%run_scoped3A_744 : memref<!tpu.dma_semaphore, #tpu.memory_space<semaphore_mem>>) {add = true}
        %dma_wait3A_751 = arith.constant 0 : i32
        %dma_wait3A_752 = tpu.memref_slice %arg8[%run_scoped3A_669, %dma_wait3A_751] : memref<8x125xi32, #tpu.memory_space<vmem>> -> memref<1x125xi32, #tpu.memory_space<vmem>>
        %dma_wait3A_753 = tpu.memref_squeeze %dma_wait3A_752 : memref<1x125xi32, #tpu.memory_space<vmem>> -> memref<125xi32, #tpu.memory_space<vmem>>
        %dma_wait3A_754 = arith.constant 0 : i32
        %dma_wait3A_755 = arith.constant 0 : i32
        %dma_wait3A_756 = tpu.memref_slice %arg11[%dma_wait3A_754, %dma_wait3A_755] : memref<10240x128xf32, #tpu.memory_space<vmem_shared>> -> memref<10240x128xf32, #tpu.memory_space<vmem_shared>>
        tpu.wait_indirect_dma semaphore(%run_scoped3A_744 : memref<!tpu.dma_semaphore, #tpu.memory_space<semaphore_mem>>) src(%arg10 : memref<125x128xf32, #tpu.memory_space<vmem>>) dst(%dma_wait3A_756 : memref<10240x128xf32, #tpu.memory_space<vmem_shared>>)
        tpu.yield
      }) : () -> ()
      %dma_start3A_670 = arith.constant 7 : i32
      %dma_start3A_671 = arith.constant 0 : i32
      %dma_start3A_672 = tpu.memref_slice %arg7[%dma_start3A_670, %dma_start3A_671] : memref<8x125xi32, #tpu.memory_space<vmem>> -> memref<1x125xi32, #tpu.memory_space<vmem>>
      %dma_start3A_673 = tpu.memref_squeeze %dma_start3A_672 : memref<1x125xi32, #tpu.memory_space<vmem>> -> memref<125xi32, #tpu.memory_space<vmem>>
      %dma_start3A_674 = arith.constant 0 : i32
      %dma_start3A_675 = arith.constant 0 : i32
      %dma_start3A_676 = tpu.memref_slice %arg2[%dma_start3A_674, %dma_start3A_675] : memref<10000x128xf32, #tpu.memory_space<hbm>> -> memref<10000x128xf32, #tpu.memory_space<hbm>>
      tpu.enqueue_indirect_dma source(%dma_start3A_676 : memref<10000x128xf32, #tpu.memory_space<hbm>>) target(%arg10 : memref<125x128xf32, #tpu.memory_space<vmem>>) offsets(%dma_start3A_673 : memref<125xi32, #tpu.memory_space<vmem>>) semaphore(%arg13 : memref<!tpu.dma_semaphore, #tpu.memory_space<semaphore_mem>>)
      %dma_wait3A_677 = arith.constant 6 : i32
      %dma_wait3A_678 = arith.constant 0 : i32
      %dma_wait3A_679 = tpu.memref_slice %arg7[%dma_wait3A_677, %dma_wait3A_678] : memref<8x125xi32, #tpu.memory_space<vmem>> -> memref<1x125xi32, #tpu.memory_space<vmem>>
      %dma_wait3A_680 = tpu.memref_squeeze %dma_wait3A_679 : memref<1x125xi32, #tpu.memory_space<vmem>> -> memref<125xi32, #tpu.memory_space<vmem>>
      %dma_wait3A_681 = arith.constant 0 : i32
      %dma_wait3A_682 = arith.constant 0 : i32
      %dma_wait3A_683 = tpu.memref_slice %arg2[%dma_wait3A_681, %dma_wait3A_682] : memref<10000x128xf32, #tpu.memory_space<hbm>> -> memref<10000x128xf32, #tpu.memory_space<hbm>>
      tpu.wait_indirect_dma semaphore(%arg12 : memref<!tpu.dma_semaphore, #tpu.memory_space<semaphore_mem>>) src(%dma_wait3A_683 : memref<10000x128xf32, #tpu.memory_space<hbm>>) dst(%arg9 : memref<125x128xf32, #tpu.memory_space<vmem>>)
      %run_scoped3A_684 = arith.constant 6 : i32
      "tpu.region"() ({
        %run_scoped3A_744 = tpu.sem_alloc : memref<!tpu.dma_semaphore, #tpu.memory_space<semaphore_mem>>
        %dma_start3A_745 = arith.constant 0 : i32
        %dma_start3A_746 = tpu.memref_slice %arg8[%run_scoped3A_684, %dma_start3A_745] : memref<8x125xi32, #tpu.memory_space<vmem>> -> memref<1x125xi32, #tpu.memory_space<vmem>>
        %dma_start3A_747 = tpu.memref_squeeze %dma_start3A_746 : memref<1x125xi32, #tpu.memory_space<vmem>> -> memref<125xi32, #tpu.memory_space<vmem>>
        %dma_start3A_748 = arith.constant 0 : i32
        %dma_start3A_749 = arith.constant 0 : i32
        %dma_start3A_750 = tpu.memref_slice %arg11[%dma_start3A_748, %dma_start3A_749] : memref<10240x128xf32, #tpu.memory_space<vmem_shared>> -> memref<10240x128xf32, #tpu.memory_space<vmem_shared>>
        tpu.enqueue_indirect_dma source(%arg9 : memref<125x128xf32, #tpu.memory_space<vmem>>) target(%dma_start3A_750 : memref<10240x128xf32, #tpu.memory_space<vmem_shared>>) offsets(%dma_start3A_747 : memref<125xi32, #tpu.memory_space<vmem>>) semaphore(%run_scoped3A_744 : memref<!tpu.dma_semaphore, #tpu.memory_space<semaphore_mem>>) {add = true}
        %dma_wait3A_751 = arith.constant 0 : i32
        %dma_wait3A_752 = tpu.memref_slice %arg8[%run_scoped3A_684, %dma_wait3A_751] : memref<8x125xi32, #tpu.memory_space<vmem>> -> memref<1x125xi32, #tpu.memory_space<vmem>>
        %dma_wait3A_753 = tpu.memref_squeeze %dma_wait3A_752 : memref<1x125xi32, #tpu.memory_space<vmem>> -> memref<125xi32, #tpu.memory_space<vmem>>
        %dma_wait3A_754 = arith.constant 0 : i32
        %dma_wait3A_755 = arith.constant 0 : i32
        %dma_wait3A_756 = tpu.memref_slice %arg11[%dma_wait3A_754, %dma_wait3A_755] : memref<10240x128xf32, #tpu.memory_space<vmem_shared>> -> memref<10240x128xf32, #tpu.memory_space<vmem_shared>>
        tpu.wait_indirect_dma semaphore(%run_scoped3A_744 : memref<!tpu.dma_semaphore, #tpu.memory_space<semaphore_mem>>) src(%arg9 : memref<125x128xf32, #tpu.memory_space<vmem>>) dst(%dma_wait3A_756 : memref<10240x128xf32, #tpu.memory_space<vmem_shared>>)
        tpu.yield
      }) : () -> ()
      %jit3A_685 = arith.constant 8 : i32
      %div3A_686 = arith.divsi %mul3A_335, %jit3A_685 : i32
      %sign3A_687 = arith.constant 0 : i32
      %sign3A_688 = arith.cmpi sgt, %mul3A_335, %sign3A_687 : i32
      %sign3A_689 = arith.extui %sign3A_688 : i1 to i32
      %sign3A_690 = arith.constant 0 : i32
      %sign3A_691 = arith.cmpi slt, %mul3A_335, %sign3A_690 : i32
      %sign3A_692 = arith.extui %sign3A_691 : i1 to i32
      %sign3A_693 = arith.subi %sign3A_689, %sign3A_692 : i32
      %sign3A_694 = arith.constant 0 : i32
      %sign3A_695 = arith.cmpi sgt, %jit3A_685, %sign3A_694 : i32
      %sign3A_696 = arith.extui %sign3A_695 : i1 to i32
      %sign3A_697 = arith.constant 0 : i32
      %sign3A_698 = arith.cmpi slt, %jit3A_685, %sign3A_697 : i32
      %sign3A_699 = arith.extui %sign3A_698 : i1 to i32
      %sign3A_700 = arith.subi %sign3A_696, %sign3A_699 : i32
      %ne3A_701 = arith.cmpi ne, %sign3A_693, %sign3A_700 : i32
      %rem3A_702 = arith.remsi %mul3A_335, %jit3A_685 : i32
      %ne3A_703 = arith.constant 0 : i32
      %ne3A_704 = arith.cmpi ne, %rem3A_702, %ne3A_703 : i32
      %and3A_705 = arith.andi %ne3A_701, %ne3A_704 : i1
      %sub3A_706 = arith.constant 1 : i32
      %sub3A_707 = arith.subi %div3A_686, %sub3A_706 : i32
      %select_n3A_708 = arith.select %and3A_705, %sub3A_707, %div3A_686 : i32
      %add3A_709 = arith.constant 2 : i32
      %add3A_710 = arith.addi %select_n3A_708, %add3A_709 : i32
      %mul3A_711 = arith.constant 8 : i32
      %mul3A_712 = arith.muli %add3A_710, %mul3A_711 : i32
      %dma_wait3A_713 = arith.constant 0 : i32
      %dma_wait3A_714 = arith.constant 0 : i32
      %dma_wait3A_715 = tpu.memref_slice %arg3[%dma_wait3A_713, %add3A, %mul3A_712, %dma_wait3A_714] : memref<2x32x80x125xi32, #tpu.memory_space<hbm>> -> memref<1x1x8x125xi32, #tpu.memory_space<hbm>>
      %dma_wait3A_716 = tpu.memref_squeeze %dma_wait3A_715 : memref<1x1x8x125xi32, #tpu.memory_space<hbm>> -> memref<8x125xi32, #tpu.memory_space<hbm>>
      %dma_wait3A_717 = arith.constant 0 : i32
      %dma_wait3A_718 = tpu.memref_slice %arg3[%dma_wait3A_713, %add3A, %mul3A_712, %dma_wait3A_717] : memref<2x32x80x125xi32, #tpu.memory_space<hbm>> -> memref<1x1x8x125xi32, #tpu.memory_space<hbm>>
      %dma_wait3A_719 = tpu.memref_squeeze %dma_wait3A_718 : memref<1x1x8x125xi32, #tpu.memory_space<hbm>> -> memref<8x125xi32, #tpu.memory_space<hbm>>
      tpu.wait_dma2 semaphore(%arg14 : memref<!tpu.dma_semaphore, #tpu.memory_space<semaphore_mem>>) src(%dma_wait3A_719 : memref<8x125xi32, #tpu.memory_space<hbm>>) dst(%arg5 : memref<8x125xi32, #tpu.memory_space<vmem>>)
      %mul3A_720 = arith.constant 8 : i32
      %mul3A_721 = arith.muli %add3A_710, %mul3A_720 : i32
      %dma_wait3A_722 = arith.constant 1 : i32
      %dma_wait3A_723 = arith.constant 0 : i32
      %dma_wait3A_724 = tpu.memref_slice %arg3[%dma_wait3A_722, %add3A, %mul3A_721, %dma_wait3A_723] : memref<2x32x80x125xi32, #tpu.memory_space<hbm>> -> memref<1x1x8x125xi32, #tpu.memory_space<hbm>>
      %dma_wait3A_725 = tpu.memref_squeeze %dma_wait3A_724 : memref<1x1x8x125xi32, #tpu.memory_space<hbm>> -> memref<8x125xi32, #tpu.memory_space<hbm>>
      %dma_wait3A_726 = arith.constant 0 : i32
      %dma_wait3A_727 = tpu.memref_slice %arg3[%dma_wait3A_722, %add3A, %mul3A_721, %dma_wait3A_726] : memref<2x32x80x125xi32, #tpu.memory_space<hbm>> -> memref<1x1x8x125xi32, #tpu.memory_space<hbm>>
      %dma_wait3A_728 = tpu.memref_squeeze %dma_wait3A_727 : memref<1x1x8x125xi32, #tpu.memory_space<hbm>> -> memref<8x125xi32, #tpu.memory_space<hbm>>
      tpu.wait_dma2 semaphore(%arg14 : memref<!tpu.dma_semaphore, #tpu.memory_space<semaphore_mem>>) src(%dma_wait3A_728 : memref<8x125xi32, #tpu.memory_space<hbm>>) dst(%arg6 : memref<8x125xi32, #tpu.memory_space<vmem>>)
      %dma_start3A_729 = arith.constant 0 : i32
      %dma_start3A_730 = arith.constant 0 : i32
      %dma_start3A_731 = tpu.memref_slice %arg5[%dma_start3A_729, %dma_start3A_730] : memref<8x125xi32, #tpu.memory_space<vmem>> -> memref<1x125xi32, #tpu.memory_space<vmem>>
      %dma_start3A_732 = tpu.memref_squeeze %dma_start3A_731 : memref<1x125xi32, #tpu.memory_space<vmem>> -> memref<125xi32, #tpu.memory_space<vmem>>
      %dma_start3A_733 = arith.constant 0 : i32
      %dma_start3A_734 = arith.constant 0 : i32
      %dma_start3A_735 = tpu.memref_slice %arg2[%dma_start3A_733, %dma_start3A_734] : memref<10000x128xf32, #tpu.memory_space<hbm>> -> memref<10000x128xf32, #tpu.memory_space<hbm>>
      tpu.enqueue_indirect_dma source(%dma_start3A_735 : memref<10000x128xf32, #tpu.memory_space<hbm>>) target(%arg9 : memref<125x128xf32, #tpu.memory_space<vmem>>) offsets(%dma_start3A_732 : memref<125xi32, #tpu.memory_space<vmem>>) semaphore(%arg12 : memref<!tpu.dma_semaphore, #tpu.memory_space<semaphore_mem>>)
      %dma_wait3A_736 = arith.constant 7 : i32
      %dma_wait3A_737 = arith.constant 0 : i32
      %dma_wait3A_738 = tpu.memref_slice %arg7[%dma_wait3A_736, %dma_wait3A_737] : memref<8x125xi32, #tpu.memory_space<vmem>> -> memref<1x125xi32, #tpu.memory_space<vmem>>
      %dma_wait3A_739 = tpu.memref_squeeze %dma_wait3A_738 : memref<1x125xi32, #tpu.memory_space<vmem>> -> memref<125xi32, #tpu.memory_space<vmem>>
      %dma_wait3A_740 = arith.constant 0 : i32
      %dma_wait3A_741 = arith.constant 0 : i32
      %dma_wait3A_742 = tpu.memref_slice %arg2[%dma_wait3A_740, %dma_wait3A_741] : memref<10000x128xf32, #tpu.memory_space<hbm>> -> memref<10000x128xf32, #tpu.memory_space<hbm>>
      tpu.wait_indirect_dma semaphore(%arg13 : memref<!tpu.dma_semaphore, #tpu.memory_space<semaphore_mem>>) src(%dma_wait3A_742 : memref<10000x128xf32, #tpu.memory_space<hbm>>) dst(%arg10 : memref<125x128xf32, #tpu.memory_space<vmem>>)
      %run_scoped3A_743 = arith.constant 7 : i32
      "tpu.region"() ({
        %run_scoped3A_744 = tpu.sem_alloc : memref<!tpu.dma_semaphore, #tpu.memory_space<semaphore_mem>>
        %dma_start3A_745 = arith.constant 0 : i32
        %dma_start3A_746 = tpu.memref_slice %arg8[%run_scoped3A_743, %dma_start3A_745] : memref<8x125xi32, #tpu.memory_space<vmem>> -> memref<1x125xi32, #tpu.memory_space<vmem>>
        %dma_start3A_747 = tpu.memref_squeeze %dma_start3A_746 : memref<1x125xi32, #tpu.memory_space<vmem>> -> memref<125xi32, #tpu.memory_space<vmem>>
        %dma_start3A_748 = arith.constant 0 : i32
        %dma_start3A_749 = arith.constant 0 : i32
        %dma_start3A_750 = tpu.memref_slice %arg11[%dma_start3A_748, %dma_start3A_749] : memref<10240x128xf32, #tpu.memory_space<vmem_shared>> -> memref<10240x128xf32, #tpu.memory_space<vmem_shared>>
        tpu.enqueue_indirect_dma source(%arg10 : memref<125x128xf32, #tpu.memory_space<vmem>>) target(%dma_start3A_750 : memref<10240x128xf32, #tpu.memory_space<vmem_shared>>) offsets(%dma_start3A_747 : memref<125xi32, #tpu.memory_space<vmem>>) semaphore(%run_scoped3A_744 : memref<!tpu.dma_semaphore, #tpu.memory_space<semaphore_mem>>) {add = true}
        %dma_wait3A_751 = arith.constant 0 : i32
        %dma_wait3A_752 = tpu.memref_slice %arg8[%run_scoped3A_743, %dma_wait3A_751] : memref<8x125xi32, #tpu.memory_space<vmem>> -> memref<1x125xi32, #tpu.memory_space<vmem>>
        %dma_wait3A_753 = tpu.memref_squeeze %dma_wait3A_752 : memref<1x125xi32, #tpu.memory_space<vmem>> -> memref<125xi32, #tpu.memory_space<vmem>>
        %dma_wait3A_754 = arith.constant 0 : i32
        %dma_wait3A_755 = arith.constant 0 : i32
        %dma_wait3A_756 = tpu.memref_slice %arg11[%dma_wait3A_754, %dma_wait3A_755] : memref<10240x128xf32, #tpu.memory_space<vmem_shared>> -> memref<10240x128xf32, #tpu.memory_space<vmem_shared>>
        tpu.wait_indirect_dma semaphore(%run_scoped3A_744 : memref<!tpu.dma_semaphore, #tpu.memory_space<semaphore_mem>>) src(%arg10 : memref<125x128xf32, #tpu.memory_space<vmem>>) dst(%dma_wait3A_756 : memref<10240x128xf32, #tpu.memory_space<vmem_shared>>)
        tpu.yield
      }) : () -> ()
    }
    %scan3A_59 = arith.constant 4 : i32
    %dma_start3A_60 = arith.constant 0 : i32
    %dma_start3A_61 = arith.constant 72 : i32
    %dma_start3A_62 = arith.constant 0 : i32
    %dma_start3A_63 = tpu.memref_slice %arg3[%dma_start3A_60, %add3A, %dma_start3A_61, %dma_start3A_62] : memref<2x32x80x125xi32, #tpu.memory_space<hbm>> -> memref<1x1x8x125xi32, #tpu.memory_space<hbm>>
    %dma_start3A_64 = tpu.memref_squeeze %dma_start3A_63 : memref<1x1x8x125xi32, #tpu.memory_space<hbm>> -> memref<8x125xi32, #tpu.memory_space<hbm>>
    %dma_start3A_65 = arith.constant 72 : i32
    %dma_start3A_66 = arith.constant 0 : i32
    %dma_start3A_67 = tpu.memref_slice %arg3[%dma_start3A_60, %add3A, %dma_start3A_65, %dma_start3A_66] : memref<2x32x80x125xi32, #tpu.memory_space<hbm>> -> memref<1x1x8x125xi32, #tpu.memory_space<hbm>>
    %dma_start3A_68 = tpu.memref_squeeze %dma_start3A_67 : memref<1x1x8x125xi32, #tpu.memory_space<hbm>> -> memref<8x125xi32, #tpu.memory_space<hbm>>
    tpu.enqueue_dma source(%dma_start3A_68 : memref<8x125xi32, #tpu.memory_space<hbm>>) target(%arg7 : memref<8x125xi32, #tpu.memory_space<vmem>>) target_semaphore(%arg15 : memref<!tpu.dma_semaphore, #tpu.memory_space<semaphore_mem>>)
    %dma_start3A_69 = arith.constant 1 : i32
    %dma_start3A_70 = arith.constant 72 : i32
    %dma_start3A_71 = arith.constant 0 : i32
    %dma_start3A_72 = tpu.memref_slice %arg3[%dma_start3A_69, %add3A, %dma_start3A_70, %dma_start3A_71] : memref<2x32x80x125xi32, #tpu.memory_space<hbm>> -> memref<1x1x8x125xi32, #tpu.memory_space<hbm>>
    %dma_start3A_73 = tpu.memref_squeeze %dma_start3A_72 : memref<1x1x8x125xi32, #tpu.memory_space<hbm>> -> memref<8x125xi32, #tpu.memory_space<hbm>>
    %dma_start3A_74 = arith.constant 72 : i32
    %dma_start3A_75 = arith.constant 0 : i32
    %dma_start3A_76 = tpu.memref_slice %arg3[%dma_start3A_69, %add3A, %dma_start3A_74, %dma_start3A_75] : memref<2x32x80x125xi32, #tpu.memory_space<hbm>> -> memref<1x1x8x125xi32, #tpu.memory_space<hbm>>
    %dma_start3A_77 = tpu.memref_squeeze %dma_start3A_76 : memref<1x1x8x125xi32, #tpu.memory_space<hbm>> -> memref<8x125xi32, #tpu.memory_space<hbm>>
    tpu.enqueue_dma source(%dma_start3A_77 : memref<8x125xi32, #tpu.memory_space<hbm>>) target(%arg8 : memref<8x125xi32, #tpu.memory_space<vmem>>) target_semaphore(%arg15 : memref<!tpu.dma_semaphore, #tpu.memory_space<semaphore_mem>>)
    %dma_start3A_78 = arith.constant 1 : i32
    %dma_start3A_79 = arith.constant 0 : i32
    %dma_start3A_80 = tpu.memref_slice %arg5[%dma_start3A_78, %dma_start3A_79] : memref<8x125xi32, #tpu.memory_space<vmem>> -> memref<1x125xi32, #tpu.memory_space<vmem>>
    %dma_start3A_81 = tpu.memref_squeeze %dma_start3A_80 : memref<1x125xi32, #tpu.memory_space<vmem>> -> memref<125xi32, #tpu.memory_space<vmem>>
    %dma_start3A_82 = arith.constant 0 : i32
    %dma_start3A_83 = arith.constant 0 : i32
    %dma_start3A_84 = tpu.memref_slice %arg2[%dma_start3A_82, %dma_start3A_83] : memref<10000x128xf32, #tpu.memory_space<hbm>> -> memref<10000x128xf32, #tpu.memory_space<hbm>>
    tpu.enqueue_indirect_dma source(%dma_start3A_84 : memref<10000x128xf32, #tpu.memory_space<hbm>>) target(%arg10 : memref<125x128xf32, #tpu.memory_space<vmem>>) offsets(%dma_start3A_81 : memref<125xi32, #tpu.memory_space<vmem>>) semaphore(%arg13 : memref<!tpu.dma_semaphore, #tpu.memory_space<semaphore_mem>>)
    %dma_wait3A = arith.constant 0 : i32
    %dma_wait3A_85 = arith.constant 0 : i32
    %dma_wait3A_86 = tpu.memref_slice %arg5[%dma_wait3A, %dma_wait3A_85] : memref<8x125xi32, #tpu.memory_space<vmem>> -> memref<1x125xi32, #tpu.memory_space<vmem>>
    %dma_wait3A_87 = tpu.memref_squeeze %dma_wait3A_86 : memref<1x125xi32, #tpu.memory_space<vmem>> -> memref<125xi32, #tpu.memory_space<vmem>>
    %dma_wait3A_88 = arith.constant 0 : i32
    %dma_wait3A_89 = arith.constant 0 : i32
    %dma_wait3A_90 = tpu.memref_slice %arg2[%dma_wait3A_88, %dma_wait3A_89] : memref<10000x128xf32, #tpu.memory_space<hbm>> -> memref<10000x128xf32, #tpu.memory_space<hbm>>
    tpu.wait_indirect_dma semaphore(%arg12 : memref<!tpu.dma_semaphore, #tpu.memory_space<semaphore_mem>>) src(%dma_wait3A_90 : memref<10000x128xf32, #tpu.memory_space<hbm>>) dst(%arg9 : memref<125x128xf32, #tpu.memory_space<vmem>>)
    %run_scoped3A_91 = arith.constant 0 : i32
    "tpu.region"() ({
      %run_scoped3A_333 = tpu.sem_alloc : memref<!tpu.dma_semaphore, #tpu.memory_space<semaphore_mem>>
      %dma_start3A_334 = arith.constant 0 : i32
      %dma_start3A_335 = tpu.memref_slice %arg6[%run_scoped3A_91, %dma_start3A_334] : memref<8x125xi32, #tpu.memory_space<vmem>> -> memref<1x125xi32, #tpu.memory_space<vmem>>
      %dma_start3A_336 = tpu.memref_squeeze %dma_start3A_335 : memref<1x125xi32, #tpu.memory_space<vmem>> -> memref<125xi32, #tpu.memory_space<vmem>>
      %dma_start3A_337 = arith.constant 0 : i32
      %dma_start3A_338 = arith.constant 0 : i32
      %dma_start3A_339 = tpu.memref_slice %arg11[%dma_start3A_337, %dma_start3A_338] : memref<10240x128xf32, #tpu.memory_space<vmem_shared>> -> memref<10240x128xf32, #tpu.memory_space<vmem_shared>>
      tpu.enqueue_indirect_dma source(%arg9 : memref<125x128xf32, #tpu.memory_space<vmem>>) target(%dma_start3A_339 : memref<10240x128xf32, #tpu.memory_space<vmem_shared>>) offsets(%dma_start3A_336 : memref<125xi32, #tpu.memory_space<vmem>>) semaphore(%run_scoped3A_333 : memref<!tpu.dma_semaphore, #tpu.memory_space<semaphore_mem>>) {add = true}
      %dma_wait3A_340 = arith.constant 0 : i32
      %dma_wait3A_341 = tpu.memref_slice %arg6[%run_scoped3A_91, %dma_wait3A_340] : memref<8x125xi32, #tpu.memory_space<vmem>> -> memref<1x125xi32, #tpu.memory_space<vmem>>
      %dma_wait3A_342 = tpu.memref_squeeze %dma_wait3A_341 : memref<1x125xi32, #tpu.memory_space<vmem>> -> memref<125xi32, #tpu.memory_space<vmem>>
      %dma_wait3A_343 = arith.constant 0 : i32
      %dma_wait3A_344 = arith.constant 0 : i32
      %dma_wait3A_345 = tpu.memref_slice %arg11[%dma_wait3A_343, %dma_wait3A_344] : memref<10240x128xf32, #tpu.memory_space<vmem_shared>> -> memref<10240x128xf32, #tpu.memory_space<vmem_shared>>
      tpu.wait_indirect_dma semaphore(%run_scoped3A_333 : memref<!tpu.dma_semaphore, #tpu.memory_space<semaphore_mem>>) src(%arg9 : memref<125x128xf32, #tpu.memory_space<vmem>>) dst(%dma_wait3A_345 : memref<10240x128xf32, #tpu.memory_space<vmem_shared>>)
      tpu.yield
    }) : () -> ()
    %dma_start3A_92 = arith.constant 2 : i32
    %dma_start3A_93 = arith.constant 0 : i32
    %dma_start3A_94 = tpu.memref_slice %arg5[%dma_start3A_92, %dma_start3A_93] : memref<8x125xi32, #tpu.memory_space<vmem>> -> memref<1x125xi32, #tpu.memory_space<vmem>>
    %dma_start3A_95 = tpu.memref_squeeze %dma_start3A_94 : memref<1x125xi32, #tpu.memory_space<vmem>> -> memref<125xi32, #tpu.memory_space<vmem>>
    %dma_start3A_96 = arith.constant 0 : i32
    %dma_start3A_97 = arith.constant 0 : i32
    %dma_start3A_98 = tpu.memref_slice %arg2[%dma_start3A_96, %dma_start3A_97] : memref<10000x128xf32, #tpu.memory_space<hbm>> -> memref<10000x128xf32, #tpu.memory_space<hbm>>
    tpu.enqueue_indirect_dma source(%dma_start3A_98 : memref<10000x128xf32, #tpu.memory_space<hbm>>) target(%arg9 : memref<125x128xf32, #tpu.memory_space<vmem>>) offsets(%dma_start3A_95 : memref<125xi32, #tpu.memory_space<vmem>>) semaphore(%arg12 : memref<!tpu.dma_semaphore, #tpu.memory_space<semaphore_mem>>)
    %dma_wait3A_99 = arith.constant 1 : i32
    %dma_wait3A_100 = arith.constant 0 : i32
    %dma_wait3A_101 = tpu.memref_slice %arg5[%dma_wait3A_99, %dma_wait3A_100] : memref<8x125xi32, #tpu.memory_space<vmem>> -> memref<1x125xi32, #tpu.memory_space<vmem>>
    %dma_wait3A_102 = tpu.memref_squeeze %dma_wait3A_101 : memref<1x125xi32, #tpu.memory_space<vmem>> -> memref<125xi32, #tpu.memory_space<vmem>>
    %dma_wait3A_103 = arith.constant 0 : i32
    %dma_wait3A_104 = arith.constant 0 : i32
    %dma_wait3A_105 = tpu.memref_slice %arg2[%dma_wait3A_103, %dma_wait3A_104] : memref<10000x128xf32, #tpu.memory_space<hbm>> -> memref<10000x128xf32, #tpu.memory_space<hbm>>
    tpu.wait_indirect_dma semaphore(%arg13 : memref<!tpu.dma_semaphore, #tpu.memory_space<semaphore_mem>>) src(%dma_wait3A_105 : memref<10000x128xf32, #tpu.memory_space<hbm>>) dst(%arg10 : memref<125x128xf32, #tpu.memory_space<vmem>>)
    %run_scoped3A_106 = arith.constant 1 : i32
    "tpu.region"() ({
      %run_scoped3A_333 = tpu.sem_alloc : memref<!tpu.dma_semaphore, #tpu.memory_space<semaphore_mem>>
      %dma_start3A_334 = arith.constant 0 : i32
      %dma_start3A_335 = tpu.memref_slice %arg6[%run_scoped3A_106, %dma_start3A_334] : memref<8x125xi32, #tpu.memory_space<vmem>> -> memref<1x125xi32, #tpu.memory_space<vmem>>
      %dma_start3A_336 = tpu.memref_squeeze %dma_start3A_335 : memref<1x125xi32, #tpu.memory_space<vmem>> -> memref<125xi32, #tpu.memory_space<vmem>>
      %dma_start3A_337 = arith.constant 0 : i32
      %dma_start3A_338 = arith.constant 0 : i32
      %dma_start3A_339 = tpu.memref_slice %arg11[%dma_start3A_337, %dma_start3A_338] : memref<10240x128xf32, #tpu.memory_space<vmem_shared>> -> memref<10240x128xf32, #tpu.memory_space<vmem_shared>>
      tpu.enqueue_indirect_dma source(%arg10 : memref<125x128xf32, #tpu.memory_space<vmem>>) target(%dma_start3A_339 : memref<10240x128xf32, #tpu.memory_space<vmem_shared>>) offsets(%dma_start3A_336 : memref<125xi32, #tpu.memory_space<vmem>>) semaphore(%run_scoped3A_333 : memref<!tpu.dma_semaphore, #tpu.memory_space<semaphore_mem>>) {add = true}
      %dma_wait3A_340 = arith.constant 0 : i32
      %dma_wait3A_341 = tpu.memref_slice %arg6[%run_scoped3A_106, %dma_wait3A_340] : memref<8x125xi32, #tpu.memory_space<vmem>> -> memref<1x125xi32, #tpu.memory_space<vmem>>
      %dma_wait3A_342 = tpu.memref_squeeze %dma_wait3A_341 : memref<1x125xi32, #tpu.memory_space<vmem>> -> memref<125xi32, #tpu.memory_space<vmem>>
      %dma_wait3A_343 = arith.constant 0 : i32
      %dma_wait3A_344 = arith.constant 0 : i32
      %dma_wait3A_345 = tpu.memref_slice %arg11[%dma_wait3A_343, %dma_wait3A_344] : memref<10240x128xf32, #tpu.memory_space<vmem_shared>> -> memref<10240x128xf32, #tpu.memory_space<vmem_shared>>
      tpu.wait_indirect_dma semaphore(%run_scoped3A_333 : memref<!tpu.dma_semaphore, #tpu.memory_space<semaphore_mem>>) src(%arg10 : memref<125x128xf32, #tpu.memory_space<vmem>>) dst(%dma_wait3A_345 : memref<10240x128xf32, #tpu.memory_space<vmem_shared>>)
      tpu.yield
    }) : () -> ()
    %dma_start3A_107 = arith.constant 3 : i32
    %dma_start3A_108 = arith.constant 0 : i32
    %dma_start3A_109 = tpu.memref_slice %arg5[%dma_start3A_107, %dma_start3A_108] : memref<8x125xi32, #tpu.memory_space<vmem>> -> memref<1x125xi32, #tpu.memory_space<vmem>>
    %dma_start3A_110 = tpu.memref_squeeze %dma_start3A_109 : memref<1x125xi32, #tpu.memory_space<vmem>> -> memref<125xi32, #tpu.memory_space<vmem>>
    %dma_start3A_111 = arith.constant 0 : i32
    %dma_start3A_112 = arith.constant 0 : i32
    %dma_start3A_113 = tpu.memref_slice %arg2[%dma_start3A_111, %dma_start3A_112] : memref<10000x128xf32, #tpu.memory_space<hbm>> -> memref<10000x128xf32, #tpu.memory_space<hbm>>
    tpu.enqueue_indirect_dma source(%dma_start3A_113 : memref<10000x128xf32, #tpu.memory_space<hbm>>) target(%arg10 : memref<125x128xf32, #tpu.memory_space<vmem>>) offsets(%dma_start3A_110 : memref<125xi32, #tpu.memory_space<vmem>>) semaphore(%arg13 : memref<!tpu.dma_semaphore, #tpu.memory_space<semaphore_mem>>)
    %dma_wait3A_114 = arith.constant 2 : i32
    %dma_wait3A_115 = arith.constant 0 : i32
    %dma_wait3A_116 = tpu.memref_slice %arg5[%dma_wait3A_114, %dma_wait3A_115] : memref<8x125xi32, #tpu.memory_space<vmem>> -> memref<1x125xi32, #tpu.memory_space<vmem>>
    %dma_wait3A_117 = tpu.memref_squeeze %dma_wait3A_116 : memref<1x125xi32, #tpu.memory_space<vmem>> -> memref<125xi32, #tpu.memory_space<vmem>>
    %dma_wait3A_118 = arith.constant 0 : i32
    %dma_wait3A_119 = arith.constant 0 : i32
    %dma_wait3A_120 = tpu.memref_slice %arg2[%dma_wait3A_118, %dma_wait3A_119] : memref<10000x128xf32, #tpu.memory_space<hbm>> -> memref<10000x128xf32, #tpu.memory_space<hbm>>
    tpu.wait_indirect_dma semaphore(%arg12 : memref<!tpu.dma_semaphore, #tpu.memory_space<semaphore_mem>>) src(%dma_wait3A_120 : memref<10000x128xf32, #tpu.memory_space<hbm>>) dst(%arg9 : memref<125x128xf32, #tpu.memory_space<vmem>>)
    %run_scoped3A_121 = arith.constant 2 : i32
    "tpu.region"() ({
      %run_scoped3A_333 = tpu.sem_alloc : memref<!tpu.dma_semaphore, #tpu.memory_space<semaphore_mem>>
      %dma_start3A_334 = arith.constant 0 : i32
      %dma_start3A_335 = tpu.memref_slice %arg6[%run_scoped3A_121, %dma_start3A_334] : memref<8x125xi32, #tpu.memory_space<vmem>> -> memref<1x125xi32, #tpu.memory_space<vmem>>
      %dma_start3A_336 = tpu.memref_squeeze %dma_start3A_335 : memref<1x125xi32, #tpu.memory_space<vmem>> -> memref<125xi32, #tpu.memory_space<vmem>>
      %dma_start3A_337 = arith.constant 0 : i32
      %dma_start3A_338 = arith.constant 0 : i32
      %dma_start3A_339 = tpu.memref_slice %arg11[%dma_start3A_337, %dma_start3A_338] : memref<10240x128xf32, #tpu.memory_space<vmem_shared>> -> memref<10240x128xf32, #tpu.memory_space<vmem_shared>>
      tpu.enqueue_indirect_dma source(%arg9 : memref<125x128xf32, #tpu.memory_space<vmem>>) target(%dma_start3A_339 : memref<10240x128xf32, #tpu.memory_space<vmem_shared>>) offsets(%dma_start3A_336 : memref<125xi32, #tpu.memory_space<vmem>>) semaphore(%run_scoped3A_333 : memref<!tpu.dma_semaphore, #tpu.memory_space<semaphore_mem>>) {add = true}
      %dma_wait3A_340 = arith.constant 0 : i32
      %dma_wait3A_341 = tpu.memref_slice %arg6[%run_scoped3A_121, %dma_wait3A_340] : memref<8x125xi32, #tpu.memory_space<vmem>> -> memref<1x125xi32, #tpu.memory_space<vmem>>
      %dma_wait3A_342 = tpu.memref_squeeze %dma_wait3A_341 : memref<1x125xi32, #tpu.memory_space<vmem>> -> memref<125xi32, #tpu.memory_space<vmem>>
      %dma_wait3A_343 = arith.constant 0 : i32
      %dma_wait3A_344 = arith.constant 0 : i32
      %dma_wait3A_345 = tpu.memref_slice %arg11[%dma_wait3A_343, %dma_wait3A_344] : memref<10240x128xf32, #tpu.memory_space<vmem_shared>> -> memref<10240x128xf32, #tpu.memory_space<vmem_shared>>
      tpu.wait_indirect_dma semaphore(%run_scoped3A_333 : memref<!tpu.dma_semaphore, #tpu.memory_space<semaphore_mem>>) src(%arg9 : memref<125x128xf32, #tpu.memory_space<vmem>>) dst(%dma_wait3A_345 : memref<10240x128xf32, #tpu.memory_space<vmem_shared>>)
      tpu.yield
    }) : () -> ()
    %dma_start3A_122 = arith.constant 4 : i32
    %dma_start3A_123 = arith.constant 0 : i32
    %dma_start3A_124 = tpu.memref_slice %arg5[%dma_start3A_122, %dma_start3A_123] : memref<8x125xi32, #tpu.memory_space<vmem>> -> memref<1x125xi32, #tpu.memory_space<vmem>>
    %dma_start3A_125 = tpu.memref_squeeze %dma_start3A_124 : memref<1x125xi32, #tpu.memory_space<vmem>> -> memref<125xi32, #tpu.memory_space<vmem>>
    %dma_start3A_126 = arith.constant 0 : i32
    %dma_start3A_127 = arith.constant 0 : i32
    %dma_start3A_128 = tpu.memref_slice %arg2[%dma_start3A_126, %dma_start3A_127] : memref<10000x128xf32, #tpu.memory_space<hbm>> -> memref<10000x128xf32, #tpu.memory_space<hbm>>
    tpu.enqueue_indirect_dma source(%dma_start3A_128 : memref<10000x128xf32, #tpu.memory_space<hbm>>) target(%arg9 : memref<125x128xf32, #tpu.memory_space<vmem>>) offsets(%dma_start3A_125 : memref<125xi32, #tpu.memory_space<vmem>>) semaphore(%arg12 : memref<!tpu.dma_semaphore, #tpu.memory_space<semaphore_mem>>)
    %dma_wait3A_129 = arith.constant 3 : i32
    %dma_wait3A_130 = arith.constant 0 : i32
    %dma_wait3A_131 = tpu.memref_slice %arg5[%dma_wait3A_129, %dma_wait3A_130] : memref<8x125xi32, #tpu.memory_space<vmem>> -> memref<1x125xi32, #tpu.memory_space<vmem>>
    %dma_wait3A_132 = tpu.memref_squeeze %dma_wait3A_131 : memref<1x125xi32, #tpu.memory_space<vmem>> -> memref<125xi32, #tpu.memory_space<vmem>>
    %dma_wait3A_133 = arith.constant 0 : i32
    %dma_wait3A_134 = arith.constant 0 : i32
    %dma_wait3A_135 = tpu.memref_slice %arg2[%dma_wait3A_133, %dma_wait3A_134] : memref<10000x128xf32, #tpu.memory_space<hbm>> -> memref<10000x128xf32, #tpu.memory_space<hbm>>
    tpu.wait_indirect_dma semaphore(%arg13 : memref<!tpu.dma_semaphore, #tpu.memory_space<semaphore_mem>>) src(%dma_wait3A_135 : memref<10000x128xf32, #tpu.memory_space<hbm>>) dst(%arg10 : memref<125x128xf32, #tpu.memory_space<vmem>>)
    %run_scoped3A_136 = arith.constant 3 : i32
    "tpu.region"() ({
      %run_scoped3A_333 = tpu.sem_alloc : memref<!tpu.dma_semaphore, #tpu.memory_space<semaphore_mem>>
      %dma_start3A_334 = arith.constant 0 : i32
      %dma_start3A_335 = tpu.memref_slice %arg6[%run_scoped3A_136, %dma_start3A_334] : memref<8x125xi32, #tpu.memory_space<vmem>> -> memref<1x125xi32, #tpu.memory_space<vmem>>
      %dma_start3A_336 = tpu.memref_squeeze %dma_start3A_335 : memref<1x125xi32, #tpu.memory_space<vmem>> -> memref<125xi32, #tpu.memory_space<vmem>>
      %dma_start3A_337 = arith.constant 0 : i32
      %dma_start3A_338 = arith.constant 0 : i32
      %dma_start3A_339 = tpu.memref_slice %arg11[%dma_start3A_337, %dma_start3A_338] : memref<10240x128xf32, #tpu.memory_space<vmem_shared>> -> memref<10240x128xf32, #tpu.memory_space<vmem_shared>>
      tpu.enqueue_indirect_dma source(%arg10 : memref<125x128xf32, #tpu.memory_space<vmem>>) target(%dma_start3A_339 : memref<10240x128xf32, #tpu.memory_space<vmem_shared>>) offsets(%dma_start3A_336 : memref<125xi32, #tpu.memory_space<vmem>>) semaphore(%run_scoped3A_333 : memref<!tpu.dma_semaphore, #tpu.memory_space<semaphore_mem>>) {add = true}
      %dma_wait3A_340 = arith.constant 0 : i32
      %dma_wait3A_341 = tpu.memref_slice %arg6[%run_scoped3A_136, %dma_wait3A_340] : memref<8x125xi32, #tpu.memory_space<vmem>> -> memref<1x125xi32, #tpu.memory_space<vmem>>
      %dma_wait3A_342 = tpu.memref_squeeze %dma_wait3A_341 : memref<1x125xi32, #tpu.memory_space<vmem>> -> memref<125xi32, #tpu.memory_space<vmem>>
      %dma_wait3A_343 = arith.constant 0 : i32
      %dma_wait3A_344 = arith.constant 0 : i32
      %dma_wait3A_345 = tpu.memref_slice %arg11[%dma_wait3A_343, %dma_wait3A_344] : memref<10240x128xf32, #tpu.memory_space<vmem_shared>> -> memref<10240x128xf32, #tpu.memory_space<vmem_shared>>
      tpu.wait_indirect_dma semaphore(%run_scoped3A_333 : memref<!tpu.dma_semaphore, #tpu.memory_space<semaphore_mem>>) src(%arg10 : memref<125x128xf32, #tpu.memory_space<vmem>>) dst(%dma_wait3A_345 : memref<10240x128xf32, #tpu.memory_space<vmem_shared>>)
      tpu.yield
    }) : () -> ()
    %dma_start3A_137 = arith.constant 5 : i32
    %dma_start3A_138 = arith.constant 0 : i32
    %dma_start3A_139 = tpu.memref_slice %arg5[%dma_start3A_137, %dma_start3A_138] : memref<8x125xi32, #tpu.memory_space<vmem>> -> memref<1x125xi32, #tpu.memory_space<vmem>>
    %dma_start3A_140 = tpu.memref_squeeze %dma_start3A_139 : memref<1x125xi32, #tpu.memory_space<vmem>> -> memref<125xi32, #tpu.memory_space<vmem>>
    %dma_start3A_141 = arith.constant 0 : i32
    %dma_start3A_142 = arith.constant 0 : i32
    %dma_start3A_143 = tpu.memref_slice %arg2[%dma_start3A_141, %dma_start3A_142] : memref<10000x128xf32, #tpu.memory_space<hbm>> -> memref<10000x128xf32, #tpu.memory_space<hbm>>
    tpu.enqueue_indirect_dma source(%dma_start3A_143 : memref<10000x128xf32, #tpu.memory_space<hbm>>) target(%arg10 : memref<125x128xf32, #tpu.memory_space<vmem>>) offsets(%dma_start3A_140 : memref<125xi32, #tpu.memory_space<vmem>>) semaphore(%arg13 : memref<!tpu.dma_semaphore, #tpu.memory_space<semaphore_mem>>)
    %dma_wait3A_144 = arith.constant 4 : i32
    %dma_wait3A_145 = arith.constant 0 : i32
    %dma_wait3A_146 = tpu.memref_slice %arg5[%dma_wait3A_144, %dma_wait3A_145] : memref<8x125xi32, #tpu.memory_space<vmem>> -> memref<1x125xi32, #tpu.memory_space<vmem>>
    %dma_wait3A_147 = tpu.memref_squeeze %dma_wait3A_146 : memref<1x125xi32, #tpu.memory_space<vmem>> -> memref<125xi32, #tpu.memory_space<vmem>>
    %dma_wait3A_148 = arith.constant 0 : i32
    %dma_wait3A_149 = arith.constant 0 : i32
    %dma_wait3A_150 = tpu.memref_slice %arg2[%dma_wait3A_148, %dma_wait3A_149] : memref<10000x128xf32, #tpu.memory_space<hbm>> -> memref<10000x128xf32, #tpu.memory_space<hbm>>
    tpu.wait_indirect_dma semaphore(%arg12 : memref<!tpu.dma_semaphore, #tpu.memory_space<semaphore_mem>>) src(%dma_wait3A_150 : memref<10000x128xf32, #tpu.memory_space<hbm>>) dst(%arg9 : memref<125x128xf32, #tpu.memory_space<vmem>>)
    %run_scoped3A_151 = arith.constant 4 : i32
    "tpu.region"() ({
      %run_scoped3A_333 = tpu.sem_alloc : memref<!tpu.dma_semaphore, #tpu.memory_space<semaphore_mem>>
      %dma_start3A_334 = arith.constant 0 : i32
      %dma_start3A_335 = tpu.memref_slice %arg6[%run_scoped3A_151, %dma_start3A_334] : memref<8x125xi32, #tpu.memory_space<vmem>> -> memref<1x125xi32, #tpu.memory_space<vmem>>
      %dma_start3A_336 = tpu.memref_squeeze %dma_start3A_335 : memref<1x125xi32, #tpu.memory_space<vmem>> -> memref<125xi32, #tpu.memory_space<vmem>>
      %dma_start3A_337 = arith.constant 0 : i32
      %dma_start3A_338 = arith.constant 0 : i32
      %dma_start3A_339 = tpu.memref_slice %arg11[%dma_start3A_337, %dma_start3A_338] : memref<10240x128xf32, #tpu.memory_space<vmem_shared>> -> memref<10240x128xf32, #tpu.memory_space<vmem_shared>>
      tpu.enqueue_indirect_dma source(%arg9 : memref<125x128xf32, #tpu.memory_space<vmem>>) target(%dma_start3A_339 : memref<10240x128xf32, #tpu.memory_space<vmem_shared>>) offsets(%dma_start3A_336 : memref<125xi32, #tpu.memory_space<vmem>>) semaphore(%run_scoped3A_333 : memref<!tpu.dma_semaphore, #tpu.memory_space<semaphore_mem>>) {add = true}
      %dma_wait3A_340 = arith.constant 0 : i32
      %dma_wait3A_341 = tpu.memref_slice %arg6[%run_scoped3A_151, %dma_wait3A_340] : memref<8x125xi32, #tpu.memory_space<vmem>> -> memref<1x125xi32, #tpu.memory_space<vmem>>
      %dma_wait3A_342 = tpu.memref_squeeze %dma_wait3A_341 : memref<1x125xi32, #tpu.memory_space<vmem>> -> memref<125xi32, #tpu.memory_space<vmem>>
      %dma_wait3A_343 = arith.constant 0 : i32
      %dma_wait3A_344 = arith.constant 0 : i32
      %dma_wait3A_345 = tpu.memref_slice %arg11[%dma_wait3A_343, %dma_wait3A_344] : memref<10240x128xf32, #tpu.memory_space<vmem_shared>> -> memref<10240x128xf32, #tpu.memory_space<vmem_shared>>
      tpu.wait_indirect_dma semaphore(%run_scoped3A_333 : memref<!tpu.dma_semaphore, #tpu.memory_space<semaphore_mem>>) src(%arg9 : memref<125x128xf32, #tpu.memory_space<vmem>>) dst(%dma_wait3A_345 : memref<10240x128xf32, #tpu.memory_space<vmem_shared>>)
      tpu.yield
    }) : () -> ()
    %dma_start3A_152 = arith.constant 6 : i32
    %dma_start3A_153 = arith.constant 0 : i32
    %dma_start3A_154 = tpu.memref_slice %arg5[%dma_start3A_152, %dma_start3A_153] : memref<8x125xi32, #tpu.memory_space<vmem>> -> memref<1x125xi32, #tpu.memory_space<vmem>>
    %dma_start3A_155 = tpu.memref_squeeze %dma_start3A_154 : memref<1x125xi32, #tpu.memory_space<vmem>> -> memref<125xi32, #tpu.memory_space<vmem>>
    %dma_start3A_156 = arith.constant 0 : i32
    %dma_start3A_157 = arith.constant 0 : i32
    %dma_start3A_158 = tpu.memref_slice %arg2[%dma_start3A_156, %dma_start3A_157] : memref<10000x128xf32, #tpu.memory_space<hbm>> -> memref<10000x128xf32, #tpu.memory_space<hbm>>
    tpu.enqueue_indirect_dma source(%dma_start3A_158 : memref<10000x128xf32, #tpu.memory_space<hbm>>) target(%arg9 : memref<125x128xf32, #tpu.memory_space<vmem>>) offsets(%dma_start3A_155 : memref<125xi32, #tpu.memory_space<vmem>>) semaphore(%arg12 : memref<!tpu.dma_semaphore, #tpu.memory_space<semaphore_mem>>)
    %dma_wait3A_159 = arith.constant 5 : i32
    %dma_wait3A_160 = arith.constant 0 : i32
    %dma_wait3A_161 = tpu.memref_slice %arg5[%dma_wait3A_159, %dma_wait3A_160] : memref<8x125xi32, #tpu.memory_space<vmem>> -> memref<1x125xi32, #tpu.memory_space<vmem>>
    %dma_wait3A_162 = tpu.memref_squeeze %dma_wait3A_161 : memref<1x125xi32, #tpu.memory_space<vmem>> -> memref<125xi32, #tpu.memory_space<vmem>>
    %dma_wait3A_163 = arith.constant 0 : i32
    %dma_wait3A_164 = arith.constant 0 : i32
    %dma_wait3A_165 = tpu.memref_slice %arg2[%dma_wait3A_163, %dma_wait3A_164] : memref<10000x128xf32, #tpu.memory_space<hbm>> -> memref<10000x128xf32, #tpu.memory_space<hbm>>
    tpu.wait_indirect_dma semaphore(%arg13 : memref<!tpu.dma_semaphore, #tpu.memory_space<semaphore_mem>>) src(%dma_wait3A_165 : memref<10000x128xf32, #tpu.memory_space<hbm>>) dst(%arg10 : memref<125x128xf32, #tpu.memory_space<vmem>>)
    %run_scoped3A_166 = arith.constant 5 : i32
    "tpu.region"() ({
      %run_scoped3A_333 = tpu.sem_alloc : memref<!tpu.dma_semaphore, #tpu.memory_space<semaphore_mem>>
      %dma_start3A_334 = arith.constant 0 : i32
      %dma_start3A_335 = tpu.memref_slice %arg6[%run_scoped3A_166, %dma_start3A_334] : memref<8x125xi32, #tpu.memory_space<vmem>> -> memref<1x125xi32, #tpu.memory_space<vmem>>
      %dma_start3A_336 = tpu.memref_squeeze %dma_start3A_335 : memref<1x125xi32, #tpu.memory_space<vmem>> -> memref<125xi32, #tpu.memory_space<vmem>>
      %dma_start3A_337 = arith.constant 0 : i32
      %dma_start3A_338 = arith.constant 0 : i32
      %dma_start3A_339 = tpu.memref_slice %arg11[%dma_start3A_337, %dma_start3A_338] : memref<10240x128xf32, #tpu.memory_space<vmem_shared>> -> memref<10240x128xf32, #tpu.memory_space<vmem_shared>>
      tpu.enqueue_indirect_dma source(%arg10 : memref<125x128xf32, #tpu.memory_space<vmem>>) target(%dma_start3A_339 : memref<10240x128xf32, #tpu.memory_space<vmem_shared>>) offsets(%dma_start3A_336 : memref<125xi32, #tpu.memory_space<vmem>>) semaphore(%run_scoped3A_333 : memref<!tpu.dma_semaphore, #tpu.memory_space<semaphore_mem>>) {add = true}
      %dma_wait3A_340 = arith.constant 0 : i32
      %dma_wait3A_341 = tpu.memref_slice %arg6[%run_scoped3A_166, %dma_wait3A_340] : memref<8x125xi32, #tpu.memory_space<vmem>> -> memref<1x125xi32, #tpu.memory_space<vmem>>
      %dma_wait3A_342 = tpu.memref_squeeze %dma_wait3A_341 : memref<1x125xi32, #tpu.memory_space<vmem>> -> memref<125xi32, #tpu.memory_space<vmem>>
      %dma_wait3A_343 = arith.constant 0 : i32
      %dma_wait3A_344 = arith.constant 0 : i32
      %dma_wait3A_345 = tpu.memref_slice %arg11[%dma_wait3A_343, %dma_wait3A_344] : memref<10240x128xf32, #tpu.memory_space<vmem_shared>> -> memref<10240x128xf32, #tpu.memory_space<vmem_shared>>
      tpu.wait_indirect_dma semaphore(%run_scoped3A_333 : memref<!tpu.dma_semaphore, #tpu.memory_space<semaphore_mem>>) src(%arg10 : memref<125x128xf32, #tpu.memory_space<vmem>>) dst(%dma_wait3A_345 : memref<10240x128xf32, #tpu.memory_space<vmem_shared>>)
      tpu.yield
    }) : () -> ()
    %dma_start3A_167 = arith.constant 7 : i32
    %dma_start3A_168 = arith.constant 0 : i32
    %dma_start3A_169 = tpu.memref_slice %arg5[%dma_start3A_167, %dma_start3A_168] : memref<8x125xi32, #tpu.memory_space<vmem>> -> memref<1x125xi32, #tpu.memory_space<vmem>>
    %dma_start3A_170 = tpu.memref_squeeze %dma_start3A_169 : memref<1x125xi32, #tpu.memory_space<vmem>> -> memref<125xi32, #tpu.memory_space<vmem>>
    %dma_start3A_171 = arith.constant 0 : i32
    %dma_start3A_172 = arith.constant 0 : i32
    %dma_start3A_173 = tpu.memref_slice %arg2[%dma_start3A_171, %dma_start3A_172] : memref<10000x128xf32, #tpu.memory_space<hbm>> -> memref<10000x128xf32, #tpu.memory_space<hbm>>
    tpu.enqueue_indirect_dma source(%dma_start3A_173 : memref<10000x128xf32, #tpu.memory_space<hbm>>) target(%arg10 : memref<125x128xf32, #tpu.memory_space<vmem>>) offsets(%dma_start3A_170 : memref<125xi32, #tpu.memory_space<vmem>>) semaphore(%arg13 : memref<!tpu.dma_semaphore, #tpu.memory_space<semaphore_mem>>)
    %dma_wait3A_174 = arith.constant 6 : i32
    %dma_wait3A_175 = arith.constant 0 : i32
    %dma_wait3A_176 = tpu.memref_slice %arg5[%dma_wait3A_174, %dma_wait3A_175] : memref<8x125xi32, #tpu.memory_space<vmem>> -> memref<1x125xi32, #tpu.memory_space<vmem>>
    %dma_wait3A_177 = tpu.memref_squeeze %dma_wait3A_176 : memref<1x125xi32, #tpu.memory_space<vmem>> -> memref<125xi32, #tpu.memory_space<vmem>>
    %dma_wait3A_178 = arith.constant 0 : i32
    %dma_wait3A_179 = arith.constant 0 : i32
    %dma_wait3A_180 = tpu.memref_slice %arg2[%dma_wait3A_178, %dma_wait3A_179] : memref<10000x128xf32, #tpu.memory_space<hbm>> -> memref<10000x128xf32, #tpu.memory_space<hbm>>
    tpu.wait_indirect_dma semaphore(%arg12 : memref<!tpu.dma_semaphore, #tpu.memory_space<semaphore_mem>>) src(%dma_wait3A_180 : memref<10000x128xf32, #tpu.memory_space<hbm>>) dst(%arg9 : memref<125x128xf32, #tpu.memory_space<vmem>>)
    %run_scoped3A_181 = arith.constant 6 : i32
    "tpu.region"() ({
      %run_scoped3A_333 = tpu.sem_alloc : memref<!tpu.dma_semaphore, #tpu.memory_space<semaphore_mem>>
      %dma_start3A_334 = arith.constant 0 : i32
      %dma_start3A_335 = tpu.memref_slice %arg6[%run_scoped3A_181, %dma_start3A_334] : memref<8x125xi32, #tpu.memory_space<vmem>> -> memref<1x125xi32, #tpu.memory_space<vmem>>
      %dma_start3A_336 = tpu.memref_squeeze %dma_start3A_335 : memref<1x125xi32, #tpu.memory_space<vmem>> -> memref<125xi32, #tpu.memory_space<vmem>>
      %dma_start3A_337 = arith.constant 0 : i32
      %dma_start3A_338 = arith.constant 0 : i32
      %dma_start3A_339 = tpu.memref_slice %arg11[%dma_start3A_337, %dma_start3A_338] : memref<10240x128xf32, #tpu.memory_space<vmem_shared>> -> memref<10240x128xf32, #tpu.memory_space<vmem_shared>>
      tpu.enqueue_indirect_dma source(%arg9 : memref<125x128xf32, #tpu.memory_space<vmem>>) target(%dma_start3A_339 : memref<10240x128xf32, #tpu.memory_space<vmem_shared>>) offsets(%dma_start3A_336 : memref<125xi32, #tpu.memory_space<vmem>>) semaphore(%run_scoped3A_333 : memref<!tpu.dma_semaphore, #tpu.memory_space<semaphore_mem>>) {add = true}
      %dma_wait3A_340 = arith.constant 0 : i32
      %dma_wait3A_341 = tpu.memref_slice %arg6[%run_scoped3A_181, %dma_wait3A_340] : memref<8x125xi32, #tpu.memory_space<vmem>> -> memref<1x125xi32, #tpu.memory_space<vmem>>
      %dma_wait3A_342 = tpu.memref_squeeze %dma_wait3A_341 : memref<1x125xi32, #tpu.memory_space<vmem>> -> memref<125xi32, #tpu.memory_space<vmem>>
      %dma_wait3A_343 = arith.constant 0 : i32
      %dma_wait3A_344 = arith.constant 0 : i32
      %dma_wait3A_345 = tpu.memref_slice %arg11[%dma_wait3A_343, %dma_wait3A_344] : memref<10240x128xf32, #tpu.memory_space<vmem_shared>> -> memref<10240x128xf32, #tpu.memory_space<vmem_shared>>
      tpu.wait_indirect_dma semaphore(%run_scoped3A_333 : memref<!tpu.dma_semaphore, #tpu.memory_space<semaphore_mem>>) src(%arg9 : memref<125x128xf32, #tpu.memory_space<vmem>>) dst(%dma_wait3A_345 : memref<10240x128xf32, #tpu.memory_space<vmem_shared>>)
      tpu.yield
    }) : () -> ()
    %dma_wait3A_182 = arith.constant 0 : i32
    %dma_wait3A_183 = arith.constant 72 : i32
    %dma_wait3A_184 = arith.constant 0 : i32
    %dma_wait3A_185 = tpu.memref_slice %arg3[%dma_wait3A_182, %add3A, %dma_wait3A_183, %dma_wait3A_184] : memref<2x32x80x125xi32, #tpu.memory_space<hbm>> -> memref<1x1x8x125xi32, #tpu.memory_space<hbm>>
    %dma_wait3A_186 = tpu.memref_squeeze %dma_wait3A_185 : memref<1x1x8x125xi32, #tpu.memory_space<hbm>> -> memref<8x125xi32, #tpu.memory_space<hbm>>
    %dma_wait3A_187 = arith.constant 72 : i32
    %dma_wait3A_188 = arith.constant 0 : i32
    %dma_wait3A_189 = tpu.memref_slice %arg3[%dma_wait3A_182, %add3A, %dma_wait3A_187, %dma_wait3A_188] : memref<2x32x80x125xi32, #tpu.memory_space<hbm>> -> memref<1x1x8x125xi32, #tpu.memory_space<hbm>>
    %dma_wait3A_190 = tpu.memref_squeeze %dma_wait3A_189 : memref<1x1x8x125xi32, #tpu.memory_space<hbm>> -> memref<8x125xi32, #tpu.memory_space<hbm>>
    tpu.wait_dma2 semaphore(%arg15 : memref<!tpu.dma_semaphore, #tpu.memory_space<semaphore_mem>>) src(%dma_wait3A_190 : memref<8x125xi32, #tpu.memory_space<hbm>>) dst(%arg7 : memref<8x125xi32, #tpu.memory_space<vmem>>)
    %dma_wait3A_191 = arith.constant 1 : i32
    %dma_wait3A_192 = arith.constant 72 : i32
    %dma_wait3A_193 = arith.constant 0 : i32
    %dma_wait3A_194 = tpu.memref_slice %arg3[%dma_wait3A_191, %add3A, %dma_wait3A_192, %dma_wait3A_193] : memref<2x32x80x125xi32, #tpu.memory_space<hbm>> -> memref<1x1x8x125xi32, #tpu.memory_space<hbm>>
    %dma_wait3A_195 = tpu.memref_squeeze %dma_wait3A_194 : memref<1x1x8x125xi32, #tpu.memory_space<hbm>> -> memref<8x125xi32, #tpu.memory_space<hbm>>
    %dma_wait3A_196 = arith.constant 72 : i32
    %dma_wait3A_197 = arith.constant 0 : i32
    %dma_wait3A_198 = tpu.memref_slice %arg3[%dma_wait3A_191, %add3A, %dma_wait3A_196, %dma_wait3A_197] : memref<2x32x80x125xi32, #tpu.memory_space<hbm>> -> memref<1x1x8x125xi32, #tpu.memory_space<hbm>>
    %dma_wait3A_199 = tpu.memref_squeeze %dma_wait3A_198 : memref<1x1x8x125xi32, #tpu.memory_space<hbm>> -> memref<8x125xi32, #tpu.memory_space<hbm>>
    tpu.wait_dma2 semaphore(%arg15 : memref<!tpu.dma_semaphore, #tpu.memory_space<semaphore_mem>>) src(%dma_wait3A_199 : memref<8x125xi32, #tpu.memory_space<hbm>>) dst(%arg8 : memref<8x125xi32, #tpu.memory_space<vmem>>)
    %dma_start3A_200 = arith.constant 0 : i32
    %dma_start3A_201 = arith.constant 0 : i32
    %dma_start3A_202 = tpu.memref_slice %arg7[%dma_start3A_200, %dma_start3A_201] : memref<8x125xi32, #tpu.memory_space<vmem>> -> memref<1x125xi32, #tpu.memory_space<vmem>>
    %dma_start3A_203 = tpu.memref_squeeze %dma_start3A_202 : memref<1x125xi32, #tpu.memory_space<vmem>> -> memref<125xi32, #tpu.memory_space<vmem>>
    %dma_start3A_204 = arith.constant 0 : i32
    %dma_start3A_205 = arith.constant 0 : i32
    %dma_start3A_206 = tpu.memref_slice %arg2[%dma_start3A_204, %dma_start3A_205] : memref<10000x128xf32, #tpu.memory_space<hbm>> -> memref<10000x128xf32, #tpu.memory_space<hbm>>
    tpu.enqueue_indirect_dma source(%dma_start3A_206 : memref<10000x128xf32, #tpu.memory_space<hbm>>) target(%arg9 : memref<125x128xf32, #tpu.memory_space<vmem>>) offsets(%dma_start3A_203 : memref<125xi32, #tpu.memory_space<vmem>>) semaphore(%arg12 : memref<!tpu.dma_semaphore, #tpu.memory_space<semaphore_mem>>)
    %dma_wait3A_207 = arith.constant 7 : i32
    %dma_wait3A_208 = arith.constant 0 : i32
    %dma_wait3A_209 = tpu.memref_slice %arg5[%dma_wait3A_207, %dma_wait3A_208] : memref<8x125xi32, #tpu.memory_space<vmem>> -> memref<1x125xi32, #tpu.memory_space<vmem>>
    %dma_wait3A_210 = tpu.memref_squeeze %dma_wait3A_209 : memref<1x125xi32, #tpu.memory_space<vmem>> -> memref<125xi32, #tpu.memory_space<vmem>>
    %dma_wait3A_211 = arith.constant 0 : i32
    %dma_wait3A_212 = arith.constant 0 : i32
    %dma_wait3A_213 = tpu.memref_slice %arg2[%dma_wait3A_211, %dma_wait3A_212] : memref<10000x128xf32, #tpu.memory_space<hbm>> -> memref<10000x128xf32, #tpu.memory_space<hbm>>
    tpu.wait_indirect_dma semaphore(%arg13 : memref<!tpu.dma_semaphore, #tpu.memory_space<semaphore_mem>>) src(%dma_wait3A_213 : memref<10000x128xf32, #tpu.memory_space<hbm>>) dst(%arg10 : memref<125x128xf32, #tpu.memory_space<vmem>>)
    %run_scoped3A_214 = arith.constant 7 : i32
    "tpu.region"() ({
      %run_scoped3A_333 = tpu.sem_alloc : memref<!tpu.dma_semaphore, #tpu.memory_space<semaphore_mem>>
      %dma_start3A_334 = arith.constant 0 : i32
      %dma_start3A_335 = tpu.memref_slice %arg6[%run_scoped3A_214, %dma_start3A_334] : memref<8x125xi32, #tpu.memory_space<vmem>> -> memref<1x125xi32, #tpu.memory_space<vmem>>
      %dma_start3A_336 = tpu.memref_squeeze %dma_start3A_335 : memref<1x125xi32, #tpu.memory_space<vmem>> -> memref<125xi32, #tpu.memory_space<vmem>>
      %dma_start3A_337 = arith.constant 0 : i32
      %dma_start3A_338 = arith.constant 0 : i32
      %dma_start3A_339 = tpu.memref_slice %arg11[%dma_start3A_337, %dma_start3A_338] : memref<10240x128xf32, #tpu.memory_space<vmem_shared>> -> memref<10240x128xf32, #tpu.memory_space<vmem_shared>>
      tpu.enqueue_indirect_dma source(%arg10 : memref<125x128xf32, #tpu.memory_space<vmem>>) target(%dma_start3A_339 : memref<10240x128xf32, #tpu.memory_space<vmem_shared>>) offsets(%dma_start3A_336 : memref<125xi32, #tpu.memory_space<vmem>>) semaphore(%run_scoped3A_333 : memref<!tpu.dma_semaphore, #tpu.memory_space<semaphore_mem>>) {add = true}
      %dma_wait3A_340 = arith.constant 0 : i32
      %dma_wait3A_341 = tpu.memref_slice %arg6[%run_scoped3A_214, %dma_wait3A_340] : memref<8x125xi32, #tpu.memory_space<vmem>> -> memref<1x125xi32, #tpu.memory_space<vmem>>
      %dma_wait3A_342 = tpu.memref_squeeze %dma_wait3A_341 : memref<1x125xi32, #tpu.memory_space<vmem>> -> memref<125xi32, #tpu.memory_space<vmem>>
      %dma_wait3A_343 = arith.constant 0 : i32
      %dma_wait3A_344 = arith.constant 0 : i32
      %dma_wait3A_345 = tpu.memref_slice %arg11[%dma_wait3A_343, %dma_wait3A_344] : memref<10240x128xf32, #tpu.memory_space<vmem_shared>> -> memref<10240x128xf32, #tpu.memory_space<vmem_shared>>
      tpu.wait_indirect_dma semaphore(%run_scoped3A_333 : memref<!tpu.dma_semaphore, #tpu.memory_space<semaphore_mem>>) src(%arg10 : memref<125x128xf32, #tpu.memory_space<vmem>>) dst(%dma_wait3A_345 : memref<10240x128xf32, #tpu.memory_space<vmem_shared>>)
      tpu.yield
    }) : () -> ()
    %dma_start3A_215 = arith.constant 1 : i32
    %dma_start3A_216 = arith.constant 0 : i32
    %dma_start3A_217 = tpu.memref_slice %arg7[%dma_start3A_215, %dma_start3A_216] : memref<8x125xi32, #tpu.memory_space<vmem>> -> memref<1x125xi32, #tpu.memory_space<vmem>>
    %dma_start3A_218 = tpu.memref_squeeze %dma_start3A_217 : memref<1x125xi32, #tpu.memory_space<vmem>> -> memref<125xi32, #tpu.memory_space<vmem>>
    %dma_start3A_219 = arith.constant 0 : i32
    %dma_start3A_220 = arith.constant 0 : i32
    %dma_start3A_221 = tpu.memref_slice %arg2[%dma_start3A_219, %dma_start3A_220] : memref<10000x128xf32, #tpu.memory_space<hbm>> -> memref<10000x128xf32, #tpu.memory_space<hbm>>
    tpu.enqueue_indirect_dma source(%dma_start3A_221 : memref<10000x128xf32, #tpu.memory_space<hbm>>) target(%arg10 : memref<125x128xf32, #tpu.memory_space<vmem>>) offsets(%dma_start3A_218 : memref<125xi32, #tpu.memory_space<vmem>>) semaphore(%arg13 : memref<!tpu.dma_semaphore, #tpu.memory_space<semaphore_mem>>)
    %dma_wait3A_222 = arith.constant 0 : i32
    %dma_wait3A_223 = arith.constant 0 : i32
    %dma_wait3A_224 = tpu.memref_slice %arg7[%dma_wait3A_222, %dma_wait3A_223] : memref<8x125xi32, #tpu.memory_space<vmem>> -> memref<1x125xi32, #tpu.memory_space<vmem>>
    %dma_wait3A_225 = tpu.memref_squeeze %dma_wait3A_224 : memref<1x125xi32, #tpu.memory_space<vmem>> -> memref<125xi32, #tpu.memory_space<vmem>>
    %dma_wait3A_226 = arith.constant 0 : i32
    %dma_wait3A_227 = arith.constant 0 : i32
    %dma_wait3A_228 = tpu.memref_slice %arg2[%dma_wait3A_226, %dma_wait3A_227] : memref<10000x128xf32, #tpu.memory_space<hbm>> -> memref<10000x128xf32, #tpu.memory_space<hbm>>
    tpu.wait_indirect_dma semaphore(%arg12 : memref<!tpu.dma_semaphore, #tpu.memory_space<semaphore_mem>>) src(%dma_wait3A_228 : memref<10000x128xf32, #tpu.memory_space<hbm>>) dst(%arg9 : memref<125x128xf32, #tpu.memory_space<vmem>>)
    %run_scoped3A_229 = arith.constant 0 : i32
    "tpu.region"() ({
      %run_scoped3A_333 = tpu.sem_alloc : memref<!tpu.dma_semaphore, #tpu.memory_space<semaphore_mem>>
      %dma_start3A_334 = arith.constant 0 : i32
      %dma_start3A_335 = tpu.memref_slice %arg8[%run_scoped3A_229, %dma_start3A_334] : memref<8x125xi32, #tpu.memory_space<vmem>> -> memref<1x125xi32, #tpu.memory_space<vmem>>
      %dma_start3A_336 = tpu.memref_squeeze %dma_start3A_335 : memref<1x125xi32, #tpu.memory_space<vmem>> -> memref<125xi32, #tpu.memory_space<vmem>>
      %dma_start3A_337 = arith.constant 0 : i32
      %dma_start3A_338 = arith.constant 0 : i32
      %dma_start3A_339 = tpu.memref_slice %arg11[%dma_start3A_337, %dma_start3A_338] : memref<10240x128xf32, #tpu.memory_space<vmem_shared>> -> memref<10240x128xf32, #tpu.memory_space<vmem_shared>>
      tpu.enqueue_indirect_dma source(%arg9 : memref<125x128xf32, #tpu.memory_space<vmem>>) target(%dma_start3A_339 : memref<10240x128xf32, #tpu.memory_space<vmem_shared>>) offsets(%dma_start3A_336 : memref<125xi32, #tpu.memory_space<vmem>>) semaphore(%run_scoped3A_333 : memref<!tpu.dma_semaphore, #tpu.memory_space<semaphore_mem>>) {add = true}
      %dma_wait3A_340 = arith.constant 0 : i32
      %dma_wait3A_341 = tpu.memref_slice %arg8[%run_scoped3A_229, %dma_wait3A_340] : memref<8x125xi32, #tpu.memory_space<vmem>> -> memref<1x125xi32, #tpu.memory_space<vmem>>
      %dma_wait3A_342 = tpu.memref_squeeze %dma_wait3A_341 : memref<1x125xi32, #tpu.memory_space<vmem>> -> memref<125xi32, #tpu.memory_space<vmem>>
      %dma_wait3A_343 = arith.constant 0 : i32
      %dma_wait3A_344 = arith.constant 0 : i32
      %dma_wait3A_345 = tpu.memref_slice %arg11[%dma_wait3A_343, %dma_wait3A_344] : memref<10240x128xf32, #tpu.memory_space<vmem_shared>> -> memref<10240x128xf32, #tpu.memory_space<vmem_shared>>
      tpu.wait_indirect_dma semaphore(%run_scoped3A_333 : memref<!tpu.dma_semaphore, #tpu.memory_space<semaphore_mem>>) src(%arg9 : memref<125x128xf32, #tpu.memory_space<vmem>>) dst(%dma_wait3A_345 : memref<10240x128xf32, #tpu.memory_space<vmem_shared>>)
      tpu.yield
    }) : () -> ()
    %dma_start3A_230 = arith.constant 2 : i32
    %dma_start3A_231 = arith.constant 0 : i32
    %dma_start3A_232 = tpu.memref_slice %arg7[%dma_start3A_230, %dma_start3A_231] : memref<8x125xi32, #tpu.memory_space<vmem>> -> memref<1x125xi32, #tpu.memory_space<vmem>>
    %dma_start3A_233 = tpu.memref_squeeze %dma_start3A_232 : memref<1x125xi32, #tpu.memory_space<vmem>> -> memref<125xi32, #tpu.memory_space<vmem>>
    %dma_start3A_234 = arith.constant 0 : i32
    %dma_start3A_235 = arith.constant 0 : i32
    %dma_start3A_236 = tpu.memref_slice %arg2[%dma_start3A_234, %dma_start3A_235] : memref<10000x128xf32, #tpu.memory_space<hbm>> -> memref<10000x128xf32, #tpu.memory_space<hbm>>
    tpu.enqueue_indirect_dma source(%dma_start3A_236 : memref<10000x128xf32, #tpu.memory_space<hbm>>) target(%arg9 : memref<125x128xf32, #tpu.memory_space<vmem>>) offsets(%dma_start3A_233 : memref<125xi32, #tpu.memory_space<vmem>>) semaphore(%arg12 : memref<!tpu.dma_semaphore, #tpu.memory_space<semaphore_mem>>)
    %dma_wait3A_237 = arith.constant 1 : i32
    %dma_wait3A_238 = arith.constant 0 : i32
    %dma_wait3A_239 = tpu.memref_slice %arg7[%dma_wait3A_237, %dma_wait3A_238] : memref<8x125xi32, #tpu.memory_space<vmem>> -> memref<1x125xi32, #tpu.memory_space<vmem>>
    %dma_wait3A_240 = tpu.memref_squeeze %dma_wait3A_239 : memref<1x125xi32, #tpu.memory_space<vmem>> -> memref<125xi32, #tpu.memory_space<vmem>>
    %dma_wait3A_241 = arith.constant 0 : i32
    %dma_wait3A_242 = arith.constant 0 : i32
    %dma_wait3A_243 = tpu.memref_slice %arg2[%dma_wait3A_241, %dma_wait3A_242] : memref<10000x128xf32, #tpu.memory_space<hbm>> -> memref<10000x128xf32, #tpu.memory_space<hbm>>
    tpu.wait_indirect_dma semaphore(%arg13 : memref<!tpu.dma_semaphore, #tpu.memory_space<semaphore_mem>>) src(%dma_wait3A_243 : memref<10000x128xf32, #tpu.memory_space<hbm>>) dst(%arg10 : memref<125x128xf32, #tpu.memory_space<vmem>>)
    %run_scoped3A_244 = arith.constant 1 : i32
    "tpu.region"() ({
      %run_scoped3A_333 = tpu.sem_alloc : memref<!tpu.dma_semaphore, #tpu.memory_space<semaphore_mem>>
      %dma_start3A_334 = arith.constant 0 : i32
      %dma_start3A_335 = tpu.memref_slice %arg8[%run_scoped3A_244, %dma_start3A_334] : memref<8x125xi32, #tpu.memory_space<vmem>> -> memref<1x125xi32, #tpu.memory_space<vmem>>
      %dma_start3A_336 = tpu.memref_squeeze %dma_start3A_335 : memref<1x125xi32, #tpu.memory_space<vmem>> -> memref<125xi32, #tpu.memory_space<vmem>>
      %dma_start3A_337 = arith.constant 0 : i32
      %dma_start3A_338 = arith.constant 0 : i32
      %dma_start3A_339 = tpu.memref_slice %arg11[%dma_start3A_337, %dma_start3A_338] : memref<10240x128xf32, #tpu.memory_space<vmem_shared>> -> memref<10240x128xf32, #tpu.memory_space<vmem_shared>>
      tpu.enqueue_indirect_dma source(%arg10 : memref<125x128xf32, #tpu.memory_space<vmem>>) target(%dma_start3A_339 : memref<10240x128xf32, #tpu.memory_space<vmem_shared>>) offsets(%dma_start3A_336 : memref<125xi32, #tpu.memory_space<vmem>>) semaphore(%run_scoped3A_333 : memref<!tpu.dma_semaphore, #tpu.memory_space<semaphore_mem>>) {add = true}
      %dma_wait3A_340 = arith.constant 0 : i32
      %dma_wait3A_341 = tpu.memref_slice %arg8[%run_scoped3A_244, %dma_wait3A_340] : memref<8x125xi32, #tpu.memory_space<vmem>> -> memref<1x125xi32, #tpu.memory_space<vmem>>
      %dma_wait3A_342 = tpu.memref_squeeze %dma_wait3A_341 : memref<1x125xi32, #tpu.memory_space<vmem>> -> memref<125xi32, #tpu.memory_space<vmem>>
      %dma_wait3A_343 = arith.constant 0 : i32
      %dma_wait3A_344 = arith.constant 0 : i32
      %dma_wait3A_345 = tpu.memref_slice %arg11[%dma_wait3A_343, %dma_wait3A_344] : memref<10240x128xf32, #tpu.memory_space<vmem_shared>> -> memref<10240x128xf32, #tpu.memory_space<vmem_shared>>
      tpu.wait_indirect_dma semaphore(%run_scoped3A_333 : memref<!tpu.dma_semaphore, #tpu.memory_space<semaphore_mem>>) src(%arg10 : memref<125x128xf32, #tpu.memory_space<vmem>>) dst(%dma_wait3A_345 : memref<10240x128xf32, #tpu.memory_space<vmem_shared>>)
      tpu.yield
    }) : () -> ()
    %dma_start3A_245 = arith.constant 3 : i32
    %dma_start3A_246 = arith.constant 0 : i32
    %dma_start3A_247 = tpu.memref_slice %arg7[%dma_start3A_245, %dma_start3A_246] : memref<8x125xi32, #tpu.memory_space<vmem>> -> memref<1x125xi32, #tpu.memory_space<vmem>>
    %dma_start3A_248 = tpu.memref_squeeze %dma_start3A_247 : memref<1x125xi32, #tpu.memory_space<vmem>> -> memref<125xi32, #tpu.memory_space<vmem>>
    %dma_start3A_249 = arith.constant 0 : i32
    %dma_start3A_250 = arith.constant 0 : i32
    %dma_start3A_251 = tpu.memref_slice %arg2[%dma_start3A_249, %dma_start3A_250] : memref<10000x128xf32, #tpu.memory_space<hbm>> -> memref<10000x128xf32, #tpu.memory_space<hbm>>
    tpu.enqueue_indirect_dma source(%dma_start3A_251 : memref<10000x128xf32, #tpu.memory_space<hbm>>) target(%arg10 : memref<125x128xf32, #tpu.memory_space<vmem>>) offsets(%dma_start3A_248 : memref<125xi32, #tpu.memory_space<vmem>>) semaphore(%arg13 : memref<!tpu.dma_semaphore, #tpu.memory_space<semaphore_mem>>)
    %dma_wait3A_252 = arith.constant 2 : i32
    %dma_wait3A_253 = arith.constant 0 : i32
    %dma_wait3A_254 = tpu.memref_slice %arg7[%dma_wait3A_252, %dma_wait3A_253] : memref<8x125xi32, #tpu.memory_space<vmem>> -> memref<1x125xi32, #tpu.memory_space<vmem>>
    %dma_wait3A_255 = tpu.memref_squeeze %dma_wait3A_254 : memref<1x125xi32, #tpu.memory_space<vmem>> -> memref<125xi32, #tpu.memory_space<vmem>>
    %dma_wait3A_256 = arith.constant 0 : i32
    %dma_wait3A_257 = arith.constant 0 : i32
    %dma_wait3A_258 = tpu.memref_slice %arg2[%dma_wait3A_256, %dma_wait3A_257] : memref<10000x128xf32, #tpu.memory_space<hbm>> -> memref<10000x128xf32, #tpu.memory_space<hbm>>
    tpu.wait_indirect_dma semaphore(%arg12 : memref<!tpu.dma_semaphore, #tpu.memory_space<semaphore_mem>>) src(%dma_wait3A_258 : memref<10000x128xf32, #tpu.memory_space<hbm>>) dst(%arg9 : memref<125x128xf32, #tpu.memory_space<vmem>>)
    %run_scoped3A_259 = arith.constant 2 : i32
    "tpu.region"() ({
      %run_scoped3A_333 = tpu.sem_alloc : memref<!tpu.dma_semaphore, #tpu.memory_space<semaphore_mem>>
      %dma_start3A_334 = arith.constant 0 : i32
      %dma_start3A_335 = tpu.memref_slice %arg8[%run_scoped3A_259, %dma_start3A_334] : memref<8x125xi32, #tpu.memory_space<vmem>> -> memref<1x125xi32, #tpu.memory_space<vmem>>
      %dma_start3A_336 = tpu.memref_squeeze %dma_start3A_335 : memref<1x125xi32, #tpu.memory_space<vmem>> -> memref<125xi32, #tpu.memory_space<vmem>>
      %dma_start3A_337 = arith.constant 0 : i32
      %dma_start3A_338 = arith.constant 0 : i32
      %dma_start3A_339 = tpu.memref_slice %arg11[%dma_start3A_337, %dma_start3A_338] : memref<10240x128xf32, #tpu.memory_space<vmem_shared>> -> memref<10240x128xf32, #tpu.memory_space<vmem_shared>>
      tpu.enqueue_indirect_dma source(%arg9 : memref<125x128xf32, #tpu.memory_space<vmem>>) target(%dma_start3A_339 : memref<10240x128xf32, #tpu.memory_space<vmem_shared>>) offsets(%dma_start3A_336 : memref<125xi32, #tpu.memory_space<vmem>>) semaphore(%run_scoped3A_333 : memref<!tpu.dma_semaphore, #tpu.memory_space<semaphore_mem>>) {add = true}
      %dma_wait3A_340 = arith.constant 0 : i32
      %dma_wait3A_341 = tpu.memref_slice %arg8[%run_scoped3A_259, %dma_wait3A_340] : memref<8x125xi32, #tpu.memory_space<vmem>> -> memref<1x125xi32, #tpu.memory_space<vmem>>
      %dma_wait3A_342 = tpu.memref_squeeze %dma_wait3A_341 : memref<1x125xi32, #tpu.memory_space<vmem>> -> memref<125xi32, #tpu.memory_space<vmem>>
      %dma_wait3A_343 = arith.constant 0 : i32
      %dma_wait3A_344 = arith.constant 0 : i32
      %dma_wait3A_345 = tpu.memref_slice %arg11[%dma_wait3A_343, %dma_wait3A_344] : memref<10240x128xf32, #tpu.memory_space<vmem_shared>> -> memref<10240x128xf32, #tpu.memory_space<vmem_shared>>
      tpu.wait_indirect_dma semaphore(%run_scoped3A_333 : memref<!tpu.dma_semaphore, #tpu.memory_space<semaphore_mem>>) src(%arg9 : memref<125x128xf32, #tpu.memory_space<vmem>>) dst(%dma_wait3A_345 : memref<10240x128xf32, #tpu.memory_space<vmem_shared>>)
      tpu.yield
    }) : () -> ()
    %dma_start3A_260 = arith.constant 4 : i32
    %dma_start3A_261 = arith.constant 0 : i32
    %dma_start3A_262 = tpu.memref_slice %arg7[%dma_start3A_260, %dma_start3A_261] : memref<8x125xi32, #tpu.memory_space<vmem>> -> memref<1x125xi32, #tpu.memory_space<vmem>>
    %dma_start3A_263 = tpu.memref_squeeze %dma_start3A_262 : memref<1x125xi32, #tpu.memory_space<vmem>> -> memref<125xi32, #tpu.memory_space<vmem>>
    %dma_start3A_264 = arith.constant 0 : i32
    %dma_start3A_265 = arith.constant 0 : i32
    %dma_start3A_266 = tpu.memref_slice %arg2[%dma_start3A_264, %dma_start3A_265] : memref<10000x128xf32, #tpu.memory_space<hbm>> -> memref<10000x128xf32, #tpu.memory_space<hbm>>
    tpu.enqueue_indirect_dma source(%dma_start3A_266 : memref<10000x128xf32, #tpu.memory_space<hbm>>) target(%arg9 : memref<125x128xf32, #tpu.memory_space<vmem>>) offsets(%dma_start3A_263 : memref<125xi32, #tpu.memory_space<vmem>>) semaphore(%arg12 : memref<!tpu.dma_semaphore, #tpu.memory_space<semaphore_mem>>)
    %dma_wait3A_267 = arith.constant 3 : i32
    %dma_wait3A_268 = arith.constant 0 : i32
    %dma_wait3A_269 = tpu.memref_slice %arg7[%dma_wait3A_267, %dma_wait3A_268] : memref<8x125xi32, #tpu.memory_space<vmem>> -> memref<1x125xi32, #tpu.memory_space<vmem>>
    %dma_wait3A_270 = tpu.memref_squeeze %dma_wait3A_269 : memref<1x125xi32, #tpu.memory_space<vmem>> -> memref<125xi32, #tpu.memory_space<vmem>>
    %dma_wait3A_271 = arith.constant 0 : i32
    %dma_wait3A_272 = arith.constant 0 : i32
    %dma_wait3A_273 = tpu.memref_slice %arg2[%dma_wait3A_271, %dma_wait3A_272] : memref<10000x128xf32, #tpu.memory_space<hbm>> -> memref<10000x128xf32, #tpu.memory_space<hbm>>
    tpu.wait_indirect_dma semaphore(%arg13 : memref<!tpu.dma_semaphore, #tpu.memory_space<semaphore_mem>>) src(%dma_wait3A_273 : memref<10000x128xf32, #tpu.memory_space<hbm>>) dst(%arg10 : memref<125x128xf32, #tpu.memory_space<vmem>>)
    %run_scoped3A_274 = arith.constant 3 : i32
    "tpu.region"() ({
      %run_scoped3A_333 = tpu.sem_alloc : memref<!tpu.dma_semaphore, #tpu.memory_space<semaphore_mem>>
      %dma_start3A_334 = arith.constant 0 : i32
      %dma_start3A_335 = tpu.memref_slice %arg8[%run_scoped3A_274, %dma_start3A_334] : memref<8x125xi32, #tpu.memory_space<vmem>> -> memref<1x125xi32, #tpu.memory_space<vmem>>
      %dma_start3A_336 = tpu.memref_squeeze %dma_start3A_335 : memref<1x125xi32, #tpu.memory_space<vmem>> -> memref<125xi32, #tpu.memory_space<vmem>>
      %dma_start3A_337 = arith.constant 0 : i32
      %dma_start3A_338 = arith.constant 0 : i32
      %dma_start3A_339 = tpu.memref_slice %arg11[%dma_start3A_337, %dma_start3A_338] : memref<10240x128xf32, #tpu.memory_space<vmem_shared>> -> memref<10240x128xf32, #tpu.memory_space<vmem_shared>>
      tpu.enqueue_indirect_dma source(%arg10 : memref<125x128xf32, #tpu.memory_space<vmem>>) target(%dma_start3A_339 : memref<10240x128xf32, #tpu.memory_space<vmem_shared>>) offsets(%dma_start3A_336 : memref<125xi32, #tpu.memory_space<vmem>>) semaphore(%run_scoped3A_333 : memref<!tpu.dma_semaphore, #tpu.memory_space<semaphore_mem>>) {add = true}
      %dma_wait3A_340 = arith.constant 0 : i32
      %dma_wait3A_341 = tpu.memref_slice %arg8[%run_scoped3A_274, %dma_wait3A_340] : memref<8x125xi32, #tpu.memory_space<vmem>> -> memref<1x125xi32, #tpu.memory_space<vmem>>
      %dma_wait3A_342 = tpu.memref_squeeze %dma_wait3A_341 : memref<1x125xi32, #tpu.memory_space<vmem>> -> memref<125xi32, #tpu.memory_space<vmem>>
      %dma_wait3A_343 = arith.constant 0 : i32
      %dma_wait3A_344 = arith.constant 0 : i32
      %dma_wait3A_345 = tpu.memref_slice %arg11[%dma_wait3A_343, %dma_wait3A_344] : memref<10240x128xf32, #tpu.memory_space<vmem_shared>> -> memref<10240x128xf32, #tpu.memory_space<vmem_shared>>
      tpu.wait_indirect_dma semaphore(%run_scoped3A_333 : memref<!tpu.dma_semaphore, #tpu.memory_space<semaphore_mem>>) src(%arg10 : memref<125x128xf32, #tpu.memory_space<vmem>>) dst(%dma_wait3A_345 : memref<10240x128xf32, #tpu.memory_space<vmem_shared>>)
      tpu.yield
    }) : () -> ()
    %dma_start3A_275 = arith.constant 5 : i32
    %dma_start3A_276 = arith.constant 0 : i32
    %dma_start3A_277 = tpu.memref_slice %arg7[%dma_start3A_275, %dma_start3A_276] : memref<8x125xi32, #tpu.memory_space<vmem>> -> memref<1x125xi32, #tpu.memory_space<vmem>>
    %dma_start3A_278 = tpu.memref_squeeze %dma_start3A_277 : memref<1x125xi32, #tpu.memory_space<vmem>> -> memref<125xi32, #tpu.memory_space<vmem>>
    %dma_start3A_279 = arith.constant 0 : i32
    %dma_start3A_280 = arith.constant 0 : i32
    %dma_start3A_281 = tpu.memref_slice %arg2[%dma_start3A_279, %dma_start3A_280] : memref<10000x128xf32, #tpu.memory_space<hbm>> -> memref<10000x128xf32, #tpu.memory_space<hbm>>
    tpu.enqueue_indirect_dma source(%dma_start3A_281 : memref<10000x128xf32, #tpu.memory_space<hbm>>) target(%arg10 : memref<125x128xf32, #tpu.memory_space<vmem>>) offsets(%dma_start3A_278 : memref<125xi32, #tpu.memory_space<vmem>>) semaphore(%arg13 : memref<!tpu.dma_semaphore, #tpu.memory_space<semaphore_mem>>)
    %dma_wait3A_282 = arith.constant 4 : i32
    %dma_wait3A_283 = arith.constant 0 : i32
    %dma_wait3A_284 = tpu.memref_slice %arg7[%dma_wait3A_282, %dma_wait3A_283] : memref<8x125xi32, #tpu.memory_space<vmem>> -> memref<1x125xi32, #tpu.memory_space<vmem>>
    %dma_wait3A_285 = tpu.memref_squeeze %dma_wait3A_284 : memref<1x125xi32, #tpu.memory_space<vmem>> -> memref<125xi32, #tpu.memory_space<vmem>>
    %dma_wait3A_286 = arith.constant 0 : i32
    %dma_wait3A_287 = arith.constant 0 : i32
    %dma_wait3A_288 = tpu.memref_slice %arg2[%dma_wait3A_286, %dma_wait3A_287] : memref<10000x128xf32, #tpu.memory_space<hbm>> -> memref<10000x128xf32, #tpu.memory_space<hbm>>
    tpu.wait_indirect_dma semaphore(%arg12 : memref<!tpu.dma_semaphore, #tpu.memory_space<semaphore_mem>>) src(%dma_wait3A_288 : memref<10000x128xf32, #tpu.memory_space<hbm>>) dst(%arg9 : memref<125x128xf32, #tpu.memory_space<vmem>>)
    %run_scoped3A_289 = arith.constant 4 : i32
    "tpu.region"() ({
      %run_scoped3A_333 = tpu.sem_alloc : memref<!tpu.dma_semaphore, #tpu.memory_space<semaphore_mem>>
      %dma_start3A_334 = arith.constant 0 : i32
      %dma_start3A_335 = tpu.memref_slice %arg8[%run_scoped3A_289, %dma_start3A_334] : memref<8x125xi32, #tpu.memory_space<vmem>> -> memref<1x125xi32, #tpu.memory_space<vmem>>
      %dma_start3A_336 = tpu.memref_squeeze %dma_start3A_335 : memref<1x125xi32, #tpu.memory_space<vmem>> -> memref<125xi32, #tpu.memory_space<vmem>>
      %dma_start3A_337 = arith.constant 0 : i32
      %dma_start3A_338 = arith.constant 0 : i32
      %dma_start3A_339 = tpu.memref_slice %arg11[%dma_start3A_337, %dma_start3A_338] : memref<10240x128xf32, #tpu.memory_space<vmem_shared>> -> memref<10240x128xf32, #tpu.memory_space<vmem_shared>>
      tpu.enqueue_indirect_dma source(%arg9 : memref<125x128xf32, #tpu.memory_space<vmem>>) target(%dma_start3A_339 : memref<10240x128xf32, #tpu.memory_space<vmem_shared>>) offsets(%dma_start3A_336 : memref<125xi32, #tpu.memory_space<vmem>>) semaphore(%run_scoped3A_333 : memref<!tpu.dma_semaphore, #tpu.memory_space<semaphore_mem>>) {add = true}
      %dma_wait3A_340 = arith.constant 0 : i32
      %dma_wait3A_341 = tpu.memref_slice %arg8[%run_scoped3A_289, %dma_wait3A_340] : memref<8x125xi32, #tpu.memory_space<vmem>> -> memref<1x125xi32, #tpu.memory_space<vmem>>
      %dma_wait3A_342 = tpu.memref_squeeze %dma_wait3A_341 : memref<1x125xi32, #tpu.memory_space<vmem>> -> memref<125xi32, #tpu.memory_space<vmem>>
      %dma_wait3A_343 = arith.constant 0 : i32
      %dma_wait3A_344 = arith.constant 0 : i32
      %dma_wait3A_345 = tpu.memref_slice %arg11[%dma_wait3A_343, %dma_wait3A_344] : memref<10240x128xf32, #tpu.memory_space<vmem_shared>> -> memref<10240x128xf32, #tpu.memory_space<vmem_shared>>
      tpu.wait_indirect_dma semaphore(%run_scoped3A_333 : memref<!tpu.dma_semaphore, #tpu.memory_space<semaphore_mem>>) src(%arg9 : memref<125x128xf32, #tpu.memory_space<vmem>>) dst(%dma_wait3A_345 : memref<10240x128xf32, #tpu.memory_space<vmem_shared>>)
      tpu.yield
    }) : () -> ()
    %dma_start3A_290 = arith.constant 6 : i32
    %dma_start3A_291 = arith.constant 0 : i32
    %dma_start3A_292 = tpu.memref_slice %arg7[%dma_start3A_290, %dma_start3A_291] : memref<8x125xi32, #tpu.memory_space<vmem>> -> memref<1x125xi32, #tpu.memory_space<vmem>>
    %dma_start3A_293 = tpu.memref_squeeze %dma_start3A_292 : memref<1x125xi32, #tpu.memory_space<vmem>> -> memref<125xi32, #tpu.memory_space<vmem>>
    %dma_start3A_294 = arith.constant 0 : i32
    %dma_start3A_295 = arith.constant 0 : i32
    %dma_start3A_296 = tpu.memref_slice %arg2[%dma_start3A_294, %dma_start3A_295] : memref<10000x128xf32, #tpu.memory_space<hbm>> -> memref<10000x128xf32, #tpu.memory_space<hbm>>
    tpu.enqueue_indirect_dma source(%dma_start3A_296 : memref<10000x128xf32, #tpu.memory_space<hbm>>) target(%arg9 : memref<125x128xf32, #tpu.memory_space<vmem>>) offsets(%dma_start3A_293 : memref<125xi32, #tpu.memory_space<vmem>>) semaphore(%arg12 : memref<!tpu.dma_semaphore, #tpu.memory_space<semaphore_mem>>)
    %dma_wait3A_297 = arith.constant 5 : i32
    %dma_wait3A_298 = arith.constant 0 : i32
    %dma_wait3A_299 = tpu.memref_slice %arg7[%dma_wait3A_297, %dma_wait3A_298] : memref<8x125xi32, #tpu.memory_space<vmem>> -> memref<1x125xi32, #tpu.memory_space<vmem>>
    %dma_wait3A_300 = tpu.memref_squeeze %dma_wait3A_299 : memref<1x125xi32, #tpu.memory_space<vmem>> -> memref<125xi32, #tpu.memory_space<vmem>>
    %dma_wait3A_301 = arith.constant 0 : i32
    %dma_wait3A_302 = arith.constant 0 : i32
    %dma_wait3A_303 = tpu.memref_slice %arg2[%dma_wait3A_301, %dma_wait3A_302] : memref<10000x128xf32, #tpu.memory_space<hbm>> -> memref<10000x128xf32, #tpu.memory_space<hbm>>
    tpu.wait_indirect_dma semaphore(%arg13 : memref<!tpu.dma_semaphore, #tpu.memory_space<semaphore_mem>>) src(%dma_wait3A_303 : memref<10000x128xf32, #tpu.memory_space<hbm>>) dst(%arg10 : memref<125x128xf32, #tpu.memory_space<vmem>>)
    %run_scoped3A_304 = arith.constant 5 : i32
    "tpu.region"() ({
      %run_scoped3A_333 = tpu.sem_alloc : memref<!tpu.dma_semaphore, #tpu.memory_space<semaphore_mem>>
      %dma_start3A_334 = arith.constant 0 : i32
      %dma_start3A_335 = tpu.memref_slice %arg8[%run_scoped3A_304, %dma_start3A_334] : memref<8x125xi32, #tpu.memory_space<vmem>> -> memref<1x125xi32, #tpu.memory_space<vmem>>
      %dma_start3A_336 = tpu.memref_squeeze %dma_start3A_335 : memref<1x125xi32, #tpu.memory_space<vmem>> -> memref<125xi32, #tpu.memory_space<vmem>>
      %dma_start3A_337 = arith.constant 0 : i32
      %dma_start3A_338 = arith.constant 0 : i32
      %dma_start3A_339 = tpu.memref_slice %arg11[%dma_start3A_337, %dma_start3A_338] : memref<10240x128xf32, #tpu.memory_space<vmem_shared>> -> memref<10240x128xf32, #tpu.memory_space<vmem_shared>>
      tpu.enqueue_indirect_dma source(%arg10 : memref<125x128xf32, #tpu.memory_space<vmem>>) target(%dma_start3A_339 : memref<10240x128xf32, #tpu.memory_space<vmem_shared>>) offsets(%dma_start3A_336 : memref<125xi32, #tpu.memory_space<vmem>>) semaphore(%run_scoped3A_333 : memref<!tpu.dma_semaphore, #tpu.memory_space<semaphore_mem>>) {add = true}
      %dma_wait3A_340 = arith.constant 0 : i32
      %dma_wait3A_341 = tpu.memref_slice %arg8[%run_scoped3A_304, %dma_wait3A_340] : memref<8x125xi32, #tpu.memory_space<vmem>> -> memref<1x125xi32, #tpu.memory_space<vmem>>
      %dma_wait3A_342 = tpu.memref_squeeze %dma_wait3A_341 : memref<1x125xi32, #tpu.memory_space<vmem>> -> memref<125xi32, #tpu.memory_space<vmem>>
      %dma_wait3A_343 = arith.constant 0 : i32
      %dma_wait3A_344 = arith.constant 0 : i32
      %dma_wait3A_345 = tpu.memref_slice %arg11[%dma_wait3A_343, %dma_wait3A_344] : memref<10240x128xf32, #tpu.memory_space<vmem_shared>> -> memref<10240x128xf32, #tpu.memory_space<vmem_shared>>
      tpu.wait_indirect_dma semaphore(%run_scoped3A_333 : memref<!tpu.dma_semaphore, #tpu.memory_space<semaphore_mem>>) src(%arg10 : memref<125x128xf32, #tpu.memory_space<vmem>>) dst(%dma_wait3A_345 : memref<10240x128xf32, #tpu.memory_space<vmem_shared>>)
      tpu.yield
    }) : () -> ()
    %dma_start3A_305 = arith.constant 7 : i32
    %dma_start3A_306 = arith.constant 0 : i32
    %dma_start3A_307 = tpu.memref_slice %arg7[%dma_start3A_305, %dma_start3A_306] : memref<8x125xi32, #tpu.memory_space<vmem>> -> memref<1x125xi32, #tpu.memory_space<vmem>>
    %dma_start3A_308 = tpu.memref_squeeze %dma_start3A_307 : memref<1x125xi32, #tpu.memory_space<vmem>> -> memref<125xi32, #tpu.memory_space<vmem>>
    %dma_start3A_309 = arith.constant 0 : i32
    %dma_start3A_310 = arith.constant 0 : i32
    %dma_start3A_311 = tpu.memref_slice %arg2[%dma_start3A_309, %dma_start3A_310] : memref<10000x128xf32, #tpu.memory_space<hbm>> -> memref<10000x128xf32, #tpu.memory_space<hbm>>
    tpu.enqueue_indirect_dma source(%dma_start3A_311 : memref<10000x128xf32, #tpu.memory_space<hbm>>) target(%arg10 : memref<125x128xf32, #tpu.memory_space<vmem>>) offsets(%dma_start3A_308 : memref<125xi32, #tpu.memory_space<vmem>>) semaphore(%arg13 : memref<!tpu.dma_semaphore, #tpu.memory_space<semaphore_mem>>)
    %dma_wait3A_312 = arith.constant 6 : i32
    %dma_wait3A_313 = arith.constant 0 : i32
    %dma_wait3A_314 = tpu.memref_slice %arg7[%dma_wait3A_312, %dma_wait3A_313] : memref<8x125xi32, #tpu.memory_space<vmem>> -> memref<1x125xi32, #tpu.memory_space<vmem>>
    %dma_wait3A_315 = tpu.memref_squeeze %dma_wait3A_314 : memref<1x125xi32, #tpu.memory_space<vmem>> -> memref<125xi32, #tpu.memory_space<vmem>>
    %dma_wait3A_316 = arith.constant 0 : i32
    %dma_wait3A_317 = arith.constant 0 : i32
    %dma_wait3A_318 = tpu.memref_slice %arg2[%dma_wait3A_316, %dma_wait3A_317] : memref<10000x128xf32, #tpu.memory_space<hbm>> -> memref<10000x128xf32, #tpu.memory_space<hbm>>
    tpu.wait_indirect_dma semaphore(%arg12 : memref<!tpu.dma_semaphore, #tpu.memory_space<semaphore_mem>>) src(%dma_wait3A_318 : memref<10000x128xf32, #tpu.memory_space<hbm>>) dst(%arg9 : memref<125x128xf32, #tpu.memory_space<vmem>>)
    %run_scoped3A_319 = arith.constant 6 : i32
    "tpu.region"() ({
      %run_scoped3A_333 = tpu.sem_alloc : memref<!tpu.dma_semaphore, #tpu.memory_space<semaphore_mem>>
      %dma_start3A_334 = arith.constant 0 : i32
      %dma_start3A_335 = tpu.memref_slice %arg8[%run_scoped3A_319, %dma_start3A_334] : memref<8x125xi32, #tpu.memory_space<vmem>> -> memref<1x125xi32, #tpu.memory_space<vmem>>
      %dma_start3A_336 = tpu.memref_squeeze %dma_start3A_335 : memref<1x125xi32, #tpu.memory_space<vmem>> -> memref<125xi32, #tpu.memory_space<vmem>>
      %dma_start3A_337 = arith.constant 0 : i32
      %dma_start3A_338 = arith.constant 0 : i32
      %dma_start3A_339 = tpu.memref_slice %arg11[%dma_start3A_337, %dma_start3A_338] : memref<10240x128xf32, #tpu.memory_space<vmem_shared>> -> memref<10240x128xf32, #tpu.memory_space<vmem_shared>>
      tpu.enqueue_indirect_dma source(%arg9 : memref<125x128xf32, #tpu.memory_space<vmem>>) target(%dma_start3A_339 : memref<10240x128xf32, #tpu.memory_space<vmem_shared>>) offsets(%dma_start3A_336 : memref<125xi32, #tpu.memory_space<vmem>>) semaphore(%run_scoped3A_333 : memref<!tpu.dma_semaphore, #tpu.memory_space<semaphore_mem>>) {add = true}
      %dma_wait3A_340 = arith.constant 0 : i32
      %dma_wait3A_341 = tpu.memref_slice %arg8[%run_scoped3A_319, %dma_wait3A_340] : memref<8x125xi32, #tpu.memory_space<vmem>> -> memref<1x125xi32, #tpu.memory_space<vmem>>
      %dma_wait3A_342 = tpu.memref_squeeze %dma_wait3A_341 : memref<1x125xi32, #tpu.memory_space<vmem>> -> memref<125xi32, #tpu.memory_space<vmem>>
      %dma_wait3A_343 = arith.constant 0 : i32
      %dma_wait3A_344 = arith.constant 0 : i32
      %dma_wait3A_345 = tpu.memref_slice %arg11[%dma_wait3A_343, %dma_wait3A_344] : memref<10240x128xf32, #tpu.memory_space<vmem_shared>> -> memref<10240x128xf32, #tpu.memory_space<vmem_shared>>
      tpu.wait_indirect_dma semaphore(%run_scoped3A_333 : memref<!tpu.dma_semaphore, #tpu.memory_space<semaphore_mem>>) src(%arg9 : memref<125x128xf32, #tpu.memory_space<vmem>>) dst(%dma_wait3A_345 : memref<10240x128xf32, #tpu.memory_space<vmem_shared>>)
      tpu.yield
    }) : () -> ()
    %dma_wait3A_320 = arith.constant 7 : i32
    %dma_wait3A_321 = arith.constant 0 : i32
    %dma_wait3A_322 = tpu.memref_slice %arg7[%dma_wait3A_320, %dma_wait3A_321] : memref<8x125xi32, #tpu.memory_space<vmem>> -> memref<1x125xi32, #tpu.memory_space<vmem>>
    %dma_wait3A_323 = tpu.memref_squeeze %dma_wait3A_322 : memref<1x125xi32, #tpu.memory_space<vmem>> -> memref<125xi32, #tpu.memory_space<vmem>>
    %dma_wait3A_324 = arith.constant 0 : i32
    %dma_wait3A_325 = arith.constant 0 : i32
    %dma_wait3A_326 = tpu.memref_slice %arg2[%dma_wait3A_324, %dma_wait3A_325] : memref<10000x128xf32, #tpu.memory_space<hbm>> -> memref<10000x128xf32, #tpu.memory_space<hbm>>
    tpu.wait_indirect_dma semaphore(%arg13 : memref<!tpu.dma_semaphore, #tpu.memory_space<semaphore_mem>>) src(%dma_wait3A_326 : memref<10000x128xf32, #tpu.memory_space<hbm>>) dst(%arg10 : memref<125x128xf32, #tpu.memory_space<vmem>>)
    %run_scoped3A_327 = arith.constant 7 : i32
    "tpu.region"() ({
      %run_scoped3A_333 = tpu.sem_alloc : memref<!tpu.dma_semaphore, #tpu.memory_space<semaphore_mem>>
      %dma_start3A_334 = arith.constant 0 : i32
      %dma_start3A_335 = tpu.memref_slice %arg8[%run_scoped3A_327, %dma_start3A_334] : memref<8x125xi32, #tpu.memory_space<vmem>> -> memref<1x125xi32, #tpu.memory_space<vmem>>
      %dma_start3A_336 = tpu.memref_squeeze %dma_start3A_335 : memref<1x125xi32, #tpu.memory_space<vmem>> -> memref<125xi32, #tpu.memory_space<vmem>>
      %dma_start3A_337 = arith.constant 0 : i32
      %dma_start3A_338 = arith.constant 0 : i32
      %dma_start3A_339 = tpu.memref_slice %arg11[%dma_start3A_337, %dma_start3A_338] : memref<10240x128xf32, #tpu.memory_space<vmem_shared>> -> memref<10240x128xf32, #tpu.memory_space<vmem_shared>>
      tpu.enqueue_indirect_dma source(%arg10 : memref<125x128xf32, #tpu.memory_space<vmem>>) target(%dma_start3A_339 : memref<10240x128xf32, #tpu.memory_space<vmem_shared>>) offsets(%dma_start3A_336 : memref<125xi32, #tpu.memory_space<vmem>>) semaphore(%run_scoped3A_333 : memref<!tpu.dma_semaphore, #tpu.memory_space<semaphore_mem>>) {add = true}
      %dma_wait3A_340 = arith.constant 0 : i32
      %dma_wait3A_341 = tpu.memref_slice %arg8[%run_scoped3A_327, %dma_wait3A_340] : memref<8x125xi32, #tpu.memory_space<vmem>> -> memref<1x125xi32, #tpu.memory_space<vmem>>
      %dma_wait3A_342 = tpu.memref_squeeze %dma_wait3A_341 : memref<1x125xi32, #tpu.memory_space<vmem>> -> memref<125xi32, #tpu.memory_space<vmem>>
      %dma_wait3A_343 = arith.constant 0 : i32
      %dma_wait3A_344 = arith.constant 0 : i32
      %dma_wait3A_345 = tpu.memref_slice %arg11[%dma_wait3A_343, %dma_wait3A_344] : memref<10240x128xf32, #tpu.memory_space<vmem_shared>> -> memref<10240x128xf32, #tpu.memory_space<vmem_shared>>
      tpu.wait_indirect_dma semaphore(%run_scoped3A_333 : memref<!tpu.dma_semaphore, #tpu.memory_space<semaphore_mem>>) src(%arg10 : memref<125x128xf32, #tpu.memory_space<vmem>>) dst(%dma_wait3A_345 : memref<10240x128xf32, #tpu.memory_space<vmem_shared>>)
      tpu.yield
    }) : () -> ()
    %barrier3A_328 = arith.constant 0 : index
    tpu.barrier barrier_id(%barrier3A_328)
    %mul3A_329 = arith.constant 640 : i32
    %mul3A_330 = arith.muli %arg1, %mul3A_329 : i32
    %mul3A_331 = arith.constant 640 : i32
    %mul3A_332 = arith.muli %arg1, %mul3A_331 : i32
    "tpu.region"() ({
      %run_scoped3A_333 = tpu.sem_alloc : memref<!tpu.dma_semaphore, #tpu.memory_space<semaphore_mem>>
      %dma_start3A_334 = arith.constant 0 : i32
      %dma_start3A_335 = tpu.memref_slice %arg4[%arg0, %mul3A_332, %dma_start3A_334] : memref<2x10240x128xf32, #tpu.memory_space<hbm>> -> memref<1x640x128xf32, #tpu.memory_space<hbm>>
      %dma_start3A_336 = tpu.memref_squeeze %dma_start3A_335 : memref<1x640x128xf32, #tpu.memory_space<hbm>> -> memref<640x128xf32, #tpu.memory_space<hbm>>
      %dma_start3A_337 = arith.constant 0 : i32
      %dma_start3A_338 = tpu.memref_slice %arg11[%mul3A_330, %dma_start3A_337] : memref<10240x128xf32, #tpu.memory_space<vmem_shared>> -> memref<640x128xf32, #tpu.memory_space<vmem_shared>>
      tpu.enqueue_dma source(%dma_start3A_338 : memref<640x128xf32, #tpu.memory_space<vmem_shared>>) target(%dma_start3A_336 : memref<640x128xf32, #tpu.memory_space<hbm>>) target_semaphore(%run_scoped3A_333 : memref<!tpu.dma_semaphore, #tpu.memory_space<semaphore_mem>>)
      %dma_wait3A_339 = arith.constant 0 : i32
      %dma_wait3A_340 = tpu.memref_slice %arg4[%arg0, %mul3A_332, %dma_wait3A_339] : memref<2x10240x128xf32, #tpu.memory_space<hbm>> -> memref<1x640x128xf32, #tpu.memory_space<hbm>>
      %dma_wait3A_341 = tpu.memref_squeeze %dma_wait3A_340 : memref<1x640x128xf32, #tpu.memory_space<hbm>> -> memref<640x128xf32, #tpu.memory_space<hbm>>
      %dma_wait3A_342 = arith.constant 0 : i32
      %dma_wait3A_343 = tpu.memref_slice %arg11[%mul3A_330, %dma_wait3A_342] : memref<10240x128xf32, #tpu.memory_space<vmem_shared>> -> memref<640x128xf32, #tpu.memory_space<vmem_shared>>
      tpu.wait_dma2 semaphore(%run_scoped3A_333 : memref<!tpu.dma_semaphore, #tpu.memory_space<semaphore_mem>>) src(%dma_wait3A_343 : memref<640x128xf32, #tpu.memory_space<vmem_shared>>) dst(%dma_wait3A_341 : memref<640x128xf32, #tpu.memory_space<hbm>>)
      tpu.yield
    }) : () -> ()
    return
  }
}

</mosaic_0001>

<sc_bundles>
// kernel: wrapper.3.cloned.1.call-start
scs
__scs_entry_jumppad:
0x0: {  	(pc) =	sbr.rel $0x88, $3  }
0x1: {  	(tag) =	ssettag $0x0;
	lr =	simm.s32 $0x1  }
0x2: {  	[smem:$0x3F9F] =	sst lr;
	_ =	strace $0xD0000000  }
0x3: {  	_ = 	snop  }
0x4: {  	_ = 	snop  }
0x5: {  	_ = 	snop  }
0x6: {  	_ = 	snop  }
0x7: {  	_ = 	snop  }
__scs_overlays_trampoline_lowered:
0x8: {  	[smem:$0x3FAE] =	sst s0  }
0x9: {  	[smem:$0x3FAF] =	sst s1  }
0xa: {  	[smem:$0x3FB0] =	sst s2  }
0xb: {  	[smem:$0x3FB1] =	sst s3  }
0xc: {  	[smem:$0x3FB2] =	sst s4  }
0xd: {  	[smem:$0x3FB3] =	sst s5  }
0xe: {  	[smem:$0x3FB4] =	sst s6  }
0xf: {  	[smem:$0x3FB5] =	sst s7  }
0x10: {  	[smem:$0x3FB6] =	sst s8  }
0x11: {  	[smem:$0x3FB7] =	sst s9;
	s0 =	simm.s32 @!p0 $0x0  }
0x12: {  	s1 =	sld [smem:$0x3F9D];
	s0 =	simm.s32 @p0 $0x1  }
0x13: {  	[smem:$0x3FB8] =	sst s0;
	s0 =	simm.s32 @!p1 $0x0  }
0x14: {  	s2 =	sld [smem:$0x3F9C];
	s0 =	simm.s32 @p1 $0x1  }
0x15: {  	[smem:$0x3FB9] =	sst s0;
	s0 =	simm.s32 @!p2 $0x0  }
0x16: {  	s3 =	sld [smem:$0x3FDB];
	s0 =	simm.s32 @p2 $0x1  }
0x17: {  	s4 =	simm.s32 $0x1BF5;
	[smem:$0x3FBB] =	sst s0  }
0x18: {  	s0 =	sld [smem:$0x3F9E];
	_ =	swait.ge [sflag:s4], $0x0  }
0x19: {  	s7 =	sld [smem:$0x3F9F]  }
0x1a: {  	s8 =	sadd.s32 $0xFFFFE003, lr  }
0x1b: {  	s9 =	sadd.s32 $0xFFFFFEF7, lr;
	s5 =	simm.s32 $0xFFFFFFFF;
	p2 =	slt.u32 s8, $0xFFFFF086  }
0x1c: {  	p1 =	slt.u32 s9, $0xF7A;
	s5 =	simm.s32 @!p2 $0x0  }
0x1d: {  	s5 =	simm.s32 @p1 $0x1;
	p0 =	seq.s32 s7, s2  }
0x1e: {  	s7 =	smul.u32 @!p0 $0xF7A, s2;
	p2 =	seq.s32 @!p0 s5, $0x0  }
0x1f: {  	s9 =	smul.u32 $0xF7A, s1;
	s8 =	simm.s32 @!p0 $0x1BF5;
	p2 =	por !p2, p0  }
0x20: {  	[sflag:s8] =	ssyncset.s32 @!p0 $0xFFFFF086;
	s6 =	sadd.s32 @!p0 s3, s7;
	s7 =	simm.s32 @!p0 $0x108  }
0x21: {  	s3 =	sadd.s32 s3, s9;
	s6 =	sadd.s32 @!p0 $0x88, s6;
	s7 =	simm.s32 @p2 $0x1082  }
0x22: {  	[simem:s7], [sflag:s8] =	dma.local @!p0 [hbm:s6], $0xF7A  }
0x23: {  	s9 =	sor.u32 $0xD0000000, s2;
	s6 =	simm.s32 $0x108;
	_ =	swait.ge @!p0 [sflag:s8], $0x0  }
0x24: {  	s3 =	sadd.s32 $0x88, s3;
	s6 =	simm.s32 @!p1 $0x1082;
	[sflag:s4] =	ssyncset.s32 $0xFFFFF086  }
0x25: {  	[simem:s6], [sflag:s4] =	dma.local [hbm:s3], $0xF7A  }
0x26: {  	[smem:$0x3F9F] =	sst s1;
	(tag) =	ssettag s2;
	_ =	strace s9  }
0x27: {  	s1 =	sld [smem:$0x3FAF]  }
0x28: {  	s2 =	sld [smem:$0x3FB0]  }
0x29: {  	s4 =	sld [smem:$0x3FB2]  }
0x2a: {  	p0 =	seq.s32 s5, $0x0;
	s5 =	sld [smem:$0x3FB3]  }
0x2b: {  	s6 =	sld [smem:$0x3FB4]  }
0x2c: {  	s7 =	sld [smem:$0x3FB5]  }
0x2d: {  	s3 =	simm.s32 $0x108;
	s8 =	sld [smem:$0x3FB6]  }
0x2e: {  	s3 =	simm.s32 @!p0 $0x1082;
	s9 =	sld [smem:$0x3FB7]  }
0x2f: {  	lr =	sadd.s32 s0, s3;
	s0 =	sld [smem:$0x3FAE]  }
0x30: {  	s3 =	sld [smem:$0x3FB1]  }
0x31: {  	[smem:$0x3FBA] =	sst s10  }
0x32: {  	s10 =	sld [smem:$0x3FB8];
	_ =	sdelay $0x3  }
0x33: {  	p0 =	seq.s32 s10, $0x1;
	s10 =	sld [smem:$0x3FBA];
	_ =	sdelay $0x3  }
0x34: {  	[smem:$0x3FBA] =	sst s10  }
0x35: {  	s10 =	sld [smem:$0x3FB9];
	_ =	sdelay $0x3  }
0x36: {  	p1 =	seq.s32 s10, $0x1;
	s10 =	sld [smem:$0x3FBA];
	_ =	sdelay $0x3  }
0x37: {  	[smem:$0x3FBA] =	sst s10  }
0x38: {  	s10 =	sld [smem:$0x3FBB]  }
0x39: {  	_ = 	snop;
	(pc) =	sbr.ind lr, $3  }
0x3a: {  	_ = 	snop  }
0x3b: {  	_ = 	snop  }
0x3c: {  	p2 =	seq.s32 s10, $0x1;
	s10 =	sld [smem:$0x3FBA]  }
0x3d: {  	_ =	shalt  }
0x3e: {  	_ =	shalt  }
0x3f: {  	_ =	shalt  }
0x40: {  	_ =	shalt  }
0x41: {  	_ =	shalt  }
0x42: {  	_ =	shalt  }
0x43: {  	_ =	shalt  }
0x44: {  	_ =	shalt  }
0x45: {  	_ =	shalt  }
0x46: {  	_ =	shalt  }
0x47: {  	_ =	shalt  }
0x48: {  	_ =	shalt  }
0x49: {  	_ =	shalt  }
0x4a: {  	_ =	shalt  }
0x4b: {  	_ =	shalt  }
0x4c: {  	_ =	shalt  }
0x4d: {  	_ =	shalt  }
0x4e: {  	_ =	shalt  }
0x4f: {  	_ =	shalt  }
0x50: {  	_ =	shalt  }
0x51: {  	_ =	shalt  }
0x52: {  	_ =	shalt  }
0x53: {  	_ =	shalt  }
0x54: {  	_ =	shalt  }
0x55: {  	_ =	shalt  }
0x56: {  	_ =	shalt  }
0x57: {  	_ =	shalt  }
0x58: {  	_ =	shalt  }
0x59: {  	_ =	shalt  }
0x5a: {  	_ =	shalt  }
0x5b: {  	_ =	shalt  }
0x5c: {  	_ =	shalt  }
0x5d: {  	_ =	shalt  }
0x5e: {  	_ =	shalt  }
0x5f: {  	_ =	shalt  }
0x60: {  	_ =	shalt  }
0x61: {  	_ =	shalt  }
0x62: {  	_ =	shalt  }
0x63: {  	_ =	shalt  }
0x64: {  	_ =	shalt  }
0x65: {  	_ =	shalt  }
0x66: {  	_ =	shalt  }
0x67: {  	_ =	shalt  }
0x68: {  	_ =	shalt  }
0x69: {  	_ =	shalt  }
0x6a: {  	_ =	shalt  }
0x6b: {  	_ =	shalt  }
0x6c: {  	_ =	shalt  }
0x6d: {  	_ =	shalt  }
0x6e: {  	_ =	shalt  }
0x6f: {  	_ =	shalt  }
0x70: {  	_ =	shalt  }
0x71: {  	_ =	shalt  }
0x72: {  	_ =	shalt  }
0x73: {  	_ =	shalt  }
0x74: {  	_ =	shalt  }
0x75: {  	_ =	shalt  }
0x76: {  	_ =	shalt  }
0x77: {  	_ =	shalt  }
0x78: {  	_ =	shalt  }
0x79: {  	_ =	shalt  }
0x7a: {  	_ =	shalt  }
0x7b: {  	_ =	shalt  }
0x7c: {  	_ =	shalt  }
0x7d: {  	_ =	shalt  }
0x7e: {  	_ =	shalt  }
0x7f: {  	_ =	shalt  }
0x80: {  	_ =	shalt  }
0x81: {  	_ =	shalt  }
0x82: {  	_ =	shalt  }
0x83: {  	_ =	shalt  }
0x84: {  	_ =	shalt  }
0x85: {  	_ =	shalt  }
0x86: {  	_ =	shalt  }
0x87: {  	_ =	shalt  }
.Lfunc_end0:
.L_simem_size_0:
called_computation_lowered:
.L_overlay_start_0:
0x88: {  	s2 =	sld [smem:$0x3FD9]  }
0x89: {  	s3 =	sld [smem:$0x3FFE];
	_ =	sdelay $0x1  }
0x8a: {  	s1 =	srdreg.scid  }
0x8b: {  	s0 =	sand.u32 $0x1, s1  }
0x8c: {  	s18 =	sshll.u32 s0, $0xA;
	s2 =	sadd.s32 s3, s2  }
0x8d: {  	s2 =	sadd.s32 s2, s18  }
0x8e: {  	[smem:$0x3FC6] =	sst s2  }
0x8f: {  	_ = 	snop  }
0x90: {  	s2 =	sld [smem:$0x3FC9]  }
0x91: {  	s19 =	sld [smem:$0x3FC8]  }
0x92: {  	s4 =	sld [smem:$0x3FD0];
	(tm) =	ssettm $0x1  }
0x93: {  	s5 =	sld [smem:$0x3FFB];
	_ =	sdelay $0x3  }
0x94: {  	_ =	strace s5  }
0x95: {  	s5 =	sld [smem:$0x3FFC];
	_ =	sdelay $0x3  }
0x96: {  	_ =	strace s5  }
0x97: {  	s5 =	sld [smem:$0x3FFD];
	_ =	sdelay $0x3  }
0x98: {  	_ =	strace s5  }
0x99: {  	_ =	strace $0x8FFFFFFF  }
0x9a: {  	s20 =	sld [smem:$0x3FDB];
	_ =	sdelay $0x1  }
0x9b: {  	s6 =	simm.s32 $_scs_section_size  }
0x9c: {  	s7 =	simm.s32 $_size__tile_overlayer_lowered;
	s8 =	simm.s32 $_tile_overlayer_lowered  }
0x9d: {  	s23 =	simm.s32 $0x1BFF;
	s22 =	sshll.u32 s8, $0x1;
	s5 =	sadd.s32 s6, s20  }
0x9e: {  	s9 =	simm.s32 $0x0;
	s21 =	sshll.u32 s7, $0x1;
	s7 =	sadd.s32 s22, s5  }
0x9f: {  	[timem:s9], [sflag:s23] =	dma.local [hbm:s7], s21  }
0xa0: {  	_ =	swait.ge [sflag:s23], s21  }
0xa1: {  	s6 =	ssub.s32 $0x0, s21;
	[sflag:s23] =	ssyncset.done $0x0  }
0xa2: {  	[sflag:s23] =	ssyncadd.s32 s6;
	_ =	sdelay $0x1  }
0xa3: {  	s24 =	simm.s32 $0x1B8B  }
0xa4: {  	_ =	swait.ge [sflag:s24], $0x1  }
0xa5: {  	[sflag:s24] =	ssyncset.done $0x0  }
0xa6: {  	s25 =	simm.s32 $0x1B8E;
	[sflag:s24] =	ssyncadd.s32 $0xFFFFFFFF  }
0xa7: {  	s26 =	simm.s32 $execute0_lowered;
	[smem:$0x3FD2] =	sst s25  }
0xa8: {  	s6 =	sshll.u32 s26, $0x1;
	_ =	strace $0x80000046;
	[dreg:$0x1] =	wrdreg $0xFFFFFFFF  }
0xa9: {  	s28 =	simm.s32 $_size_execute0_lowered;
	s5 =	sadd.s32 s5, s6;
	[dreg:$0x0] =	wrdreg $0x0  }
0xaa: {  	s6 =	sshll.u32 s28, $0x1;
	[dreg:$0x2] =	wrdreg s5  }
0xab: {  	[dreg:$0x3] =	wrdreg s6  }
0xac: {  	[dreg:$0x4] =	wrdreg $0xC0  }
0xad: {  	_ =	task [dreg:s9], $0x5FFFF  }
0xae: {  	[dreg:$0x1] =	wrdreg $0xFFFFFFFF  }
0xaf: {  	[dreg:$0x0] =	wrdreg $0x60  }
0xb0: {  	[dreg:$0x2] =	wrdreg s2  }
0xb1: {  	[dreg:$0x3] =	wrdreg s19  }
0xb2: {  	[dreg:$0x4] =	wrdreg s4  }
0xb3: {  	[dreg:$0x5] =	wrdreg $0x90000  }
0xb4: {  	[dreg:$0x6] =	wrdreg $0x9  }
0xb5: {  	_ =	task.clear_ibuf [dreg:s9], $0x7FFFF;
	_ =	strace $0x90000046  }
0xb6: {  	s29 =	simm.s32 $0x9;
	_ =	strace $0x80000048  }
0xb7: {  	_ =	swait.ge [sflag:s29], $0x1  }
0xb8: {  	[sflag:s29] =	ssyncadd.s32 $0xFFFFFFFF  }
0xb9: {  	_ =	strace $0x90000048  }
0xba: {  	_ =	sfence  }
0xbb: {  	s30 =	sld [smem:$0x0];
	_ =	sdelay $0x2  }
0xbc: {  	s31 =	sshll.u32 s1, $0xD;
	s1 =	sshrl.u32 s1, $0x2  }
0xbd: {  	s3 =	sand.u32 $0x4000, s31;
	s1 =	sadd.s32 s1, s30  }
0xbe: {  	s0 =	sor.u32 s3, s0;
	s1 =	sshll.u32 s1, $0x11  }
0xbf: {  	s0 =	sor.u32 s1, s0  }
0xc0: {  	s0 =	sadd.s32 $0x8F2B, s0  }
0xc1: {  	[sflag:s0] =	ssyncadd.remote.s32 $0x1  }
0xc2: {  	_ =	sfence.sel $0xFFFF  }
0xc3: {  	[dreg:$0x0] =	wrdreg $0xFFFFFFFF;
	(pc) =	sbr.abs _section_cstart, $3  }
0xc4: {  	[dreg:$0x1] =	wrdreg $0xFFFFFFFF  }
0xc5: {  	_ =	task.clear_ibuf [dreg:s9], $0x2FFFF;
	_ =	strace $0x9FFFFFFF  }
0xc6: {  	(tm) =	ssettm $0x7FFFFFFF  }
0xc7: {  	_ =	shalt  }
tec
execute0_lowered:
.L_overlay_start_1:
0x0: {  	(tag) =	ssettag $0x1  }
0x1: {  	s1 =	rddreg [dreg:$0x0]  }
0x2: {  	s14 =	rddreg [dreg:$0x1]  }
0x3: {  	s0 =	rddreg [dreg:$0x2]  }
0x4: {  	s4 =	rddreg [dreg:$0x3];
	s5 =	simm.s32 $0x0;
	s9 =	stileid.u32  }
0x5: {  	s2 =	srdreg.scid;
	s28 =	simm.s32 $0x800;
	s29 =	simm.s32 $0xC00  }
0x6: {  	s31 =	simm.s32 $0x5000;
	s30 =	simm.s32 $0x380;
	s3 =	smul.u32 $0x50000, s9  }
0x7: {  	[smem:$0x7FF] =	sst s5;
	s2 =	sand.u32 $0x1, s2;
	s24 =	smul.u32 $0x14000, s9  }
0x8: {  	s11 =	smul.u32 $0x2800, s9;
	_ =	strace $0x80000047;
	s6 =	ssub.s32 $0x2, s2  }
0x9: {  	s7 =	sshll.u32 s2, $0x4;
	s20 =	smul.u32 $0x140000, s2;
	s3 =	sshrl.u32 s3, $0x2  }
0xa: {  	s2 =	smul.u32 $0x28000, s2;
	s8 =	sshrl.u32 s6, $0x1;
	s21 =	sadd.s32 s3, s4  }
0xb: {  	s7 =	sor.u32 s9, s7;
	s16 =	sadd.s32 $0x2000, s21;
	[dreg:$0x8] =	wrdreg s21  }
0xc: {  	s9 =	simm.s32 $0x500;
	s18 =	sadd.s32 $0x4000, s21;
	[dreg:$0x9] =	wrdreg s16  }
0xd: {  	s3 =	ssub.s32 s6, s8;
	s19 =	sadd.s32 $0x6000, s21;
	[dreg:$0xa] =	wrdreg s18  }
0xe: {  	s17 =	smul.u32 $0x2800, s7;
	s22 =	sadd.s32 $0x8000, s21;
	[dreg:$0xb] =	wrdreg s19  }
0xf: {  	s7 =	sadd.s32 s24, s20;
	s23 =	sadd.s32 $0xA000, s21;
	[dreg:$0xc] =	wrdreg s22  }
0x10: {  	s2 =	sadd.s32 s11, s2;
	s10 =	sadd.s32 $0xC000, s21;
	[dreg:$0xd] =	wrdreg s23  }
0x11: {  	s8 =	simm.s32 $0x180;
	s25 =	sadd.s32 $0xE000, s21;
	[dreg:$0xe] =	wrdreg s10  }
0x12: {  	s11 =	simm.s32 $0x580;
	s12 =	sadd.s32 $0x10000, s21;
	[dreg:$0xf] =	wrdreg s25  }
0x13: {  	s13 =	sadd.s32 $0x12000, s21;
	s3 =	smax.u32 s3, $0x1;
	[dreg:$0x11] =	wrdreg s12  }
0x14: {  	s6 =	sshrl.u32 s17, $0x3;
	[dreg:$0x12] =	wrdreg s13;
	s18 =	sshrl.u32 s7, $0x3  }
0x15: {  	s19 =	sadd.s32 $0x50800, s2;
	s22 =	sor.u32 $0x400, s2;
	s23 =	sadd.s32 $0x50400, s2  }
0x16: {  	[dreg:$0x17] =	wrdreg s3;
	s2 =	sadd.s32 $0x800, s2;
	s7 =	simm.s32 $0x2  }
0x17: {  	s3 =	simm.s32 $0x480;
	s10 =	simm.s32 $0x200;
	s12 =	simm.s32 $0x280  }
0x18: {  	s13 =	simm.s32 $0x600;
	s26 =	sadd.s32 s14, s6;
	[dreg:$0x18] =	wrdreg s2  }
0x19: {  	s0 =	sadd.s32 s0, s18;
	s20 =	sshrl.u32 s19, $0x3;
	[dreg:$0x10] =	wrdreg s26  }
0x1a: {  	s6 =	sshrl.u32 s22, $0x3;
	s15 =	sadd.s32 $0xA000, s26;
	[dreg:$0x16] =	wrdreg s0  }
0x1b: {  	s25 =	sshrl.u32 s23, $0x3;
	s16 =	sadd.s32 $0x480, s26;
	[dreg:$0x13] =	wrdreg s15  }
0x1c: {  	s23 =	simm.s32 $0x1000;
	s17 =	sadd.s32 $0xA480, s26;
	[dreg:$0x14] =	wrdreg s16  }
0x1d: {  	s2 =	simm.s32 $0x80;
	s0 =	sadd.s32 s20, s14;
	[dreg:$0x15] =	wrdreg s17  }
0x1e: {  	s22 =	simm.s32 $0x100;
	s24 =	sadd.s32 s6, s14;
	[dreg:$0x5] =	wrdreg s0  }
0x1f: {  	s18 =	simm.s32 $0x0;
	s26 =	sadd.s32 s25, s14;
	[dreg:$0x6] =	wrdreg s24  }
0x20: {  	s25 =	simm.s32 $0x400;
	s20 =	simm.s32 $0x4;
	[dreg:$0x7] =	wrdreg s26  }
0x21: {  	s24 =	simm.s32 $0x5;
	s26 =	simm.s32 $0x7D;
	s0 =	simm.s32 $0x1  }
0x22: {  	v0 =	vimm.f32 $0.0e+00;
	s15 =	simm.s32 $0x300;
	s17 =	simm.s32 $0x680;
	s16 =	simm.s32 $0x3  }
.LBB2_1:
0x23: {  	[dreg:$0x19] =	wrdreg s18;
	s18 =	simm.s32 $0x0;
	s19 =	simm.s32 $0x200  }
.LBB2_2:
0x24: {  	p0 =	sne.s32 s19, $0x7E00;
	[tilespmem:s18+$0x1070] =	vst v0  }
0x25: {  	[tilespmem:s18+$0x1000] =	vst v0  }
0x26: {  	[tilespmem:s18+$0x1010] =	vst v0  }
.Ltmp0:
0x27: {  	[tilespmem:s18+$0x1020] =	vst v0;
	(pc) =	sbr.rel @p0 .LBB2_2-.Ltmp0, $4  }
0x28: {  	[tilespmem:s18+$0x1030] =	vst v0  }
0x29: {  	[tilespmem:s18+$0x1040] =	vst v0  }
0x2a: {  	[tilespmem:s18+$0x1050] =	vst v0  }
0x2b: {  	[tilespmem:s18+$0x1060] =	vst v0;
	s18 =	sshra.s32 s19, $0x2;
	s19 =	sadd.s32 $0x200, s19  }
0x2c: {  	[tilespmem:s18+$0x1070] =	vst v0  }
0x2d: {  	[tilespmem:s18+$0x1000] =	vst v0  }
0x2e: {  	[tilespmem:s18+$0x1010] =	vst v0  }
0x2f: {  	[tilespmem:s18+$0x1020] =	vst v0  }
0x30: {  	[tilespmem:s18+$0x1030] =	vst v0  }
0x31: {  	[tilespmem:s18+$0x1040] =	vst v0  }
0x32: {  	[tilespmem:s18+$0x1050] =	vst v0  }
0x33: {  	[tilespmem:s18+$0x1060] =	vst v0  }
0x34: {  	[spmem:s21] =	stream.linear.scatter [tilespmem:s23], [sflag:$0x5], $0x2000, $0x38;
	[tilespmem:$0x1D000] =	vst v63  }
0x35: {  	_ =	swait.ge [sflag:s24], $0x2000  }
0x36: {  	[sflag:s24] =	ssyncset.done $0x0  }
0x37: {  	s6 =	rddreg [dreg:$0x9];
	[sflag:s24] =	ssyncadd.s32 $0xFFFFE000  }
0x38: {  	[spmem:s6] =	stream.linear.scatter [tilespmem:s23], [sflag:$0x5], $0x2000, $0x38;
	[tilespmem:$0x1D000] =	vst v63  }
0x39: {  	_ =	swait.ge [sflag:s24], $0x2000  }
0x3a: {  	[sflag:s24] =	ssyncset.done $0x0  }
0x3b: {  	s18 =	rddreg [dreg:$0xa];
	[sflag:s24] =	ssyncadd.s32 $0xFFFFE000  }
0x3c: {  	[spmem:s18] =	stream.linear.scatter [tilespmem:s23], [sflag:$0x5], $0x2000, $0x38;
	[tilespmem:$0x1D000] =	vst v63  }
0x3d: {  	_ =	swait.ge [sflag:s24], $0x2000  }
0x3e: {  	[sflag:s24] =	ssyncset.done $0x0  }
0x3f: {  	s19 =	rddreg [dreg:$0xb];
	[sflag:s24] =	ssyncadd.s32 $0xFFFFE000  }
0x40: {  	[spmem:s19] =	stream.linear.scatter [tilespmem:s23], [sflag:$0x5], $0x2000, $0x38;
	[tilespmem:$0x1D000] =	vst v63  }
0x41: {  	_ =	swait.ge [sflag:s24], $0x2000  }
0x42: {  	[sflag:s24] =	ssyncset.done $0x0  }
0x43: {  	s21 =	rddreg [dreg:$0xc];
	[sflag:s24] =	ssyncadd.s32 $0xFFFFE000  }
0x44: {  	[spmem:s21] =	stream.linear.scatter [tilespmem:s23], [sflag:$0x5], $0x2000, $0x38;
	[tilespmem:$0x1D000] =	vst v63  }
0x45: {  	_ =	swait.ge [sflag:s24], $0x2000  }
0x46: {  	[sflag:s24] =	ssyncset.done $0x0  }
0x47: {  	s18 =	rddreg [dreg:$0xd];
	[sflag:s24] =	ssyncadd.s32 $0xFFFFE000  }
0x48: {  	[spmem:s18] =	stream.linear.scatter [tilespmem:s23], [sflag:$0x5], $0x2000, $0x38;
	[tilespmem:$0x1D000] =	vst v63  }
0x49: {  	_ =	swait.ge [sflag:s24], $0x2000  }
0x4a: {  	[sflag:s24] =	ssyncset.done $0x0  }
0x4b: {  	s19 =	rddreg [dreg:$0xe];
	[sflag:s24] =	ssyncadd.s32 $0xFFFFE000  }
0x4c: {  	[spmem:s19] =	stream.linear.scatter [tilespmem:s23], [sflag:$0x5], $0x2000, $0x38;
	[tilespmem:$0x1D000] =	vst v63  }
0x4d: {  	_ =	swait.ge [sflag:s24], $0x2000  }
0x4e: {  	[sflag:s24] =	ssyncset.done $0x0  }
0x4f: {  	s21 =	rddreg [dreg:$0xf];
	[sflag:s24] =	ssyncadd.s32 $0xFFFFE000  }
0x50: {  	[spmem:s21] =	stream.linear.scatter [tilespmem:s23], [sflag:$0x5], $0x2000, $0x38;
	[tilespmem:$0x1D000] =	vst v63  }
0x51: {  	_ =	swait.ge [sflag:s24], $0x2000  }
0x52: {  	[sflag:s24] =	ssyncset.done $0x0  }
0x53: {  	s18 =	rddreg [dreg:$0x11];
	[sflag:s24] =	ssyncadd.s32 $0xFFFFE000  }
0x54: {  	[spmem:s18] =	stream.linear.scatter [tilespmem:s23], [sflag:$0x5], $0x2000, $0x38;
	[tilespmem:$0x1D000] =	vst v63  }
0x55: {  	_ =	swait.ge [sflag:s24], $0x2000  }
0x56: {  	[sflag:s24] =	ssyncset.done $0x0  }
0x57: {  	s19 =	rddreg [dreg:$0x12];
	[sflag:s24] =	ssyncadd.s32 $0xFFFFE000  }
0x58: {  	[spmem:s19] =	stream.linear.scatter [tilespmem:s23], [sflag:$0x5], $0x2000, $0x38;
	[tilespmem:$0x1D000] =	vst v63  }
0x59: {  	_ =	swait.ge [sflag:s24], $0x2000  }
0x5a: {  	[sflag:s24] =	ssyncset.done $0x0  }
0x5b: {  	s18 =	simm.s32 $0x0;
	s21 =	rddreg [dreg:$0x10];
	[sflag:s24] =	ssyncadd.s32 $0xFFFFE000  }
0x5c: {  	[tilespmem:s18], [sflag:$0x5] =	stream.linear.gather [hbm4b:s21+s18], $0x400, $0x38;
	[tilespmem:$0x1D000] =	vst v63  }
0x5d: {  	_ =	swait.ge [sflag:s24], $0x400  }
0x5e: {  	[sflag:s24] =	ssyncset.done $0x0  }
0x5f: {  	s19 =	rddreg [dreg:$0x13];
	[sflag:s24] =	ssyncadd.s32 $0xFFFFFC00  }
0x60: {  	[tilespmem:s25], [sflag:$0x5] =	stream.linear.gather [hbm4b:s19+s18], $0x400, $0x38;
	[tilespmem:$0x1D000] =	vst v63  }
0x61: {  	_ =	swait.ge [sflag:s24], $0x400  }
0x62: {  	[sflag:s24] =	ssyncset.done $0x0  }
0x63: {  	[sflag:s24] =	ssyncadd.s32 $0xFFFFFC00  }
0x64: {  	[tilespmem:s23], [sflag:$0x1] =	stream.indirect.gather [hbm4b:s1+s26], $0x80, s18, s26, $0xb8;
	[tilespmem:$0x1D000] =	vst v63  }
0x65: {  	[bflag:$0x0] =	sbarrier.arrive $0xFFFF  }
0x66: {  	s21 =	rddreg [dreg:$0x6]  }
0x67: {  	s19 =	rddreg [dreg:$0x7];
	s18 =	sadd.s32 $0x0, s21  }
0x68: {  	[tilespmem:s28], [sflag:$0x4] =	stream.linear.gather [hbm4b:s18+s5], $0x400, $0x38;
	[tilespmem:$0x1D000] =	vst v63  }
0x69: {  	s6 =	sadd.s32 $0x0, s19  }
0x6a: {  	[tilespmem:s29], [sflag:$0x4] =	stream.linear.gather [hbm4b:s6+s5], $0x400, $0x38;
	[tilespmem:$0x1D000] =	vst v63  }
0x6b: {  	_ = 	snop  }
0x6c: {  	[tilespmem:s31], [sflag:$0x2] =	stream.indirect.gather [hbm4b:s1+s26], $0x80, s2, s26, $0xb8;
	[tilespmem:$0x1D000] =	vst v63  }
0x6d: {  	_ =	swait.ge [sflag:s0], $0x3E80  }
0x6e: {  	[sflag:s0] =	ssyncset.done $0x0  }
0x6f: {  	[sflag:s0] =	ssyncadd.s32 $0xFFFFC180  }
0x70: {  	[spmem:s4] =	stream.indirect.scatter.add.f32 [tilespmem:s23], [sflag:$0x5], $0x80, s25, s26, $0xb8;
	[tilespmem:$0x1D000] =	vst v63  }
0x71: {  	_ =	swait.ge [sflag:s24], $0x3E80  }
0x72: {  	[sflag:s24] =	ssyncset.done $0x0  }
0x73: {  	[sflag:s24] =	ssyncadd.s32 $0xFFFFC180  }
0x74: {  	[tilespmem:s23], [sflag:$0x1] =	stream.indirect.gather [hbm4b:s1+s26], $0x80, s22, s26, $0xb8;
	[tilespmem:$0x1D000] =	vst v63  }
0x75: {  	_ =	swait.ge [sflag:s7], $0x3E80  }
0x76: {  	[sflag:s7] =	ssyncset.done $0x0  }
0x77: {  	[sflag:s7] =	ssyncadd.s32 $0xFFFFC180  }
0x78: {  	[spmem:s4] =	stream.indirect.scatter.add.f32 [tilespmem:s31], [sflag:$0x5], $0x80, s3, s26, $0xb8;
	[tilespmem:$0x1D000] =	vst v63  }
0x79: {  	_ =	swait.ge [sflag:s24], $0x3E80  }
0x7a: {  	[sflag:s24] =	ssyncset.done $0x0  }
0x7b: {  	[sflag:s24] =	ssyncadd.s32 $0xFFFFC180  }
0x7c: {  	[tilespmem:s31], [sflag:$0x2] =	stream.indirect.gather [hbm4b:s1+s26], $0x80, s8, s26, $0xb8;
	[tilespmem:$0x1D000] =	vst v63  }
0x7d: {  	_ =	swait.ge [sflag:s0], $0x3E80  }
0x7e: {  	[sflag:s0] =	ssyncset.done $0x0  }
0x7f: {  	[sflag:s0] =	ssyncadd.s32 $0xFFFFC180  }
0x80: {  	[spmem:s4] =	stream.indirect.scatter.add.f32 [tilespmem:s23], [sflag:$0x5], $0x80, s9, s26, $0xb8;
	[tilespmem:$0x1D000] =	vst v63  }
0x81: {  	_ =	swait.ge [sflag:s24], $0x3E80  }
0x82: {  	[sflag:s24] =	ssyncset.done $0x0  }
0x83: {  	[sflag:s24] =	ssyncadd.s32 $0xFFFFC180  }
0x84: {  	[tilespmem:s23], [sflag:$0x1] =	stream.indirect.gather [hbm4b:s1+s26], $0x80, s10, s26, $0xb8;
	[tilespmem:$0x1D000] =	vst v63  }
0x85: {  	_ =	swait.ge [sflag:s7], $0x3E80  }
0x86: {  	[sflag:s7] =	ssyncset.done $0x0  }
0x87: {  	[sflag:s7] =	ssyncadd.s32 $0xFFFFC180  }
0x88: {  	[spmem:s4] =	stream.indirect.scatter.add.f32 [tilespmem:s31], [sflag:$0x5], $0x80, s11, s26, $0xb8;
	[tilespmem:$0x1D000] =	vst v63  }
0x89: {  	_ =	swait.ge [sflag:s24], $0x3E80  }
0x8a: {  	[sflag:s24] =	ssyncset.done $0x0  }
0x8b: {  	[sflag:s24] =	ssyncadd.s32 $0xFFFFC180  }
0x8c: {  	[tilespmem:s31], [sflag:$0x2] =	stream.indirect.gather [hbm4b:s1+s26], $0x80, s12, s26, $0xb8;
	[tilespmem:$0x1D000] =	vst v63  }
0x8d: {  	_ =	swait.ge [sflag:s0], $0x3E80  }
0x8e: {  	[sflag:s0] =	ssyncset.done $0x0  }
0x8f: {  	[sflag:s0] =	ssyncadd.s32 $0xFFFFC180  }
0x90: {  	[spmem:s4] =	stream.indirect.scatter.add.f32 [tilespmem:s23], [sflag:$0x5], $0x80, s13, s26, $0xb8;
	[tilespmem:$0x1D000] =	vst v63  }
0x91: {  	_ =	swait.ge [sflag:s24], $0x3E80  }
0x92: {  	[sflag:s24] =	ssyncset.done $0x0  }
0x93: {  	[sflag:s24] =	ssyncadd.s32 $0xFFFFC180  }
0x94: {  	[tilespmem:s23], [sflag:$0x1] =	stream.indirect.gather [hbm4b:s1+s26], $0x80, s15, s26, $0xb8;
	[tilespmem:$0x1D000] =	vst v63  }
0x95: {  	_ =	swait.ge [sflag:s7], $0x3E80  }
0x96: {  	[sflag:s7] =	ssyncset.done $0x0  }
0x97: {  	[sflag:s7] =	ssyncadd.s32 $0xFFFFC180  }
0x98: {  	[spmem:s4] =	stream.indirect.scatter.add.f32 [tilespmem:s31], [sflag:$0x5], $0x80, s17, s26, $0xb8;
	[tilespmem:$0x1D000] =	vst v63  }
0x99: {  	_ =	swait.ge [sflag:s24], $0x3E80  }
0x9a: {  	[sflag:s24] =	ssyncset.done $0x0  }
0x9b: {  	[sflag:s24] =	ssyncadd.s32 $0xFFFFC180  }
0x9c: {  	[tilespmem:s31], [sflag:$0x2] =	stream.indirect.gather [hbm4b:s1+s26], $0x80, s30, s26, $0xb8;
	[tilespmem:$0x1D000] =	vst v63  }
0x9d: {  	_ =	swait.ge [sflag:s0], $0x3E80  }
0x9e: {  	[sflag:s0] =	ssyncset.done $0x0  }
0x9f: {  	s17 =	simm.s32 $0x700;
	[sflag:s0] =	ssyncadd.s32 $0xFFFFC180  }
0xa0: {  	[spmem:s4] =	stream.indirect.scatter.add.f32 [tilespmem:s23], [sflag:$0x5], $0x80, s17, s26, $0xb8;
	[tilespmem:$0x1D000] =	vst v63  }
0xa1: {  	_ =	swait.ge [sflag:s24], $0x3E80  }
0xa2: {  	[sflag:s24] =	ssyncset.done $0x0  }
0xa3: {  	[sflag:s24] =	ssyncadd.s32 $0xFFFFC180  }
0xa4: {  	_ =	swait.ge [sflag:s20], $0x400  }
0xa5: {  	[sflag:s20] =	ssyncset.done $0x0  }
0xa6: {  	[sflag:s20] =	ssyncadd.s32 $0xFFFFFC00  }
0xa7: {  	_ =	swait.ge [sflag:s20], $0x400  }
0xa8: {  	[sflag:s20] =	ssyncset.done $0x0  }
0xa9: {  	[sflag:s20] =	ssyncadd.s32 $0xFFFFFC00  }
0xaa: {  	[tilespmem:s23], [sflag:$0x1] =	stream.indirect.gather [hbm4b:s1+s26], $0x80, s28, s26, $0xb8;
	[tilespmem:$0x1D000] =	vst v63  }
0xab: {  	_ =	swait.ge [sflag:s7], $0x3E80  }
0xac: {  	[sflag:s7] =	ssyncset.done $0x0  }
0xad: {  	s18 =	simm.s32 $0x780;
	[sflag:s7] =	ssyncadd.s32 $0xFFFFC180  }
0xae: {  	[spmem:s4] =	stream.indirect.scatter.add.f32 [tilespmem:s31], [sflag:$0x5], $0x80, s18, s26, $0xb8;
	[tilespmem:$0x1D000] =	vst v63  }
0xaf: {  	_ =	swait.ge [sflag:s24], $0x3E80  }
0xb0: {  	[sflag:s24] =	ssyncset.done $0x0;
	s6 =	rddreg [dreg:$0x18]  }
0xb1: {  	s22 =	simm.s32 $0x880;
	[sflag:s24] =	ssyncadd.s32 $0xFFFFC180;
	s19 =	sshrl.u32 s6, $0x3  }
0xb2: {  	[tilespmem:s31], [sflag:$0x2] =	stream.indirect.gather [hbm4b:s1+s26], $0x80, s22, s26, $0xb8;
	[tilespmem:$0x1D000] =	vst v63  }
0xb3: {  	s21 =	rddreg [dreg:$0x5];
	s18 =	sadd.s32 s14, s19  }
0xb4: {  	[tilespmem:s5], [sflag:$0x3] =	stream.linear.gather [hbm4b:s18+s5], $0x400, $0x38;
	[tilespmem:$0x1D000] =	vst v63  }
0xb5: {  	s2 =	sadd.s32 $0x0, s21  }
0xb6: {  	[tilespmem:s25], [sflag:$0x3] =	stream.linear.gather [hbm4b:s2+s5], $0x400, $0x38;
	[tilespmem:$0x1D000] =	vst v63  }
0xb7: {  	_ =	swait.ge [sflag:s0], $0x3E80  }
0xb8: {  	[sflag:s0] =	ssyncset.done $0x0  }
0xb9: {  	[sflag:s0] =	ssyncadd.s32 $0xFFFFC180  }
0xba: {  	[spmem:s4] =	stream.indirect.scatter.add.f32 [tilespmem:s23], [sflag:$0x5], $0x80, s29, s26, $0xb8;
	[tilespmem:$0x1D000] =	vst v63  }
0xbb: {  	_ =	swait.ge [sflag:s24], $0x3E80  }
0xbc: {  	[sflag:s24] =	ssyncset.done $0x0  }
0xbd: {  	s3 =	simm.s32 $0x900;
	[sflag:s24] =	ssyncadd.s32 $0xFFFFC180  }
0xbe: {  	[tilespmem:s23], [sflag:$0x1] =	stream.indirect.gather [hbm4b:s1+s26], $0x80, s3, s26, $0xb8;
	[tilespmem:$0x1D000] =	vst v63  }
0xbf: {  	_ =	swait.ge [sflag:s7], $0x3E80  }
0xc0: {  	[sflag:s7] =	ssyncset.done $0x0  }
0xc1: {  	s8 =	simm.s32 $0xC80;
	[sflag:s7] =	ssyncadd.s32 $0xFFFFC180  }
0xc2: {  	[spmem:s4] =	stream.indirect.scatter.add.f32 [tilespmem:s31], [sflag:$0x5], $0x80, s8, s26, $0xb8;
	[tilespmem:$0x1D000] =	vst v63  }
0xc3: {  	_ =	swait.ge [sflag:s24], $0x3E80  }
0xc4: {  	[sflag:s24] =	ssyncset.done $0x0  }
0xc5: {  	s9 =	simm.s32 $0x980;
	[sflag:s24] =	ssyncadd.s32 $0xFFFFC180  }
0xc6: {  	[tilespmem:s31], [sflag:$0x2] =	stream.indirect.gather [hbm4b:s1+s26], $0x80, s9, s26, $0xb8;
	[tilespmem:$0x1D000] =	vst v63  }
0xc7: {  	_ =	swait.ge [sflag:s0], $0x3E80  }
0xc8: {  	[sflag:s0] =	ssyncset.done $0x0  }
0xc9: {  	s10 =	simm.s32 $0xD00;
	[sflag:s0] =	ssyncadd.s32 $0xFFFFC180  }
0xca: {  	[spmem:s4] =	stream.indirect.scatter.add.f32 [tilespmem:s23], [sflag:$0x5], $0x80, s10, s26, $0xb8;
	[tilespmem:$0x1D000] =	vst v63  }
0xcb: {  	_ =	swait.ge [sflag:s24], $0x3E80  }
0xcc: {  	[sflag:s24] =	ssyncset.done $0x0  }
0xcd: {  	s11 =	simm.s32 $0xA00;
	[sflag:s24] =	ssyncadd.s32 $0xFFFFC180  }
0xce: {  	[tilespmem:s23], [sflag:$0x1] =	stream.indirect.gather [hbm4b:s1+s26], $0x80, s11, s26, $0xb8;
	[tilespmem:$0x1D000] =	vst v63  }
0xcf: {  	_ =	swait.ge [sflag:s7], $0x3E80  }
0xd0: {  	[sflag:s7] =	ssyncset.done $0x0  }
0xd1: {  	s12 =	simm.s32 $0xD80;
	[sflag:s7] =	ssyncadd.s32 $0xFFFFC180  }
0xd2: {  	[spmem:s4] =	stream.indirect.scatter.add.f32 [tilespmem:s31], [sflag:$0x5], $0x80, s12, s26, $0xb8;
	[tilespmem:$0x1D000] =	vst v63  }
0xd3: {  	_ =	swait.ge [sflag:s24], $0x3E80  }
0xd4: {  	[sflag:s24] =	ssyncset.done $0x0  }
0xd5: {  	s13 =	simm.s32 $0xA80;
	[sflag:s24] =	ssyncadd.s32 $0xFFFFC180  }
0xd6: {  	[tilespmem:s31], [sflag:$0x2] =	stream.indirect.gather [hbm4b:s1+s26], $0x80, s13, s26, $0xb8;
	[tilespmem:$0x1D000] =	vst v63  }
0xd7: {  	_ =	swait.ge [sflag:s0], $0x3E80  }
0xd8: {  	[sflag:s0] =	ssyncset.done $0x0  }
0xd9: {  	s15 =	simm.s32 $0xE00;
	[sflag:s0] =	ssyncadd.s32 $0xFFFFC180  }
0xda: {  	[spmem:s4] =	stream.indirect.scatter.add.f32 [tilespmem:s23], [sflag:$0x5], $0x80, s15, s26, $0xb8;
	[tilespmem:$0x1D000] =	vst v63  }
0xdb: {  	_ =	swait.ge [sflag:s24], $0x3E80  }
0xdc: {  	[sflag:s24] =	ssyncset.done $0x0  }
0xdd: {  	s17 =	simm.s32 $0xB00;
	[sflag:s24] =	ssyncadd.s32 $0xFFFFC180  }
0xde: {  	[tilespmem:s23], [sflag:$0x1] =	stream.indirect.gather [hbm4b:s1+s26], $0x80, s17, s26, $0xb8;
	[tilespmem:$0x1D000] =	vst v63  }
0xdf: {  	_ =	swait.ge [sflag:s7], $0x3E80  }
0xe0: {  	[sflag:s7] =	ssyncset.done $0x0  }
0xe1: {  	s18 =	simm.s32 $0xE80;
	[sflag:s7] =	ssyncadd.s32 $0xFFFFC180  }
0xe2: {  	[spmem:s4] =	stream.indirect.scatter.add.f32 [tilespmem:s31], [sflag:$0x5], $0x80, s18, s26, $0xb8;
	[tilespmem:$0x1D000] =	vst v63  }
0xe3: {  	_ =	swait.ge [sflag:s24], $0x3E80  }
0xe4: {  	[sflag:s24] =	ssyncset.done $0x0  }
0xe5: {  	s19 =	simm.s32 $0xB80;
	[sflag:s24] =	ssyncadd.s32 $0xFFFFC180  }
0xe6: {  	[tilespmem:s31], [sflag:$0x2] =	stream.indirect.gather [hbm4b:s1+s26], $0x80, s19, s26, $0xb8;
	[tilespmem:$0x1D000] =	vst v63  }
0xe7: {  	_ =	swait.ge [sflag:s0], $0x3E80  }
0xe8: {  	[sflag:s0] =	ssyncset.done $0x0  }
0xe9: {  	s21 =	simm.s32 $0xF00;
	[sflag:s0] =	ssyncadd.s32 $0xFFFFC180  }
0xea: {  	[spmem:s4] =	stream.indirect.scatter.add.f32 [tilespmem:s23], [sflag:$0x5], $0x80, s21, s26, $0xb8;
	[tilespmem:$0x1D000] =	vst v63  }
0xeb: {  	_ =	swait.ge [sflag:s24], $0x3E80  }
0xec: {  	[sflag:s24] =	ssyncset.done $0x0  }
0xed: {  	[sflag:s24] =	ssyncadd.s32 $0xFFFFC180  }
0xee: {  	_ =	swait.ge [sflag:s16], $0x400  }
0xef: {  	[sflag:s16] =	ssyncset.done $0x0  }
0xf0: {  	[sflag:s16] =	ssyncadd.s32 $0xFFFFFC00  }
0xf1: {  	s30 =	simm.s32 $0x100;
	s22 =	simm.s32 $0xF80;
	_ =	swait.ge [sflag:s16], $0x400  }
0xf2: {  	s2 =	simm.s32 $0x80;
	s3 =	simm.s32 $0x480;
	[sflag:s16] =	ssyncset.done $0x0  }
0xf3: {  	s8 =	simm.s32 $0x180;
	s9 =	simm.s32 $0x500;
	[sflag:s16] =	ssyncadd.s32 $0xFFFFFC00  }
0xf4: {  	[tilespmem:s23], [sflag:$0x1] =	stream.indirect.gather [hbm4b:s1+s26], $0x80, s5, s26, $0xb8;
	[tilespmem:$0x1D000] =	vst v63  }
0xf5: {  	s10 =	simm.s32 $0x200;
	s11 =	simm.s32 $0x580;
	_ =	swait.ge [sflag:s7], $0x3E80  }
0xf6: {  	s12 =	simm.s32 $0x280;
	s13 =	simm.s32 $0x600;
	[sflag:s7] =	ssyncset.done $0x0  }
0xf7: {  	s15 =	simm.s32 $0x300;
	s18 =	simm.s32 $0x100;
	[sflag:s7] =	ssyncadd.s32 $0xFFFFC180  }
0xf8: {  	[spmem:s4] =	stream.indirect.scatter.add.f32 [tilespmem:s31], [sflag:$0x5], $0x80, s22, s26, $0xb8;
	[tilespmem:$0x1D000] =	vst v63  }
0xf9: {  	s19 =	smov.u32 s6;
	s6 =	smov.u32 s14;
	_ =	swait.ge [sflag:s24], $0x3E80  }
.LBB2_4:
0xfa: {  	s14 =	rddreg [dreg:$0x6];
	s21 =	smov.u32 s18;
	[sflag:s24] =	ssyncset.done $0x0  }
0xfb: {  	s22 =	rddreg [dreg:$0x7];
	s14 =	sadd.s32 s21, s14;
	[sflag:s24] =	ssyncadd.s32 $0xFFFFC180  }
0xfc: {  	[tilespmem:s28], [sflag:$0x4] =	stream.linear.gather [hbm4b:s14+s5], $0x400, $0x38;
	[tilespmem:$0x1D000] =	vst v63  }
0xfd: {  	s22 =	sadd.s32 s21, s22  }
0xfe: {  	[tilespmem:s29], [sflag:$0x4] =	stream.linear.gather [hbm4b:s22+s5], $0x400, $0x38;
	[tilespmem:$0x1D000] =	vst v63  }
0xff: {  	_ = 	snop  }
0x100: {  	[tilespmem:s31], [sflag:$0x2] =	stream.indirect.gather [hbm4b:s1+s26], $0x80, s2, s26, $0xb8;
	[tilespmem:$0x1D000] =	vst v63  }
0x101: {  	_ =	swait.ge [sflag:s0], $0x3E80  }
0x102: {  	[sflag:s0] =	ssyncset.done $0x0  }
0x103: {  	[sflag:s0] =	ssyncadd.s32 $0xFFFFC180  }
0x104: {  	[spmem:s4] =	stream.indirect.scatter.add.f32 [tilespmem:s23], [sflag:$0x5], $0x80, s25, s26, $0xb8;
	[tilespmem:$0x1D000] =	vst v63  }
0x105: {  	_ =	swait.ge [sflag:s24], $0x3E80  }
0x106: {  	[sflag:s24] =	ssyncset.done $0x0  }
0x107: {  	[sflag:s24] =	ssyncadd.s32 $0xFFFFC180  }
0x108: {  	[tilespmem:s23], [sflag:$0x1] =	stream.indirect.gather [hbm4b:s1+s26], $0x80, s30, s26, $0xb8;
	[tilespmem:$0x1D000] =	vst v63  }
0x109: {  	_ =	swait.ge [sflag:s7], $0x3E80  }
0x10a: {  	[sflag:s7] =	ssyncset.done $0x0  }
0x10b: {  	[sflag:s7] =	ssyncadd.s32 $0xFFFFC180  }
0x10c: {  	[spmem:s4] =	stream.indirect.scatter.add.f32 [tilespmem:s31], [sflag:$0x5], $0x80, s3, s26, $0xb8;
	[tilespmem:$0x1D000] =	vst v63  }
0x10d: {  	_ =	swait.ge [sflag:s24], $0x3E80  }
0x10e: {  	[sflag:s24] =	ssyncset.done $0x0  }
0x10f: {  	[sflag:s24] =	ssyncadd.s32 $0xFFFFC180  }
0x110: {  	[tilespmem:s31], [sflag:$0x2] =	stream.indirect.gather [hbm4b:s1+s26], $0x80, s8, s26, $0xb8;
	[tilespmem:$0x1D000] =	vst v63  }
0x111: {  	_ =	swait.ge [sflag:s0], $0x3E80  }
0x112: {  	[sflag:s0] =	ssyncset.done $0x0  }
0x113: {  	[sflag:s0] =	ssyncadd.s32 $0xFFFFC180  }
0x114: {  	[spmem:s4] =	stream.indirect.scatter.add.f32 [tilespmem:s23], [sflag:$0x5], $0x80, s9, s26, $0xb8;
	[tilespmem:$0x1D000] =	vst v63  }
0x115: {  	_ =	swait.ge [sflag:s24], $0x3E80  }
0x116: {  	[sflag:s24] =	ssyncset.done $0x0  }
0x117: {  	[sflag:s24] =	ssyncadd.s32 $0xFFFFC180  }
0x118: {  	[tilespmem:s23], [sflag:$0x1] =	stream.indirect.gather [hbm4b:s1+s26], $0x80, s10, s26, $0xb8;
	[tilespmem:$0x1D000] =	vst v63  }
0x119: {  	_ =	swait.ge [sflag:s7], $0x3E80  }
0x11a: {  	[sflag:s7] =	ssyncset.done $0x0  }
0x11b: {  	[sflag:s7] =	ssyncadd.s32 $0xFFFFC180  }
0x11c: {  	[spmem:s4] =	stream.indirect.scatter.add.f32 [tilespmem:s31], [sflag:$0x5], $0x80, s11, s26, $0xb8;
	[tilespmem:$0x1D000] =	vst v63  }
0x11d: {  	_ =	swait.ge [sflag:s24], $0x3E80  }
0x11e: {  	[sflag:s24] =	ssyncset.done $0x0  }
0x11f: {  	[sflag:s24] =	ssyncadd.s32 $0xFFFFC180  }
0x120: {  	[tilespmem:s31], [sflag:$0x2] =	stream.indirect.gather [hbm4b:s1+s26], $0x80, s12, s26, $0xb8;
	[tilespmem:$0x1D000] =	vst v63  }
0x121: {  	_ =	swait.ge [sflag:s0], $0x3E80  }
0x122: {  	[sflag:s0] =	ssyncset.done $0x0  }
0x123: {  	[sflag:s0] =	ssyncadd.s32 $0xFFFFC180  }
0x124: {  	[spmem:s4] =	stream.indirect.scatter.add.f32 [tilespmem:s23], [sflag:$0x5], $0x80, s13, s26, $0xb8;
	[tilespmem:$0x1D000] =	vst v63  }
0x125: {  	_ =	swait.ge [sflag:s24], $0x3E80  }
0x126: {  	[sflag:s24] =	ssyncset.done $0x0  }
0x127: {  	[sflag:s24] =	ssyncadd.s32 $0xFFFFC180  }
0x128: {  	[tilespmem:s23], [sflag:$0x1] =	stream.indirect.gather [hbm4b:s1+s26], $0x80, s15, s26, $0xb8;
	[tilespmem:$0x1D000] =	vst v63  }
0x129: {  	_ =	swait.ge [sflag:s7], $0x3E80  }
0x12a: {  	[sflag:s7] =	ssyncset.done $0x0  }
0x12b: {  	s17 =	simm.s32 $0x680;
	[sflag:s7] =	ssyncadd.s32 $0xFFFFC180  }
0x12c: {  	[spmem:s4] =	stream.indirect.scatter.add.f32 [tilespmem:s31], [sflag:$0x5], $0x80, s17, s26, $0xb8;
	[tilespmem:$0x1D000] =	vst v63  }
0x12d: {  	_ =	swait.ge [sflag:s24], $0x3E80  }
0x12e: {  	[sflag:s24] =	ssyncset.done $0x0  }
0x12f: {  	s22 =	simm.s32 $0x380;
	[sflag:s24] =	ssyncadd.s32 $0xFFFFC180  }
0x130: {  	[tilespmem:s31], [sflag:$0x2] =	stream.indirect.gather [hbm4b:s1+s26], $0x80, s22, s26, $0xb8;
	[tilespmem:$0x1D000] =	vst v63  }
0x131: {  	_ =	swait.ge [sflag:s0], $0x3E80  }
0x132: {  	[sflag:s0] =	ssyncset.done $0x0  }
0x133: {  	s17 =	simm.s32 $0x700;
	[sflag:s0] =	ssyncadd.s32 $0xFFFFC180  }
0x134: {  	[spmem:s4] =	stream.indirect.scatter.add.f32 [tilespmem:s23], [sflag:$0x5], $0x80, s17, s26, $0xb8;
	[tilespmem:$0x1D000] =	vst v63  }
0x135: {  	_ =	swait.ge [sflag:s24], $0x3E80  }
0x136: {  	[sflag:s24] =	ssyncset.done $0x0  }
0x137: {  	[sflag:s24] =	ssyncadd.s32 $0xFFFFC180  }
0x138: {  	_ =	swait.ge [sflag:s20], $0x400  }
0x139: {  	[sflag:s20] =	ssyncset.done $0x0  }
0x13a: {  	[sflag:s20] =	ssyncadd.s32 $0xFFFFFC00  }
0x13b: {  	_ =	swait.ge [sflag:s20], $0x400  }
0x13c: {  	[sflag:s20] =	ssyncset.done $0x0  }
0x13d: {  	[sflag:s20] =	ssyncadd.s32 $0xFFFFFC00  }
0x13e: {  	[tilespmem:s23], [sflag:$0x1] =	stream.indirect.gather [hbm4b:s1+s26], $0x80, s28, s26, $0xb8;
	[tilespmem:$0x1D000] =	vst v63  }
0x13f: {  	_ =	swait.ge [sflag:s7], $0x3E80  }
0x140: {  	[sflag:s7] =	ssyncset.done $0x0  }
0x141: {  	s22 =	simm.s32 $0x780;
	[sflag:s7] =	ssyncadd.s32 $0xFFFFC180  }
0x142: {  	[spmem:s4] =	stream.indirect.scatter.add.f32 [tilespmem:s31], [sflag:$0x5], $0x80, s22, s26, $0xb8;
	[tilespmem:$0x1D000] =	vst v63  }
0x143: {  	_ =	swait.ge [sflag:s24], $0x3E80  }
0x144: {  	s19 =	sadd.s32 $0x800, s19;
	[sflag:s24] =	ssyncset.done $0x0  }
0x145: {  	s14 =	sshrl.u32 s19, $0x3;
	s17 =	simm.s32 $0x880;
	[sflag:s24] =	ssyncadd.s32 $0xFFFFC180  }
0x146: {  	[tilespmem:s31], [sflag:$0x2] =	stream.indirect.gather [hbm4b:s1+s26], $0x80, s17, s26, $0xb8;
	[tilespmem:$0x1D000] =	vst v63  }
0x147: {  	s14 =	sadd.s32 s6, s14;
	s22 =	rddreg [dreg:$0x5]  }
0x148: {  	[tilespmem:s5], [sflag:$0x3] =	stream.linear.gather [hbm4b:s14+s5], $0x400, $0x38;
	[tilespmem:$0x1D000] =	vst v63  }
0x149: {  	s17 =	sadd.s32 s21, s22  }
0x14a: {  	[tilespmem:s25], [sflag:$0x3] =	stream.linear.gather [hbm4b:s17+s5], $0x400, $0x38;
	[tilespmem:$0x1D000] =	vst v63  }
0x14b: {  	_ =	swait.ge [sflag:s0], $0x3E80  }
0x14c: {  	[sflag:s0] =	ssyncset.done $0x0  }
0x14d: {  	[sflag:s0] =	ssyncadd.s32 $0xFFFFC180  }
0x14e: {  	[spmem:s4] =	stream.indirect.scatter.add.f32 [tilespmem:s23], [sflag:$0x5], $0x80, s29, s26, $0xb8;
	[tilespmem:$0x1D000] =	vst v63  }
0x14f: {  	_ =	swait.ge [sflag:s24], $0x3E80  }
0x150: {  	[sflag:s24] =	ssyncset.done $0x0  }
0x151: {  	s21 =	simm.s32 $0x900;
	[sflag:s24] =	ssyncadd.s32 $0xFFFFC180  }
0x152: {  	[tilespmem:s23], [sflag:$0x1] =	stream.indirect.gather [hbm4b:s1+s26], $0x80, s21, s26, $0xb8;
	[tilespmem:$0x1D000] =	vst v63  }
0x153: {  	_ =	swait.ge [sflag:s7], $0x3E80  }
0x154: {  	[sflag:s7] =	ssyncset.done $0x0  }
0x155: {  	s22 =	simm.s32 $0xC80;
	[sflag:s7] =	ssyncadd.s32 $0xFFFFC180  }
0x156: {  	[spmem:s4] =	stream.indirect.scatter.add.f32 [tilespmem:s31], [sflag:$0x5], $0x80, s22, s26, $0xb8;
	[tilespmem:$0x1D000] =	vst v63  }
0x157: {  	_ =	swait.ge [sflag:s24], $0x3E80  }
0x158: {  	[sflag:s24] =	ssyncset.done $0x0  }
0x159: {  	s17 =	simm.s32 $0x980;
	[sflag:s24] =	ssyncadd.s32 $0xFFFFC180  }
0x15a: {  	[tilespmem:s31], [sflag:$0x2] =	stream.indirect.gather [hbm4b:s1+s26], $0x80, s17, s26, $0xb8;
	[tilespmem:$0x1D000] =	vst v63  }
0x15b: {  	_ =	swait.ge [sflag:s0], $0x3E80  }
0x15c: {  	[sflag:s0] =	ssyncset.done $0x0  }
0x15d: {  	s17 =	simm.s32 $0xD00;
	[sflag:s0] =	ssyncadd.s32 $0xFFFFC180  }
0x15e: {  	[spmem:s4] =	stream.indirect.scatter.add.f32 [tilespmem:s23], [sflag:$0x5], $0x80, s17, s26, $0xb8;
	[tilespmem:$0x1D000] =	vst v63  }
0x15f: {  	_ =	swait.ge [sflag:s24], $0x3E80  }
0x160: {  	[sflag:s24] =	ssyncset.done $0x0  }
0x161: {  	s17 =	simm.s32 $0xA00;
	[sflag:s24] =	ssyncadd.s32 $0xFFFFC180  }
0x162: {  	[tilespmem:s23], [sflag:$0x1] =	stream.indirect.gather [hbm4b:s1+s26], $0x80, s17, s26, $0xb8;
	[tilespmem:$0x1D000] =	vst v63  }
0x163: {  	_ =	swait.ge [sflag:s7], $0x3E80  }
0x164: {  	[sflag:s7] =	ssyncset.done $0x0  }
0x165: {  	s17 =	simm.s32 $0xD80;
	[sflag:s7] =	ssyncadd.s32 $0xFFFFC180  }
0x166: {  	[spmem:s4] =	stream.indirect.scatter.add.f32 [tilespmem:s31], [sflag:$0x5], $0x80, s17, s26, $0xb8;
	[tilespmem:$0x1D000] =	vst v63  }
0x167: {  	_ =	swait.ge [sflag:s24], $0x3E80  }
0x168: {  	[sflag:s24] =	ssyncset.done $0x0  }
0x169: {  	s17 =	simm.s32 $0xA80;
	[sflag:s24] =	ssyncadd.s32 $0xFFFFC180  }
0x16a: {  	[tilespmem:s31], [sflag:$0x2] =	stream.indirect.gather [hbm4b:s1+s26], $0x80, s17, s26, $0xb8;
	[tilespmem:$0x1D000] =	vst v63  }
0x16b: {  	_ =	swait.ge [sflag:s0], $0x3E80  }
0x16c: {  	[sflag:s0] =	ssyncset.done $0x0  }
0x16d: {  	s17 =	simm.s32 $0xE00;
	[sflag:s0] =	ssyncadd.s32 $0xFFFFC180  }
0x16e: {  	[spmem:s4] =	stream.indirect.scatter.add.f32 [tilespmem:s23], [sflag:$0x5], $0x80, s17, s26, $0xb8;
	[tilespmem:$0x1D000] =	vst v63  }
0x16f: {  	_ =	swait.ge [sflag:s24], $0x3E80  }
0x170: {  	[sflag:s24] =	ssyncset.done $0x0  }
0x171: {  	s17 =	simm.s32 $0xB00;
	[sflag:s24] =	ssyncadd.s32 $0xFFFFC180  }
0x172: {  	[tilespmem:s23], [sflag:$0x1] =	stream.indirect.gather [hbm4b:s1+s26], $0x80, s17, s26, $0xb8;
	[tilespmem:$0x1D000] =	vst v63  }
0x173: {  	_ =	swait.ge [sflag:s7], $0x3E80  }
0x174: {  	[sflag:s7] =	ssyncset.done $0x0  }
0x175: {  	s17 =	simm.s32 $0xE80;
	[sflag:s7] =	ssyncadd.s32 $0xFFFFC180  }
0x176: {  	[spmem:s4] =	stream.indirect.scatter.add.f32 [tilespmem:s31], [sflag:$0x5], $0x80, s17, s26, $0xb8;
	[tilespmem:$0x1D000] =	vst v63  }
0x177: {  	_ =	swait.ge [sflag:s24], $0x3E80  }
0x178: {  	[sflag:s24] =	ssyncset.done $0x0  }
0x179: {  	s17 =	simm.s32 $0xB80;
	[sflag:s24] =	ssyncadd.s32 $0xFFFFC180  }
0x17a: {  	[tilespmem:s31], [sflag:$0x2] =	stream.indirect.gather [hbm4b:s1+s26], $0x80, s17, s26, $0xb8;
	[tilespmem:$0x1D000] =	vst v63  }
0x17b: {  	_ =	swait.ge [sflag:s0], $0x3E80  }
0x17c: {  	[sflag:s0] =	ssyncset.done $0x0  }
0x17d: {  	s17 =	simm.s32 $0xF00;
	[sflag:s0] =	ssyncadd.s32 $0xFFFFC180  }
0x17e: {  	[spmem:s4] =	stream.indirect.scatter.add.f32 [tilespmem:s23], [sflag:$0x5], $0x80, s17, s26, $0xb8;
	[tilespmem:$0x1D000] =	vst v63  }
0x17f: {  	_ =	swait.ge [sflag:s24], $0x3E80  }
0x180: {  	[sflag:s24] =	ssyncset.done $0x0  }
0x181: {  	[sflag:s24] =	ssyncadd.s32 $0xFFFFC180  }
0x182: {  	_ =	swait.ge [sflag:s16], $0x400  }
0x183: {  	[sflag:s16] =	ssyncset.done $0x0  }
0x184: {  	[sflag:s16] =	ssyncadd.s32 $0xFFFFFC00  }
0x185: {  	_ =	swait.ge [sflag:s16], $0x400  }
0x186: {  	[sflag:s16] =	ssyncset.done $0x0  }
0x187: {  	p0 =	sne.s32 s18, $0x300;
	[sflag:s16] =	ssyncadd.s32 $0xFFFFFC00  }
0x188: {  	[tilespmem:s23], [sflag:$0x1] =	stream.indirect.gather [hbm4b:s1+s26], $0x80, s5, s26, $0xb8;
	[tilespmem:$0x1D000] =	vst v63  }
.Ltmp1:
0x189: {  	_ =	swait.ge [sflag:s7], $0x3E80;
	(pc) =	sbr.rel @p0 .LBB2_4-.Ltmp1, $4  }
0x18a: {  	[sflag:s7] =	ssyncset.done $0x0  }
0x18b: {  	s17 =	simm.s32 $0xF80;
	[sflag:s7] =	ssyncadd.s32 $0xFFFFC180  }
0x18c: {  	[spmem:s4] =	stream.indirect.scatter.add.f32 [tilespmem:s31], [sflag:$0x5], $0x80, s17, s26, $0xb8;
	[tilespmem:$0x1D000] =	vst v63  }
0x18d: {  	s18 =	sadd.s32 $0x100, s18;
	_ =	swait.ge [sflag:s24], $0x3E80  }
0x18e: {  	[sflag:s24] =	ssyncset.done $0x0  }
0x18f: {  	s14 =	rddreg [dreg:$0x14];
	[sflag:s24] =	ssyncadd.s32 $0xFFFFC180  }
0x190: {  	[tilespmem:s28], [sflag:$0x4] =	stream.linear.gather [hbm4b:s14+s5], $0x400, $0x38;
	[tilespmem:$0x1D000] =	vst v63  }
0x191: {  	s19 =	rddreg [dreg:$0x15]  }
0x192: {  	[tilespmem:s29], [sflag:$0x4] =	stream.linear.gather [hbm4b:s19+s5], $0x400, $0x38;
	[tilespmem:$0x1D000] =	vst v63  }
0x193: {  	_ = 	snop  }
0x194: {  	[tilespmem:s31], [sflag:$0x2] =	stream.indirect.gather [hbm4b:s1+s26], $0x80, s2, s26, $0xb8;
	[tilespmem:$0x1D000] =	vst v63  }
0x195: {  	_ =	swait.ge [sflag:s0], $0x3E80  }
0x196: {  	[sflag:s0] =	ssyncset.done $0x0  }
0x197: {  	[sflag:s0] =	ssyncadd.s32 $0xFFFFC180  }
0x198: {  	[spmem:s4] =	stream.indirect.scatter.add.f32 [tilespmem:s23], [sflag:$0x5], $0x80, s25, s26, $0xb8;
	[tilespmem:$0x1D000] =	vst v63  }
0x199: {  	_ =	swait.ge [sflag:s24], $0x3E80  }
0x19a: {  	[sflag:s24] =	ssyncset.done $0x0  }
0x19b: {  	[sflag:s24] =	ssyncadd.s32 $0xFFFFC180  }
0x19c: {  	[tilespmem:s23], [sflag:$0x1] =	stream.indirect.gather [hbm4b:s1+s26], $0x80, s30, s26, $0xb8;
	[tilespmem:$0x1D000] =	vst v63  }
0x19d: {  	_ =	swait.ge [sflag:s7], $0x3E80  }
0x19e: {  	[sflag:s7] =	ssyncset.done $0x0  }
0x19f: {  	[sflag:s7] =	ssyncadd.s32 $0xFFFFC180  }
0x1a0: {  	[spmem:s4] =	stream.indirect.scatter.add.f32 [tilespmem:s31], [sflag:$0x5], $0x80, s3, s26, $0xb8;
	[tilespmem:$0x1D000] =	vst v63  }
0x1a1: {  	_ =	swait.ge [sflag:s24], $0x3E80  }
0x1a2: {  	[sflag:s24] =	ssyncset.done $0x0  }
0x1a3: {  	[sflag:s24] =	ssyncadd.s32 $0xFFFFC180  }
0x1a4: {  	[tilespmem:s31], [sflag:$0x2] =	stream.indirect.gather [hbm4b:s1+s26], $0x80, s8, s26, $0xb8;
	[tilespmem:$0x1D000] =	vst v63  }
0x1a5: {  	_ =	swait.ge [sflag:s0], $0x3E80  }
0x1a6: {  	[sflag:s0] =	ssyncset.done $0x0  }
0x1a7: {  	[sflag:s0] =	ssyncadd.s32 $0xFFFFC180  }
0x1a8: {  	[spmem:s4] =	stream.indirect.scatter.add.f32 [tilespmem:s23], [sflag:$0x5], $0x80, s9, s26, $0xb8;
	[tilespmem:$0x1D000] =	vst v63  }
0x1a9: {  	_ =	swait.ge [sflag:s24], $0x3E80  }
0x1aa: {  	[sflag:s24] =	ssyncset.done $0x0  }
0x1ab: {  	[sflag:s24] =	ssyncadd.s32 $0xFFFFC180  }
0x1ac: {  	[tilespmem:s23], [sflag:$0x1] =	stream.indirect.gather [hbm4b:s1+s26], $0x80, s10, s26, $0xb8;
	[tilespmem:$0x1D000] =	vst v63  }
0x1ad: {  	_ =	swait.ge [sflag:s7], $0x3E80  }
0x1ae: {  	[sflag:s7] =	ssyncset.done $0x0  }
0x1af: {  	[sflag:s7] =	ssyncadd.s32 $0xFFFFC180  }
0x1b0: {  	[spmem:s4] =	stream.indirect.scatter.add.f32 [tilespmem:s31], [sflag:$0x5], $0x80, s11, s26, $0xb8;
	[tilespmem:$0x1D000] =	vst v63  }
0x1b1: {  	_ =	swait.ge [sflag:s24], $0x3E80  }
0x1b2: {  	[sflag:s24] =	ssyncset.done $0x0  }
0x1b3: {  	[sflag:s24] =	ssyncadd.s32 $0xFFFFC180  }
0x1b4: {  	[tilespmem:s31], [sflag:$0x2] =	stream.indirect.gather [hbm4b:s1+s26], $0x80, s12, s26, $0xb8;
	[tilespmem:$0x1D000] =	vst v63  }
0x1b5: {  	_ =	swait.ge [sflag:s0], $0x3E80  }
0x1b6: {  	[sflag:s0] =	ssyncset.done $0x0  }
0x1b7: {  	[sflag:s0] =	ssyncadd.s32 $0xFFFFC180  }
0x1b8: {  	[spmem:s4] =	stream.indirect.scatter.add.f32 [tilespmem:s23], [sflag:$0x5], $0x80, s13, s26, $0xb8;
	[tilespmem:$0x1D000] =	vst v63  }
0x1b9: {  	_ =	swait.ge [sflag:s24], $0x3E80  }
0x1ba: {  	[sflag:s24] =	ssyncset.done $0x0  }
0x1bb: {  	[sflag:s24] =	ssyncadd.s32 $0xFFFFC180  }
0x1bc: {  	[tilespmem:s23], [sflag:$0x1] =	stream.indirect.gather [hbm4b:s1+s26], $0x80, s15, s26, $0xb8;
	[tilespmem:$0x1D000] =	vst v63  }
0x1bd: {  	_ =	swait.ge [sflag:s7], $0x3E80  }
0x1be: {  	[sflag:s7] =	ssyncset.done $0x0  }
0x1bf: {  	s14 =	simm.s32 $0x680;
	[sflag:s7] =	ssyncadd.s32 $0xFFFFC180  }
0x1c0: {  	[spmem:s4] =	stream.indirect.scatter.add.f32 [tilespmem:s31], [sflag:$0x5], $0x80, s14, s26, $0xb8;
	[tilespmem:$0x1D000] =	vst v63  }
0x1c1: {  	_ =	swait.ge [sflag:s24], $0x3E80  }
0x1c2: {  	[sflag:s24] =	ssyncset.done $0x0  }
0x1c3: {  	s15 =	simm.s32 $0x380;
	[sflag:s24] =	ssyncadd.s32 $0xFFFFC180  }
0x1c4: {  	[tilespmem:s31], [sflag:$0x2] =	stream.indirect.gather [hbm4b:s1+s26], $0x80, s15, s26, $0xb8;
	[tilespmem:$0x1D000] =	vst v63  }
0x1c5: {  	_ =	swait.ge [sflag:s0], $0x3E80  }
0x1c6: {  	[sflag:s0] =	ssyncset.done $0x0  }
0x1c7: {  	s17 =	simm.s32 $0x700;
	[sflag:s0] =	ssyncadd.s32 $0xFFFFC180  }
0x1c8: {  	[spmem:s4] =	stream.indirect.scatter.add.f32 [tilespmem:s23], [sflag:$0x5], $0x80, s17, s26, $0xb8;
	[tilespmem:$0x1D000] =	vst v63  }
0x1c9: {  	_ =	swait.ge [sflag:s24], $0x3E80  }
0x1ca: {  	[sflag:s24] =	ssyncset.done $0x0  }
0x1cb: {  	[sflag:s24] =	ssyncadd.s32 $0xFFFFC180  }
0x1cc: {  	_ =	swait.ge [sflag:s20], $0x400  }
0x1cd: {  	[sflag:s20] =	ssyncset.done $0x0  }
0x1ce: {  	[sflag:s20] =	ssyncadd.s32 $0xFFFFFC00  }
0x1cf: {  	_ =	swait.ge [sflag:s20], $0x400  }
0x1d0: {  	[sflag:s20] =	ssyncset.done $0x0  }
0x1d1: {  	[sflag:s20] =	ssyncadd.s32 $0xFFFFFC00  }
0x1d2: {  	[tilespmem:s23], [sflag:$0x1] =	stream.indirect.gather [hbm4b:s1+s26], $0x80, s28, s26, $0xb8;
	[tilespmem:$0x1D000] =	vst v63  }
0x1d3: {  	_ =	swait.ge [sflag:s7], $0x3E80  }
0x1d4: {  	[sflag:s7] =	ssyncset.done $0x0  }
0x1d5: {  	s18 =	simm.s32 $0x780;
	[sflag:s7] =	ssyncadd.s32 $0xFFFFC180  }
0x1d6: {  	[spmem:s4] =	stream.indirect.scatter.add.f32 [tilespmem:s31], [sflag:$0x5], $0x80, s18, s26, $0xb8;
	[tilespmem:$0x1D000] =	vst v63  }
0x1d7: {  	_ =	swait.ge [sflag:s24], $0x3E80  }
0x1d8: {  	[sflag:s24] =	ssyncset.done $0x0  }
0x1d9: {  	s19 =	simm.s32 $0x880;
	[sflag:s24] =	ssyncadd.s32 $0xFFFFC180  }
0x1da: {  	[tilespmem:s31], [sflag:$0x2] =	stream.indirect.gather [hbm4b:s1+s26], $0x80, s19, s26, $0xb8;
	[tilespmem:$0x1D000] =	vst v63  }
0x1db: {  	_ =	swait.ge [sflag:s0], $0x3E80  }
0x1dc: {  	[sflag:s0] =	ssyncset.done $0x0  }
0x1dd: {  	[sflag:s0] =	ssyncadd.s32 $0xFFFFC180  }
0x1de: {  	[spmem:s4] =	stream.indirect.scatter.add.f32 [tilespmem:s23], [sflag:$0x5], $0x80, s29, s26, $0xb8;
	[tilespmem:$0x1D000] =	vst v63  }
0x1df: {  	_ =	swait.ge [sflag:s24], $0x3E80  }
0x1e0: {  	[sflag:s24] =	ssyncset.done $0x0  }
0x1e1: {  	[sflag:s24] =	ssyncadd.s32 $0xFFFFC180  }
0x1e2: {  	[tilespmem:s23], [sflag:$0x1] =	stream.indirect.gather [hbm4b:s1+s26], $0x80, s21, s26, $0xb8;
	[tilespmem:$0x1D000] =	vst v63  }
0x1e3: {  	_ =	swait.ge [sflag:s7], $0x3E80  }
0x1e4: {  	[sflag:s7] =	ssyncset.done $0x0  }
0x1e5: {  	[sflag:s7] =	ssyncadd.s32 $0xFFFFC180  }
0x1e6: {  	[spmem:s4] =	stream.indirect.scatter.add.f32 [tilespmem:s31], [sflag:$0x5], $0x80, s22, s26, $0xb8;
	[tilespmem:$0x1D000] =	vst v63  }
0x1e7: {  	_ =	swait.ge [sflag:s24], $0x3E80  }
0x1e8: {  	[sflag:s24] =	ssyncset.done $0x0  }
0x1e9: {  	s22 =	simm.s32 $0x980;
	[sflag:s24] =	ssyncadd.s32 $0xFFFFC180  }
0x1ea: {  	[tilespmem:s31], [sflag:$0x2] =	stream.indirect.gather [hbm4b:s1+s26], $0x80, s22, s26, $0xb8;
	[tilespmem:$0x1D000] =	vst v63  }
0x1eb: {  	_ =	swait.ge [sflag:s0], $0x3E80  }
0x1ec: {  	[sflag:s0] =	ssyncset.done $0x0  }
0x1ed: {  	s3 =	simm.s32 $0xD00;
	[sflag:s0] =	ssyncadd.s32 $0xFFFFC180  }
0x1ee: {  	[spmem:s4] =	stream.indirect.scatter.add.f32 [tilespmem:s23], [sflag:$0x5], $0x80, s3, s26, $0xb8;
	[tilespmem:$0x1D000] =	vst v63  }
0x1ef: {  	_ =	swait.ge [sflag:s24], $0x3E80  }
0x1f0: {  	[sflag:s24] =	ssyncset.done $0x0  }
0x1f1: {  	s8 =	simm.s32 $0xA00;
	[sflag:s24] =	ssyncadd.s32 $0xFFFFC180  }
0x1f2: {  	[tilespmem:s23], [sflag:$0x1] =	stream.indirect.gather [hbm4b:s1+s26], $0x80, s8, s26, $0xb8;
	[tilespmem:$0x1D000] =	vst v63  }
0x1f3: {  	_ =	swait.ge [sflag:s7], $0x3E80  }
0x1f4: {  	[sflag:s7] =	ssyncset.done $0x0  }
0x1f5: {  	s9 =	simm.s32 $0xD80;
	[sflag:s7] =	ssyncadd.s32 $0xFFFFC180  }
0x1f6: {  	[spmem:s4] =	stream.indirect.scatter.add.f32 [tilespmem:s31], [sflag:$0x5], $0x80, s9, s26, $0xb8;
	[tilespmem:$0x1D000] =	vst v63  }
0x1f7: {  	_ =	swait.ge [sflag:s24], $0x3E80  }
0x1f8: {  	[sflag:s24] =	ssyncset.done $0x0  }
0x1f9: {  	s10 =	simm.s32 $0xA80;
	[sflag:s24] =	ssyncadd.s32 $0xFFFFC180  }
0x1fa: {  	[tilespmem:s31], [sflag:$0x2] =	stream.indirect.gather [hbm4b:s1+s26], $0x80, s10, s26, $0xb8;
	[tilespmem:$0x1D000] =	vst v63  }
0x1fb: {  	_ =	swait.ge [sflag:s0], $0x3E80  }
0x1fc: {  	[sflag:s0] =	ssyncset.done $0x0  }
0x1fd: {  	s11 =	simm.s32 $0xE00;
	[sflag:s0] =	ssyncadd.s32 $0xFFFFC180  }
0x1fe: {  	[spmem:s4] =	stream.indirect.scatter.add.f32 [tilespmem:s23], [sflag:$0x5], $0x80, s11, s26, $0xb8;
	[tilespmem:$0x1D000] =	vst v63  }
0x1ff: {  	_ =	swait.ge [sflag:s24], $0x3E80  }
0x200: {  	[sflag:s24] =	ssyncset.done $0x0  }
0x201: {  	s12 =	simm.s32 $0xB00;
	[sflag:s24] =	ssyncadd.s32 $0xFFFFC180  }
0x202: {  	[tilespmem:s23], [sflag:$0x1] =	stream.indirect.gather [hbm4b:s1+s26], $0x80, s12, s26, $0xb8;
	[tilespmem:$0x1D000] =	vst v63  }
0x203: {  	_ =	swait.ge [sflag:s7], $0x3E80  }
0x204: {  	[sflag:s7] =	ssyncset.done $0x0  }
0x205: {  	s13 =	simm.s32 $0xE80;
	[sflag:s7] =	ssyncadd.s32 $0xFFFFC180  }
0x206: {  	[spmem:s4] =	stream.indirect.scatter.add.f32 [tilespmem:s31], [sflag:$0x5], $0x80, s13, s26, $0xb8;
	[tilespmem:$0x1D000] =	vst v63  }
0x207: {  	_ =	swait.ge [sflag:s24], $0x3E80  }
0x208: {  	[sflag:s24] =	ssyncset.done $0x0  }
0x209: {  	s14 =	simm.s32 $0xB80;
	[sflag:s24] =	ssyncadd.s32 $0xFFFFC180  }
0x20a: {  	[tilespmem:s31], [sflag:$0x2] =	stream.indirect.gather [hbm4b:s1+s26], $0x80, s14, s26, $0xb8;
	[tilespmem:$0x1D000] =	vst v63  }
0x20b: {  	_ =	swait.ge [sflag:s0], $0x3E80  }
0x20c: {  	[sflag:s0] =	ssyncset.done $0x0  }
0x20d: {  	s15 =	simm.s32 $0xF00;
	[sflag:s0] =	ssyncadd.s32 $0xFFFFC180  }
0x20e: {  	[spmem:s4] =	stream.indirect.scatter.add.f32 [tilespmem:s23], [sflag:$0x5], $0x80, s15, s26, $0xb8;
	[tilespmem:$0x1D000] =	vst v63  }
0x20f: {  	_ =	swait.ge [sflag:s24], $0x3E80  }
0x210: {  	[sflag:s24] =	ssyncset.done $0x0  }
0x211: {  	[sflag:s24] =	ssyncadd.s32 $0xFFFFC180  }
0x212: {  	_ =	swait.ge [sflag:s7], $0x3E80  }
0x213: {  	[sflag:s7] =	ssyncset.done $0x0  }
0x214: {  	s17 =	simm.s32 $0xF80;
	[sflag:s7] =	ssyncadd.s32 $0xFFFFC180  }
0x215: {  	[spmem:s4] =	stream.indirect.scatter.add.f32 [tilespmem:s31], [sflag:$0x5], $0x80, s17, s26, $0xb8;
	[tilespmem:$0x1D000] =	vst v63  }
0x216: {  	_ =	swait.ge [sflag:s24], $0x3E80  }
0x217: {  	[sflag:s24] =	ssyncset.done $0x0  }
0x218: {  	[sflag:s24] =	ssyncadd.s32 $0xFFFFC180  }
0x219: {  	s18 =	stileid.u32;
	[bflag:$0x0] =	sbarrier.arrive $0xFFFF  }
0x21a: {  	s14 =	sshll.u32 s18, $0x6;
	s21 =	rddreg [dreg:$0x8]  }
0x21b: {  	s14 =	sor.u32 $0x1C05, s14;
	s19 =	rddreg [dreg:$0x16];
	s18 =	sshrl.u32 s21, $0x3  }
0x21c: {  	[hbm:s19], [sflag:s14] =	dma.local [spmem:s18], $0x2800  }
0x21d: {  	_ =	swait.ge [sflag:s24], $0x2800  }
0x21e: {  	s19 =	rddreg [dreg:$0x19]  }
0x21f: {  	s22 =	rddreg [dreg:$0x17];
	s18 =	sadd.s32 $0x1, s19  }
0x220: {  	s2 =	simm.s32 $0x80;
	p0 =	sne.s32 s18, s22  }
.Ltmp2:
0x221: {  	s30 =	simm.s32 $0x380;
	s3 =	simm.s32 $0x480;
	(pc) =	sbr.rel @p0 .LBB2_1-.Ltmp2, $4  }
0x222: {  	s8 =	simm.s32 $0x180;
	s9 =	simm.s32 $0x500;
	s10 =	simm.s32 $0x200  }
0x223: {  	s11 =	simm.s32 $0x580;
	s12 =	simm.s32 $0x280;
	s13 =	simm.s32 $0x600  }
0x224: {  	s15 =	simm.s32 $0x300;
	s17 =	simm.s32 $0x680;
	[sflag:s24] =	ssyncset.done $0x0  }
0x225: {  	s14 =	smov.u32 s6;
	[sflag:s24] =	ssyncadd.s32 $0xFFFFD800;
	s22 =	simm.s32 $0x100  }
0x226: {  	_ =	sfence.sel $0x180000  }
0x227: {  	[bflag:$0x0] =	sbarrier.arrive $0xFFFF  }
0x228: {  	_ =	strace $0x90000047  }
0x229: {  	s0 =	stileid.u32;
	[bflag:$0x2] =	sbarrier.arrive $0xFFFF  }
0x22a: {  	p0 =	sne.s32 s0, $0x0;
	s0 =	rddreg [dreg:$0x4]  }
0x22b: {  	s0 =	sadd.s32 @!p0 $0x100000, s0  }
0x22c: {  	[sflag:s0] =	ssyncadd.tile.s32 @!p0 $0x1;
	_ =	shalt  }
.Lfunc_end2:
_tile_overlayer_lowered:
.L_overlay_start_2:
0x22d: {  	(tag) =	ssettag $0x2  }
0x22e: {  	s0 =	rddreg [dreg:$0x0];
	s2 =	stileid.u32  }
0x22f: {  	s1 =	rddreg [dreg:$0x1];
	p0 =	sne.s32 s2, $0x0  }
0x230: {  	s3 =	rddreg [dreg:$0x2];
	[bflag:$0x3] =	sbarrier.arrive $0xFFFF;
	s2 =	simm.s32 @!p0 $0x1C05  }
0x231: {  	[timem:s3], [sflag:s2] =	dma.local @!p0 [hbm:s0], s1  }
0x232: {  	s0 =	simm.s32 @!p0 $0x5  }
0x233: {  	_ =	swait.ge @!p0 [sflag:s0], s1  }
0x234: {  	s1 =	ssub.s32 @!p0 $0x0, s1;
	[sflag:s0] =	ssyncset.done @!p0 $0x0  }
0x235: {  	[sflag:s0] =	ssyncadd.s32 @!p0 s1  }
0x236: {  	[bflag:$0x3] =	sbarrier.arrive $0xFFFF  }
0x237: {  	_ =	shalt  }

</sc_bundles>
